<compile_context>
chip_gen: v7x
topology: tpu7x:2x2x1
jax: 0.10.2.dev20260603
libtpu: 0.0.44.dev20260713+nightly
codegen_flags: <defaults>
</compile_context>

<pallas_src>
import functools

import jax
import jax.numpy as jnp
import numpy as np
from jax import lax
from jax.experimental import pallas as pl
from jax.experimental.pallas import tpu as pltpu
from jax.experimental.pallas import tpu_sc as plsc

B, S, D, E, K = 4, 4096, 4096, 64, 8
SCALE = 1.0 / np.sqrt(D)
N_TOKENS = B * S

ROW_BLOCK = 1024
L = 16
CHUNK = 128


def _bf16_dot(a, b):
    return jax.lax.dot_general(
        a, b,
        dimension_numbers=(((1,), (0,)), ((), ())),
        preferred_element_type=jnp.float32,
    )


def _logits_block_kernel(x_ref, wh_ref, out_ref):
    xh = x_ref[...].astype(jnp.bfloat16)
    out_ref[...] = _bf16_dot(xh, wh_ref[...]) * SCALE


def _tc_logits(x_flat, wh):
    n_rows = x_flat.shape[0]
    grid = (n_rows // ROW_BLOCK,)
    return pl.pallas_call(
        _logits_block_kernel,
        grid=grid,
        in_specs=[
            pl.BlockSpec((ROW_BLOCK, D), lambda i: (i, 0)),
            pl.BlockSpec((D, E), lambda i: (0, 0)),
        ],
        out_specs=pl.BlockSpec((ROW_BLOCK, E), lambda i: (i, 0)),
        out_shape=jax.ShapeDtypeStruct((n_rows, E), jnp.float32),
    )(x_flat, wh)


def _make_sc_router(n_tokens):
    nc, ns = 2, 16
    nw = nc * ns
    tok_per_w = n_tokens // nw
    mesh = plsc.VectorSubcoreMesh(
        core_axis_name="c", subcore_axis_name="s",
        num_cores=nc, num_subcores=ns)

    @functools.partial(
        pl.kernel, mesh=mesh,
        compiler_params=pltpu.CompilerParams(needs_layout_passes=False),
        out_type=jax.ShapeDtypeStruct((n_tokens, L), jnp.float32),
        scratch_types=[
            pltpu.VMEM((CHUNK, E), jnp.float32),
            pltpu.VMEM((CHUNK, L), jnp.float32),
            pltpu.VMEM((E,), jnp.float32),
        ],
    )
    def sc_router(logits_hbm, bias_hbm, out_hbm, logits_v, out_v, bias_v):
        wid = lax.axis_index("s") * nc + lax.axis_index("c")
        base = wid * tok_per_w
        pltpu.sync_copy(bias_hbm, bias_v)

        lane = lax.iota(jnp.int32, L)
        low8 = lane < 8
        dup8 = jnp.where(low8, lane, lane - 8)
        neg_inf = jnp.float32(-jnp.inf)

        bias_parts = []
        for j in range(E // L):
            bias_parts.append(bias_v[pl.ds(j * L, L)])

        def gather16(v, idx):
            return lax.gather(
                v, idx.reshape(L, 1),
                lax.GatherDimensionNumbers(
                    offset_dims=(), collapsed_slice_dims=(0,),
                    start_index_map=(0,)),
                (1,), mode=lax.GatherScatterMode.PROMISE_IN_BOUNDS)

        def merge8(ak, av, bk, bv):
            ck = jnp.where(low8, ak, gather16(bk, dup8))
            cv = jnp.where(low8, av, gather16(bv, dup8))
            return plsc.sort_key_val(ck, cv, descending=True)

        def body(t, _):
            sk, sv = [], []
            for j in range(E // L):
                v = logits_v[t, pl.ds(j * L, L)] + bias_parts[j]
                idx = lane + (j * L)
                k_, v_ = plsc.sort_key_val(v, idx, descending=True)
                sk.append(k_)
                sv.append(v_)
            k01, v01 = merge8(sk[0], sv[0], sk[1], sv[1])
            k23, v23 = merge8(sk[2], sv[2], sk[3], sv[3])
            kf, vf = merge8(k01, v01, k23, v23)
            em = jnp.bitwise_and(vf, L - 1)
            g0 = gather16(bias_parts[0], em)
            g1 = gather16(bias_parts[1], em)
            g2 = gather16(bias_parts[2], em)
            g3 = gather16(bias_parts[3], em)
            bsel = jnp.where(vf < 16, g0,
                             jnp.where(vf < 32, g1,
                                       jnp.where(vf < 48, g2, g3)))
            orig = kf - bsel
            masked = jnp.where(low8, orig, neg_inf)
            mx = lax.reduce_max(masked, (0,))
            e = jnp.where(low8, jnp.exp(orig - mx), 0.0)
            ssum = lax.reduce_sum(e, (0,))
            w = e / ssum
            packed = jnp.where(
                low8, w,
                gather16(plsc.bitcast(vf, jnp.float32), dup8))
            out_v[t, :] = packed
            return ()

        for c in range(tok_per_w // CHUNK):
            off = base + c * CHUNK
            pltpu.sync_copy(logits_hbm.at[pl.ds(off, CHUNK), :], logits_v)
            lax.fori_loop(0, CHUNK, body, ())
            pltpu.sync_copy(out_v, out_hbm.at[pl.ds(off, CHUNK), :])

    return sc_router


_SC_ROUTERS = {}


def _sc_router(n_tokens):
    if n_tokens not in _SC_ROUTERS:
        _SC_ROUTERS[n_tokens] = _make_sc_router(n_tokens)
    return _SC_ROUTERS[n_tokens]


N_OVERLAP_CHUNKS = 4


@jax.jit
def kernel(x, W, routing_bias):
    x_flat = x.reshape(N_TOKENS, D)
    wt_hi = W.T.astype(jnp.bfloat16)

    tok_chunk = N_TOKENS // N_OVERLAP_CHUNKS
    packs = []
    for c in range(N_OVERLAP_CHUNKS):
        xs = jax.lax.slice_in_dim(x_flat, c * tok_chunk, (c + 1) * tok_chunk)
        logits = _tc_logits(xs, wt_hi)
        packs.append(_sc_router(tok_chunk)(logits, routing_bias))
    packed = jnp.concatenate(packs, axis=0)
    weights = packed[:, :K]
    indices = jax.lax.bitcast_convert_type(packed[:, K:], jnp.int32)
    return (weights.reshape(B, S, K), indices.reshape(B, S, K))

# --- scband reference (transcript-rebuilt; emitter-appended) ---
"""Pipeline reference for scband-router-34711925686735 (READ-ONLY COPY).

The authoritative reference and input builder live on the scoring server;
editing this copy changes nothing except your own understanding.
"""

import jax, jax.numpy as jnp
import numpy as np

B, S, D, E, K = 4, 4096, 4096, 64, 8


def setup_inputs(seed: int = 0) -> dict:
    key = jax.random.key(seed)
    k1, k2 = jax.random.split(key)
    x = jax.random.normal(k1, (B, S, D), dtype=jnp.float32)
    # nn.Linear(D, E, bias=False) weight: [E, D], default kaiming-uniform-ish init
    bound = 1.0 / np.sqrt(D)
    W = jax.random.uniform(k2, (E, D), dtype=jnp.float32, minval=-bound, maxval=bound)
    routing_bias = jnp.zeros((E,), dtype=jnp.float32)
    return {"x": x, "W": W, "routing_bias": routing_bias}


def reference(x, W, routing_bias):
    scale = 1.0 / np.sqrt(D)
    batch_size, seq_len, hidden_dim = x.shape
    x_flat = x.reshape(-1, hidden_dim)
    routing_logits = (x_flat @ W.T) * scale
    original_logits = routing_logits
    biased_logits = routing_logits + routing_bias
    _, indices = jax.lax.top_k(biased_logits, K)
    # mask = zeros.scatter_(-1, indices, 1.0)
    onehot = jax.nn.one_hot(indices, E, dtype=original_logits.dtype).sum(axis=-2)
    masked_logits = jnp.where(onehot > 0, original_logits, -jnp.inf)
    weights = jax.nn.softmax(masked_logits, axis=-1)
    weights = jnp.take_along_axis(weights, indices, axis=-1)
    weights = weights.reshape(batch_size, seq_len, K)
    indices = indices.reshape(batch_size, seq_len, K)
    return (weights, indices)

if __name__ == "__main__":
    import jax
    _d = setup_inputs()
    print(jax.jit(kernel)(*tuple(_d.values())))

</pallas_src>

<mosaic_0001>
#map = affine_map<(d0, d1) -> (0, 0)>
#map1 = affine_map<(d0, d1) -> (0)>
module attributes {stable_mosaic.version = 14 : i64} {
  func.func @sc_router(%arg0: i32, %arg1: i32, %arg2: memref<4096x64xf32, #tpu.memory_space<hbm>>, %arg3: memref<64xf32, #tpu.memory_space<hbm>>, %arg4: memref<4096x16xf32, #tpu.memory_space<hbm>>, %arg5: memref<128x64xf32, #tpu.memory_space<vmem>>, %arg6: memref<128x16xf32, #tpu.memory_space<vmem>>, %arg7: memref<64xf32, #tpu.memory_space<vmem>>) attributes {dimension_semantics = [#tpu.dimension_semantics<core_parallel>, #tpu.dimension_semantics<subcore_parallel>], iteration_bounds = array<i64: 2, 16>, scalar_prefetch = 0 : i64, scratch_operands = 3 : i64, tpu.core_type = #tpu.core_type<sc_vector_subcore>, window_params = [{transform_indices = #map}, {transform_indices = #map1}, {transform_indices = #map}]} {
    %mul3A = arith.constant 2 : i32
    %mul3A_0 = arith.muli %arg1, %mul3A : i32
    %add3A = arith.addi %mul3A_0, %arg0 : i32
    %mul3A_1 = arith.constant 128 : i32
    %mul3A_2 = arith.muli %add3A, %mul3A_1 : i32
    "tpu.region"() ({
      %run_scoped3A = tpu.sem_alloc : memref<!tpu.dma_semaphore, #tpu.memory_space<semaphore_mem>>
      tpu.enqueue_dma source(%arg3 : memref<64xf32, #tpu.memory_space<hbm>>) target(%arg7 : memref<64xf32, #tpu.memory_space<vmem>>) target_semaphore(%run_scoped3A : memref<!tpu.dma_semaphore, #tpu.memory_space<semaphore_mem>>)
      tpu.wait_dma2 semaphore(%run_scoped3A : memref<!tpu.dma_semaphore, #tpu.memory_space<semaphore_mem>>) src(%arg3 : memref<64xf32, #tpu.memory_space<hbm>>) dst(%arg7 : memref<64xf32, #tpu.memory_space<vmem>>)
      tpu.yield
    }) : () -> ()
    %iota3A = tpu.iota {dimensions = array<i32: 0>} : vector<16xi32>
    %lt3A = arith.constant 8 : i32
    %lt3A_3 = vector.broadcast %lt3A : i32 to vector<16xi32>
    %lt3A_4 = arith.cmpi slt, %iota3A, %lt3A_3 : vector<16xi32>
    %sub3A = arith.constant 8 : i32
    %sub3A_5 = vector.broadcast %sub3A : i32 to vector<16xi32>
    %sub3A_6 = arith.subi %iota3A, %sub3A_5 : vector<16xi32>
    %select_n3A = arith.select %lt3A_4, %iota3A, %sub3A_6 : vector<16xi1>, vector<16xi32>
    %get3A = arith.constant 0 : index
    %get3A_7 = tpu.vector_load %arg7[%get3A] {strides = array<i32>} : memref<64xf32, #tpu.memory_space<vmem>>, vector<16xf32>,
    %get3A_8 = arith.constant 16 : index
    %get3A_9 = tpu.vector_load %arg7[%get3A_8] {strides = array<i32>} : memref<64xf32, #tpu.memory_space<vmem>>, vector<16xf32>,
    %get3A_10 = arith.constant 32 : index
    %get3A_11 = tpu.vector_load %arg7[%get3A_10] {strides = array<i32>} : memref<64xf32, #tpu.memory_space<vmem>>, vector<16xf32>,
    %get3A_12 = arith.constant 48 : index
    %get3A_13 = tpu.vector_load %arg7[%get3A_12] {strides = array<i32>} : memref<64xf32, #tpu.memory_space<vmem>>, vector<16xf32>,
    %add3A_14 = arith.constant 0 : i32
    %add3A_15 = arith.addi %mul3A_2, %add3A_14 : i32
    "tpu.region"() ({
      %run_scoped3A = tpu.sem_alloc : memref<!tpu.dma_semaphore, #tpu.memory_space<semaphore_mem>>
      %dma_start3A = arith.constant 0 : i32
      %dma_start3A_21 = tpu.memref_slice %arg2[%add3A_15, %dma_start3A] : memref<4096x64xf32, #tpu.memory_space<hbm>> -> memref<128x64xf32, #tpu.memory_space<hbm>>
      %dma_start3A_22 = arith.constant 0 : i32
      %dma_start3A_23 = tpu.memref_slice %arg2[%add3A_15, %dma_start3A_22] : memref<4096x64xf32, #tpu.memory_space<hbm>> -> memref<128x64xf32, #tpu.memory_space<hbm>>
      tpu.enqueue_dma source(%dma_start3A_23 : memref<128x64xf32, #tpu.memory_space<hbm>>) target(%arg5 : memref<128x64xf32, #tpu.memory_space<vmem>>) target_semaphore(%run_scoped3A : memref<!tpu.dma_semaphore, #tpu.memory_space<semaphore_mem>>)
      %dma_wait3A = arith.constant 0 : i32
      %dma_wait3A_24 = tpu.memref_slice %arg2[%add3A_15, %dma_wait3A] : memref<4096x64xf32, #tpu.memory_space<hbm>> -> memref<128x64xf32, #tpu.memory_space<hbm>>
      %dma_wait3A_25 = arith.constant 0 : i32
      %dma_wait3A_26 = tpu.memref_slice %arg2[%add3A_15, %dma_wait3A_25] : memref<4096x64xf32, #tpu.memory_space<hbm>> -> memref<128x64xf32, #tpu.memory_space<hbm>>
      tpu.wait_dma2 semaphore(%run_scoped3A : memref<!tpu.dma_semaphore, #tpu.memory_space<semaphore_mem>>) src(%dma_wait3A_26 : memref<128x64xf32, #tpu.memory_space<hbm>>) dst(%arg5 : memref<128x64xf32, #tpu.memory_space<vmem>>)
      tpu.yield
    }) : () -> ()
    %scan3A = arith.constant 0xFF800000 : f32
    %scan3A_16 = arith.constant 0 : i32
    %scan3A_17 = arith.constant 128 : i32
    %scan3A_18 = arith.addi %scan3A_16, %scan3A_17 : i32
    %scan3A_19 = arith.constant 1 : i32
    scf.for %scan3A_21 = %scan3A_16 to %scan3A_18 step %scan3A_19  : i32 {
      %get3A_22 = arith.index_cast %scan3A_21 : i32 to index
      %get3A_23 = arith.constant 0 : index
      %get3A_24 = tpu.vector_load %arg5[%get3A_22, %get3A_23] {strides = array<i32>} : memref<128x64xf32, #tpu.memory_space<vmem>>, vector<16xf32>,
      %add3A_25 = arith.addf %get3A_24, %get3A_7 : vector<16xf32>
      %add3A_26 = arith.constant 0 : i32
      %add3A_27 = vector.broadcast %add3A_26 : i32 to vector<16xi32>
      %add3A_28 = arith.addi %iota3A, %add3A_27 : vector<16xi32>
      %masked_sort3A = arith.constant dense<true> : vector<16xi1>
      %masked_sort3A_29, %masked_sort3A_30, %masked_sort3A_31 = tpu.sort %add3A_25, %add3A_28 masked %masked_sort3A {descending = true} : (vector<16xf32>, vector<16xi32>, vector<16xi1>) -> (vector<16xi1>, vector<16xf32>, vector<16xi32>)
      %get3A_32 = arith.index_cast %scan3A_21 : i32 to index
      %get3A_33 = arith.constant 16 : index
      %get3A_34 = tpu.vector_load %arg5[%get3A_32, %get3A_33] {strides = array<i32>} : memref<128x64xf32, #tpu.memory_space<vmem>>, vector<16xf32>,
      %add3A_35 = arith.addf %get3A_34, %get3A_9 : vector<16xf32>
      %add3A_36 = arith.constant 16 : i32
      %add3A_37 = vector.broadcast %add3A_36 : i32 to vector<16xi32>
      %add3A_38 = arith.addi %iota3A, %add3A_37 : vector<16xi32>
      %masked_sort3A_39 = arith.constant dense<true> : vector<16xi1>
      %masked_sort3A_40, %masked_sort3A_41, %masked_sort3A_42 = tpu.sort %add3A_35, %add3A_38 masked %masked_sort3A_39 {descending = true} : (vector<16xf32>, vector<16xi32>, vector<16xi1>) -> (vector<16xi1>, vector<16xf32>, vector<16xi32>)
      %get3A_43 = arith.index_cast %scan3A_21 : i32 to index
      %get3A_44 = arith.constant 32 : index
      %get3A_45 = tpu.vector_load %arg5[%get3A_43, %get3A_44] {strides = array<i32>} : memref<128x64xf32, #tpu.memory_space<vmem>>, vector<16xf32>,
      %add3A_46 = arith.addf %get3A_45, %get3A_11 : vector<16xf32>
      %add3A_47 = arith.constant 32 : i32
      %add3A_48 = vector.broadcast %add3A_47 : i32 to vector<16xi32>
      %add3A_49 = arith.addi %iota3A, %add3A_48 : vector<16xi32>
      %masked_sort3A_50 = arith.constant dense<true> : vector<16xi1>
      %masked_sort3A_51, %masked_sort3A_52, %masked_sort3A_53 = tpu.sort %add3A_46, %add3A_49 masked %masked_sort3A_50 {descending = true} : (vector<16xf32>, vector<16xi32>, vector<16xi1>) -> (vector<16xi1>, vector<16xf32>, vector<16xi32>)
      %get3A_54 = arith.index_cast %scan3A_21 : i32 to index
      %get3A_55 = arith.constant 48 : index
      %get3A_56 = tpu.vector_load %arg5[%get3A_54, %get3A_55] {strides = array<i32>} : memref<128x64xf32, #tpu.memory_space<vmem>>, vector<16xf32>,
      %add3A_57 = arith.addf %get3A_56, %get3A_13 : vector<16xf32>
      %add3A_58 = arith.constant 48 : i32
      %add3A_59 = vector.broadcast %add3A_58 : i32 to vector<16xi32>
      %add3A_60 = arith.addi %iota3A, %add3A_59 : vector<16xi32>
      %masked_sort3A_61 = arith.constant dense<true> : vector<16xi1>
      %masked_sort3A_62, %masked_sort3A_63, %masked_sort3A_64 = tpu.sort %add3A_57, %add3A_60 masked %masked_sort3A_61 {descending = true} : (vector<16xf32>, vector<16xi32>, vector<16xi1>) -> (vector<16xi1>, vector<16xf32>, vector<16xi32>)
      %reshape3A = vector.shape_cast %select_n3A : vector<16xi32> to vector<16x1xi32>
      %gather3A = vector.shape_cast %reshape3A : vector<16x1xi32> to vector<16xi32>
      %gather3A_65 = tpu.dynamic_gather %masked_sort3A_41[%gather3A] in [0] : vector<16xf32>, vector<16xi32> -> vector<16xf32>
      %select_n3A_66 = arith.select %lt3A_4, %masked_sort3A_30, %gather3A_65 : vector<16xi1>, vector<16xf32>
      %reshape3A_67 = vector.shape_cast %select_n3A : vector<16xi32> to vector<16x1xi32>
      %gather3A_68 = vector.shape_cast %reshape3A_67 : vector<16x1xi32> to vector<16xi32>
      %gather3A_69 = tpu.dynamic_gather %masked_sort3A_42[%gather3A_68] in [0] : vector<16xi32>, vector<16xi32> -> vector<16xi32>
      %select_n3A_70 = arith.select %lt3A_4, %masked_sort3A_31, %gather3A_69 : vector<16xi1>, vector<16xi32>
      %masked_sort3A_71 = arith.constant dense<true> : vector<16xi1>
      %masked_sort3A_72, %masked_sort3A_73, %masked_sort3A_74 = tpu.sort %select_n3A_66, %select_n3A_70 masked %masked_sort3A_71 {descending = true} : (vector<16xf32>, vector<16xi32>, vector<16xi1>) -> (vector<16xi1>, vector<16xf32>, vector<16xi32>)
      %reshape3A_75 = vector.shape_cast %select_n3A : vector<16xi32> to vector<16x1xi32>
      %gather3A_76 = vector.shape_cast %reshape3A_75 : vector<16x1xi32> to vector<16xi32>
      %gather3A_77 = tpu.dynamic_gather %masked_sort3A_63[%gather3A_76] in [0] : vector<16xf32>, vector<16xi32> -> vector<16xf32>
      %select_n3A_78 = arith.select %lt3A_4, %masked_sort3A_52, %gather3A_77 : vector<16xi1>, vector<16xf32>
      %reshape3A_79 = vector.shape_cast %select_n3A : vector<16xi32> to vector<16x1xi32>
      %gather3A_80 = vector.shape_cast %reshape3A_79 : vector<16x1xi32> to vector<16xi32>
      %gather3A_81 = tpu.dynamic_gather %masked_sort3A_64[%gather3A_80] in [0] : vector<16xi32>, vector<16xi32> -> vector<16xi32>
      %select_n3A_82 = arith.select %lt3A_4, %masked_sort3A_53, %gather3A_81 : vector<16xi1>, vector<16xi32>
      %masked_sort3A_83 = arith.constant dense<true> : vector<16xi1>
      %masked_sort3A_84, %masked_sort3A_85, %masked_sort3A_86 = tpu.sort %select_n3A_78, %select_n3A_82 masked %masked_sort3A_83 {descending = true} : (vector<16xf32>, vector<16xi32>, vector<16xi1>) -> (vector<16xi1>, vector<16xf32>, vector<16xi32>)
      %reshape3A_87 = vector.shape_cast %select_n3A : vector<16xi32> to vector<16x1xi32>
      %gather3A_88 = vector.shape_cast %reshape3A_87 : vector<16x1xi32> to vector<16xi32>
      %gather3A_89 = tpu.dynamic_gather %masked_sort3A_85[%gather3A_88] in [0] : vector<16xf32>, vector<16xi32> -> vector<16xf32>
      %select_n3A_90 = arith.select %lt3A_4, %masked_sort3A_73, %gather3A_89 : vector<16xi1>, vector<16xf32>
      %reshape3A_91 = vector.shape_cast %select_n3A : vector<16xi32> to vector<16x1xi32>
      %gather3A_92 = vector.shape_cast %reshape3A_91 : vector<16x1xi32> to vector<16xi32>
      %gather3A_93 = tpu.dynamic_gather %masked_sort3A_86[%gather3A_92] in [0] : vector<16xi32>, vector<16xi32> -> vector<16xi32>
      %select_n3A_94 = arith.select %lt3A_4, %masked_sort3A_74, %gather3A_93 : vector<16xi1>, vector<16xi32>
      %masked_sort3A_95 = arith.constant dense<true> : vector<16xi1>
      %masked_sort3A_96, %masked_sort3A_97, %masked_sort3A_98 = tpu.sort %select_n3A_90, %select_n3A_94 masked %masked_sort3A_95 {descending = true} : (vector<16xf32>, vector<16xi32>, vector<16xi1>) -> (vector<16xi1>, vector<16xf32>, vector<16xi32>)
      %and3A = arith.constant 15 : i32
      %and3A_99 = vector.broadcast %and3A : i32 to vector<16xi32>
      %and3A_100 = arith.andi %masked_sort3A_98, %and3A_99 : vector<16xi32>
      %reshape3A_101 = vector.shape_cast %and3A_100 : vector<16xi32> to vector<16x1xi32>
      %gather3A_102 = vector.shape_cast %reshape3A_101 : vector<16x1xi32> to vector<16xi32>
      %gather3A_103 = tpu.dynamic_gather %get3A_7[%gather3A_102] in [0] : vector<16xf32>, vector<16xi32> -> vector<16xf32>
      %reshape3A_104 = vector.shape_cast %and3A_100 : vector<16xi32> to vector<16x1xi32>
      %gather3A_105 = vector.shape_cast %reshape3A_104 : vector<16x1xi32> to vector<16xi32>
      %gather3A_106 = tpu.dynamic_gather %get3A_9[%gather3A_105] in [0] : vector<16xf32>, vector<16xi32> -> vector<16xf32>
      %reshape3A_107 = vector.shape_cast %and3A_100 : vector<16xi32> to vector<16x1xi32>
      %gather3A_108 = vector.shape_cast %reshape3A_107 : vector<16x1xi32> to vector<16xi32>
      %gather3A_109 = tpu.dynamic_gather %get3A_11[%gather3A_108] in [0] : vector<16xf32>, vector<16xi32> -> vector<16xf32>
      %reshape3A_110 = vector.shape_cast %and3A_100 : vector<16xi32> to vector<16x1xi32>
      %gather3A_111 = vector.shape_cast %reshape3A_110 : vector<16x1xi32> to vector<16xi32>
      %gather3A_112 = tpu.dynamic_gather %get3A_13[%gather3A_111] in [0] : vector<16xf32>, vector<16xi32> -> vector<16xf32>
      %lt3A_113 = arith.constant 16 : i32
      %lt3A_114 = vector.broadcast %lt3A_113 : i32 to vector<16xi32>
      %lt3A_115 = arith.cmpi slt, %masked_sort3A_98, %lt3A_114 : vector<16xi32>
      %lt3A_116 = arith.constant 32 : i32
      %lt3A_117 = vector.broadcast %lt3A_116 : i32 to vector<16xi32>
      %lt3A_118 = arith.cmpi slt, %masked_sort3A_98, %lt3A_117 : vector<16xi32>
      %lt3A_119 = arith.constant 48 : i32
      %lt3A_120 = vector.broadcast %lt3A_119 : i32 to vector<16xi32>
      %lt3A_121 = arith.cmpi slt, %masked_sort3A_98, %lt3A_120 : vector<16xi32>
      %select_n3A_122 = arith.select %lt3A_121, %gather3A_109, %gather3A_112 : vector<16xi1>, vector<16xf32>
      %select_n3A_123 = arith.select %lt3A_118, %gather3A_106, %select_n3A_122 : vector<16xi1>, vector<16xf32>
      %select_n3A_124 = arith.select %lt3A_115, %gather3A_103, %select_n3A_123 : vector<16xi1>, vector<16xf32>
      %sub3A_125 = arith.subf %masked_sort3A_97, %select_n3A_124 : vector<16xf32>
      %broadcast_in_dim3A = vector.broadcast %scan3A : f32 to vector<16xf32>
      %select_n3A_126 = arith.select %lt3A_4, %sub3A_125, %broadcast_in_dim3A : vector<16xi1>, vector<16xf32>
      %reduce_max3A = arith.constant true
      %reduce_max3A_127 = vector.broadcast %reduce_max3A : i1 to vector<16xi1>
      %reduce_max3A_128 = tpu.scan <max>, %select_n3A_126 masked %reduce_max3A_127 : vector<16xf32>, vector<16xi1> -> vector<16xf32>
      %reduce_max3A_129 = vector.extract %reduce_max3A_128[15] : f32 from vector<16xf32>
      %sub3A_130 = vector.broadcast %reduce_max3A_129 : f32 to vector<16xf32>
      %sub3A_131 = arith.subf %sub3A_125, %sub3A_130 : vector<16xf32>
      %exp3A = math.exp %sub3A_131 : vector<16xf32>
      %jit3A = arith.constant 0.000000e+00 : f32
      %broadcast_in_dim3A_132 = vector.broadcast %jit3A : f32 to vector<16xf32>
      %select_n3A_133 = arith.select %lt3A_4, %exp3A, %broadcast_in_dim3A_132 : vector<16xi1>, vector<16xf32>
      %reduce_sum3A = arith.constant true
      %reduce_sum3A_134 = vector.broadcast %reduce_sum3A : i1 to vector<16xi1>
      %reduce_sum3A_135 = tpu.scan <sum>, %select_n3A_133 masked %reduce_sum3A_134 : vector<16xf32>, vector<16xi1> -> vector<16xf32>
      %reduce_sum3A_136 = vector.extract %reduce_sum3A_135[15] : f32 from vector<16xf32>
      %div3A = vector.broadcast %reduce_sum3A_136 : f32 to vector<16xf32>
      %div3A_137 = arith.divf %select_n3A_133, %div3A : vector<16xf32>
      %bitcast3A = vector.bitcast %masked_sort3A_98 : vector<16xi32> to vector<16xf32>
      %reshape3A_138 = vector.shape_cast %select_n3A : vector<16xi32> to vector<16x1xi32>
      %gather3A_139 = vector.shape_cast %reshape3A_138 : vector<16x1xi32> to vector<16xi32>
      %gather3A_140 = tpu.dynamic_gather %bitcast3A[%gather3A_139] in [0] : vector<16xf32>, vector<16xi32> -> vector<16xf32>
      %select_n3A_141 = arith.select %lt3A_4, %div3A_137, %gather3A_140 : vector<16xi1>, vector<16xf32>
      %swap3A = arith.index_cast %scan3A_21 : i32 to index
      %swap3A_142 = arith.constant 0 : index
      %swap3A_143 = tpu.vector_load %arg6[%swap3A, %swap3A_142] {strides = array<i32>} : memref<128x16xf32, #tpu.memory_space<vmem>>, vector<16xf32>,
      tpu.vector_store %arg6[%swap3A, %swap3A_142], %select_n3A_141 {strides = array<i32>} : memref<128x16xf32, #tpu.memory_space<vmem>>, vector<16xf32>,
    }
    %scan3A_20 = arith.constant 128 : i32
    "tpu.region"() ({
      %run_scoped3A = tpu.sem_alloc : memref<!tpu.dma_semaphore, #tpu.memory_space<semaphore_mem>>
      %dma_start3A = arith.constant 0 : i32
      %dma_start3A_21 = tpu.memref_slice %arg4[%add3A_15, %dma_start3A] : memref<4096x16xf32, #tpu.memory_space<hbm>> -> memref<128x16xf32, #tpu.memory_space<hbm>>
      %dma_start3A_22 = arith.constant 0 : i32
      %dma_start3A_23 = tpu.memref_slice %arg4[%add3A_15, %dma_start3A_22] : memref<4096x16xf32, #tpu.memory_space<hbm>> -> memref<128x16xf32, #tpu.memory_space<hbm>>
      tpu.enqueue_dma source(%arg6 : memref<128x16xf32, #tpu.memory_space<vmem>>) target(%dma_start3A_23 : memref<128x16xf32, #tpu.memory_space<hbm>>) target_semaphore(%run_scoped3A : memref<!tpu.dma_semaphore, #tpu.memory_space<semaphore_mem>>)
      %dma_wait3A = arith.constant 0 : i32
      %dma_wait3A_24 = tpu.memref_slice %arg4[%add3A_15, %dma_wait3A] : memref<4096x16xf32, #tpu.memory_space<hbm>> -> memref<128x16xf32, #tpu.memory_space<hbm>>
      %dma_wait3A_25 = arith.constant 0 : i32
      %dma_wait3A_26 = tpu.memref_slice %arg4[%add3A_15, %dma_wait3A_25] : memref<4096x16xf32, #tpu.memory_space<hbm>> -> memref<128x16xf32, #tpu.memory_space<hbm>>
      tpu.wait_dma2 semaphore(%run_scoped3A : memref<!tpu.dma_semaphore, #tpu.memory_space<semaphore_mem>>) src(%arg6 : memref<128x16xf32, #tpu.memory_space<vmem>>) dst(%dma_wait3A_26 : memref<128x16xf32, #tpu.memory_space<hbm>>)
      tpu.yield
    }) : () -> ()
    return
  }
}

#map = affine_map<(d0, d1) -> (0, 0)>
#map1 = affine_map<(d0, d1) -> (0)>
module attributes {stable_mosaic.version = 14 : i64} {
  func.func @sc_router(%arg0: i32, %arg1: i32, %arg2: memref<4096x64xf32, #tpu.memory_space<hbm>>, %arg3: memref<64xf32, #tpu.memory_space<hbm>>, %arg4: memref<4096x16xf32, #tpu.memory_space<hbm>>, %arg5: memref<128x64xf32, #tpu.memory_space<vmem>>, %arg6: memref<128x16xf32, #tpu.memory_space<vmem>>, %arg7: memref<64xf32, #tpu.memory_space<vmem>>) attributes {dimension_semantics = [#tpu.dimension_semantics<core_parallel>, #tpu.dimension_semantics<subcore_parallel>], iteration_bounds = array<i64: 2, 16>, scalar_prefetch = 0 : i64, scratch_operands = 3 : i64, tpu.core_type = #tpu.core_type<sc_vector_subcore>, window_params = [{transform_indices = #map}, {transform_indices = #map1}, {transform_indices = #map}]} {
    %mul3A = arith.constant 2 : i32
    %mul3A_0 = arith.muli %arg1, %mul3A : i32
    %add3A = arith.addi %mul3A_0, %arg0 : i32
    %mul3A_1 = arith.constant 128 : i32
    %mul3A_2 = arith.muli %add3A, %mul3A_1 : i32
    "tpu.region"() ({
      %run_scoped3A = tpu.sem_alloc : memref<!tpu.dma_semaphore, #tpu.memory_space<semaphore_mem>>
      tpu.enqueue_dma source(%arg3 : memref<64xf32, #tpu.memory_space<hbm>>) target(%arg7 : memref<64xf32, #tpu.memory_space<vmem>>) target_semaphore(%run_scoped3A : memref<!tpu.dma_semaphore, #tpu.memory_space<semaphore_mem>>)
      tpu.wait_dma2 semaphore(%run_scoped3A : memref<!tpu.dma_semaphore, #tpu.memory_space<semaphore_mem>>) src(%arg3 : memref<64xf32, #tpu.memory_space<hbm>>) dst(%arg7 : memref<64xf32, #tpu.memory_space<vmem>>)
      tpu.yield
    }) : () -> ()
    %iota3A = tpu.iota {dimensions = array<i32: 0>} : vector<16xi32>
    %lt3A = arith.constant 8 : i32
    %lt3A_3 = vector.broadcast %lt3A : i32 to vector<16xi32>
    %lt3A_4 = arith.cmpi slt, %iota3A, %lt3A_3 : vector<16xi32>
    %sub3A = arith.constant 8 : i32
    %sub3A_5 = vector.broadcast %sub3A : i32 to vector<16xi32>
    %sub3A_6 = arith.subi %iota3A, %sub3A_5 : vector<16xi32>
    %select_n3A = arith.select %lt3A_4, %iota3A, %sub3A_6 : vector<16xi1>, vector<16xi32>
    %get3A = arith.constant 0 : index
    %get3A_7 = tpu.vector_load %arg7[%get3A] {strides = array<i32>} : memref<64xf32, #tpu.memory_space<vmem>>, vector<16xf32>,
    %get3A_8 = arith.constant 16 : index
    %get3A_9 = tpu.vector_load %arg7[%get3A_8] {strides = array<i32>} : memref<64xf32, #tpu.memory_space<vmem>>, vector<16xf32>,
    %get3A_10 = arith.constant 32 : index
    %get3A_11 = tpu.vector_load %arg7[%get3A_10] {strides = array<i32>} : memref<64xf32, #tpu.memory_space<vmem>>, vector<16xf32>,
    %get3A_12 = arith.constant 48 : index
    %get3A_13 = tpu.vector_load %arg7[%get3A_12] {strides = array<i32>} : memref<64xf32, #tpu.memory_space<vmem>>, vector<16xf32>,
    %add3A_14 = arith.constant 0 : i32
    %add3A_15 = arith.addi %mul3A_2, %add3A_14 : i32
    "tpu.region"() ({
      %run_scoped3A = tpu.sem_alloc : memref<!tpu.dma_semaphore, #tpu.memory_space<semaphore_mem>>
      %dma_start3A = arith.constant 0 : i32
      %dma_start3A_21 = tpu.memref_slice %arg2[%add3A_15, %dma_start3A] : memref<4096x64xf32, #tpu.memory_space<hbm>> -> memref<128x64xf32, #tpu.memory_space<hbm>>
      %dma_start3A_22 = arith.constant 0 : i32
      %dma_start3A_23 = tpu.memref_slice %arg2[%add3A_15, %dma_start3A_22] : memref<4096x64xf32, #tpu.memory_space<hbm>> -> memref<128x64xf32, #tpu.memory_space<hbm>>
      tpu.enqueue_dma source(%dma_start3A_23 : memref<128x64xf32, #tpu.memory_space<hbm>>) target(%arg5 : memref<128x64xf32, #tpu.memory_space<vmem>>) target_semaphore(%run_scoped3A : memref<!tpu.dma_semaphore, #tpu.memory_space<semaphore_mem>>)
      %dma_wait3A = arith.constant 0 : i32
      %dma_wait3A_24 = tpu.memref_slice %arg2[%add3A_15, %dma_wait3A] : memref<4096x64xf32, #tpu.memory_space<hbm>> -> memref<128x64xf32, #tpu.memory_space<hbm>>
      %dma_wait3A_25 = arith.constant 0 : i32
      %dma_wait3A_26 = tpu.memref_slice %arg2[%add3A_15, %dma_wait3A_25] : memref<4096x64xf32, #tpu.memory_space<hbm>> -> memref<128x64xf32, #tpu.memory_space<hbm>>
      tpu.wait_dma2 semaphore(%run_scoped3A : memref<!tpu.dma_semaphore, #tpu.memory_space<semaphore_mem>>) src(%dma_wait3A_26 : memref<128x64xf32, #tpu.memory_space<hbm>>) dst(%arg5 : memref<128x64xf32, #tpu.memory_space<vmem>>)
      tpu.yield
    }) : () -> ()
    %scan3A = arith.constant 0xFF800000 : f32
    %scan3A_16 = arith.constant 0 : i32
    %scan3A_17 = arith.constant 128 : i32
    %scan3A_18 = arith.addi %scan3A_16, %scan3A_17 : i32
    %scan3A_19 = arith.constant 1 : i32
    scf.for %scan3A_21 = %scan3A_16 to %scan3A_18 step %scan3A_19  : i32 {
      %get3A_22 = arith.index_cast %scan3A_21 : i32 to index
      %get3A_23 = arith.constant 0 : index
      %get3A_24 = tpu.vector_load %arg5[%get3A_22, %get3A_23] {strides = array<i32>} : memref<128x64xf32, #tpu.memory_space<vmem>>, vector<16xf32>,
      %add3A_25 = arith.addf %get3A_24, %get3A_7 : vector<16xf32>
      %add3A_26 = arith.constant 0 : i32
      %add3A_27 = vector.broadcast %add3A_26 : i32 to vector<16xi32>
      %add3A_28 = arith.addi %iota3A, %add3A_27 : vector<16xi32>
      %masked_sort3A = arith.constant dense<true> : vector<16xi1>
      %masked_sort3A_29, %masked_sort3A_30, %masked_sort3A_31 = tpu.sort %add3A_25, %add3A_28 masked %masked_sort3A {descending = true} : (vector<16xf32>, vector<16xi32>, vector<16xi1>) -> (vector<16xi1>, vector<16xf32>, vector<16xi32>)
      %get3A_32 = arith.index_cast %scan3A_21 : i32 to index
      %get3A_33 = arith.constant 16 : index
      %get3A_34 = tpu.vector_load %arg5[%get3A_32, %get3A_33] {strides = array<i32>} : memref<128x64xf32, #tpu.memory_space<vmem>>, vector<16xf32>,
      %add3A_35 = arith.addf %get3A_34, %get3A_9 : vector<16xf32>
      %add3A_36 = arith.constant 16 : i32
      %add3A_37 = vector.broadcast %add3A_36 : i32 to vector<16xi32>
      %add3A_38 = arith.addi %iota3A, %add3A_37 : vector<16xi32>
      %masked_sort3A_39 = arith.constant dense<true> : vector<16xi1>
      %masked_sort3A_40, %masked_sort3A_41, %masked_sort3A_42 = tpu.sort %add3A_35, %add3A_38 masked %masked_sort3A_39 {descending = true} : (vector<16xf32>, vector<16xi32>, vector<16xi1>) -> (vector<16xi1>, vector<16xf32>, vector<16xi32>)
      %get3A_43 = arith.index_cast %scan3A_21 : i32 to index
      %get3A_44 = arith.constant 32 : index
      %get3A_45 = tpu.vector_load %arg5[%get3A_43, %get3A_44] {strides = array<i32>} : memref<128x64xf32, #tpu.memory_space<vmem>>, vector<16xf32>,
      %add3A_46 = arith.addf %get3A_45, %get3A_11 : vector<16xf32>
      %add3A_47 = arith.constant 32 : i32
      %add3A_48 = vector.broadcast %add3A_47 : i32 to vector<16xi32>
      %add3A_49 = arith.addi %iota3A, %add3A_48 : vector<16xi32>
      %masked_sort3A_50 = arith.constant dense<true> : vector<16xi1>
      %masked_sort3A_51, %masked_sort3A_52, %masked_sort3A_53 = tpu.sort %add3A_46, %add3A_49 masked %masked_sort3A_50 {descending = true} : (vector<16xf32>, vector<16xi32>, vector<16xi1>) -> (vector<16xi1>, vector<16xf32>, vector<16xi32>)
      %get3A_54 = arith.index_cast %scan3A_21 : i32 to index
      %get3A_55 = arith.constant 48 : index
      %get3A_56 = tpu.vector_load %arg5[%get3A_54, %get3A_55] {strides = array<i32>} : memref<128x64xf32, #tpu.memory_space<vmem>>, vector<16xf32>,
      %add3A_57 = arith.addf %get3A_56, %get3A_13 : vector<16xf32>
      %add3A_58 = arith.constant 48 : i32
      %add3A_59 = vector.broadcast %add3A_58 : i32 to vector<16xi32>
      %add3A_60 = arith.addi %iota3A, %add3A_59 : vector<16xi32>
      %masked_sort3A_61 = arith.constant dense<true> : vector<16xi1>
      %masked_sort3A_62, %masked_sort3A_63, %masked_sort3A_64 = tpu.sort %add3A_57, %add3A_60 masked %masked_sort3A_61 {descending = true} : (vector<16xf32>, vector<16xi32>, vector<16xi1>) -> (vector<16xi1>, vector<16xf32>, vector<16xi32>)
      %reshape3A = vector.shape_cast %select_n3A : vector<16xi32> to vector<16x1xi32>
      %gather3A = vector.shape_cast %reshape3A : vector<16x1xi32> to vector<16xi32>
      %gather3A_65 = tpu.dynamic_gather %masked_sort3A_41[%gather3A] in [0] : vector<16xf32>, vector<16xi32> -> vector<16xf32>
      %select_n3A_66 = arith.select %lt3A_4, %masked_sort3A_30, %gather3A_65 : vector<16xi1>, vector<16xf32>
      %reshape3A_67 = vector.shape_cast %select_n3A : vector<16xi32> to vector<16x1xi32>
      %gather3A_68 = vector.shape_cast %reshape3A_67 : vector<16x1xi32> to vector<16xi32>
      %gather3A_69 = tpu.dynamic_gather %masked_sort3A_42[%gather3A_68] in [0] : vector<16xi32>, vector<16xi32> -> vector<16xi32>
      %select_n3A_70 = arith.select %lt3A_4, %masked_sort3A_31, %gather3A_69 : vector<16xi1>, vector<16xi32>
      %masked_sort3A_71 = arith.constant dense<true> : vector<16xi1>
      %masked_sort3A_72, %masked_sort3A_73, %masked_sort3A_74 = tpu.sort %select_n3A_66, %select_n3A_70 masked %masked_sort3A_71 {descending = true} : (vector<16xf32>, vector<16xi32>, vector<16xi1>) -> (vector<16xi1>, vector<16xf32>, vector<16xi32>)
      %reshape3A_75 = vector.shape_cast %select_n3A : vector<16xi32> to vector<16x1xi32>
      %gather3A_76 = vector.shape_cast %reshape3A_75 : vector<16x1xi32> to vector<16xi32>
      %gather3A_77 = tpu.dynamic_gather %masked_sort3A_63[%gather3A_76] in [0] : vector<16xf32>, vector<16xi32> -> vector<16xf32>
      %select_n3A_78 = arith.select %lt3A_4, %masked_sort3A_52, %gather3A_77 : vector<16xi1>, vector<16xf32>
      %reshape3A_79 = vector.shape_cast %select_n3A : vector<16xi32> to vector<16x1xi32>
      %gather3A_80 = vector.shape_cast %reshape3A_79 : vector<16x1xi32> to vector<16xi32>
      %gather3A_81 = tpu.dynamic_gather %masked_sort3A_64[%gather3A_80] in [0] : vector<16xi32>, vector<16xi32> -> vector<16xi32>
      %select_n3A_82 = arith.select %lt3A_4, %masked_sort3A_53, %gather3A_81 : vector<16xi1>, vector<16xi32>
      %masked_sort3A_83 = arith.constant dense<true> : vector<16xi1>
      %masked_sort3A_84, %masked_sort3A_85, %masked_sort3A_86 = tpu.sort %select_n3A_78, %select_n3A_82 masked %masked_sort3A_83 {descending = true} : (vector<16xf32>, vector<16xi32>, vector<16xi1>) -> (vector<16xi1>, vector<16xf32>, vector<16xi32>)
      %reshape3A_87 = vector.shape_cast %select_n3A : vector<16xi32> to vector<16x1xi32>
      %gather3A_88 = vector.shape_cast %reshape3A_87 : vector<16x1xi32> to vector<16xi32>
      %gather3A_89 = tpu.dynamic_gather %masked_sort3A_85[%gather3A_88] in [0] : vector<16xf32>, vector<16xi32> -> vector<16xf32>
      %select_n3A_90 = arith.select %lt3A_4, %masked_sort3A_73, %gather3A_89 : vector<16xi1>, vector<16xf32>
      %reshape3A_91 = vector.shape_cast %select_n3A : vector<16xi32> to vector<16x1xi32>
      %gather3A_92 = vector.shape_cast %reshape3A_91 : vector<16x1xi32> to vector<16xi32>
      %gather3A_93 = tpu.dynamic_gather %masked_sort3A_86[%gather3A_92] in [0] : vector<16xi32>, vector<16xi32> -> vector<16xi32>
      %select_n3A_94 = arith.select %lt3A_4, %masked_sort3A_74, %gather3A_93 : vector<16xi1>, vector<16xi32>
      %masked_sort3A_95 = arith.constant dense<true> : vector<16xi1>
      %masked_sort3A_96, %masked_sort3A_97, %masked_sort3A_98 = tpu.sort %select_n3A_90, %select_n3A_94 masked %masked_sort3A_95 {descending = true} : (vector<16xf32>, vector<16xi32>, vector<16xi1>) -> (vector<16xi1>, vector<16xf32>, vector<16xi32>)
      %and3A = arith.constant 15 : i32
      %and3A_99 = vector.broadcast %and3A : i32 to vector<16xi32>
      %and3A_100 = arith.andi %masked_sort3A_98, %and3A_99 : vector<16xi32>
      %reshape3A_101 = vector.shape_cast %and3A_100 : vector<16xi32> to vector<16x1xi32>
      %gather3A_102 = vector.shape_cast %reshape3A_101 : vector<16x1xi32> to vector<16xi32>
      %gather3A_103 = tpu.dynamic_gather %get3A_7[%gather3A_102] in [0] : vector<16xf32>, vector<16xi32> -> vector<16xf32>
      %reshape3A_104 = vector.shape_cast %and3A_100 : vector<16xi32> to vector<16x1xi32>
      %gather3A_105 = vector.shape_cast %reshape3A_104 : vector<16x1xi32> to vector<16xi32>
      %gather3A_106 = tpu.dynamic_gather %get3A_9[%gather3A_105] in [0] : vector<16xf32>, vector<16xi32> -> vector<16xf32>
      %reshape3A_107 = vector.shape_cast %and3A_100 : vector<16xi32> to vector<16x1xi32>
      %gather3A_108 = vector.shape_cast %reshape3A_107 : vector<16x1xi32> to vector<16xi32>
      %gather3A_109 = tpu.dynamic_gather %get3A_11[%gather3A_108] in [0] : vector<16xf32>, vector<16xi32> -> vector<16xf32>
      %reshape3A_110 = vector.shape_cast %and3A_100 : vector<16xi32> to vector<16x1xi32>
      %gather3A_111 = vector.shape_cast %reshape3A_110 : vector<16x1xi32> to vector<16xi32>
      %gather3A_112 = tpu.dynamic_gather %get3A_13[%gather3A_111] in [0] : vector<16xf32>, vector<16xi32> -> vector<16xf32>
      %lt3A_113 = arith.constant 16 : i32
      %lt3A_114 = vector.broadcast %lt3A_113 : i32 to vector<16xi32>
      %lt3A_115 = arith.cmpi slt, %masked_sort3A_98, %lt3A_114 : vector<16xi32>
      %lt3A_116 = arith.constant 32 : i32
      %lt3A_117 = vector.broadcast %lt3A_116 : i32 to vector<16xi32>
      %lt3A_118 = arith.cmpi slt, %masked_sort3A_98, %lt3A_117 : vector<16xi32>
      %lt3A_119 = arith.constant 48 : i32
      %lt3A_120 = vector.broadcast %lt3A_119 : i32 to vector<16xi32>
      %lt3A_121 = arith.cmpi slt, %masked_sort3A_98, %lt3A_120 : vector<16xi32>
      %select_n3A_122 = arith.select %lt3A_121, %gather3A_109, %gather3A_112 : vector<16xi1>, vector<16xf32>
      %select_n3A_123 = arith.select %lt3A_118, %gather3A_106, %select_n3A_122 : vector<16xi1>, vector<16xf32>
      %select_n3A_124 = arith.select %lt3A_115, %gather3A_103, %select_n3A_123 : vector<16xi1>, vector<16xf32>
      %sub3A_125 = arith.subf %masked_sort3A_97, %select_n3A_124 : vector<16xf32>
      %broadcast_in_dim3A = vector.broadcast %scan3A : f32 to vector<16xf32>
      %select_n3A_126 = arith.select %lt3A_4, %sub3A_125, %broadcast_in_dim3A : vector<16xi1>, vector<16xf32>
      %reduce_max3A = arith.constant true
      %reduce_max3A_127 = vector.broadcast %reduce_max3A : i1 to vector<16xi1>
      %reduce_max3A_128 = tpu.scan <max>, %select_n3A_126 masked %reduce_max3A_127 : vector<16xf32>, vector<16xi1> -> vector<16xf32>
      %reduce_max3A_129 = vector.extract %reduce_max3A_128[15] : f32 from vector<16xf32>
      %sub3A_130 = vector.broadcast %reduce_max3A_129 : f32 to vector<16xf32>
      %sub3A_131 = arith.subf %sub3A_125, %sub3A_130 : vector<16xf32>
      %exp3A = math.exp %sub3A_131 : vector<16xf32>
      %jit3A = arith.constant 0.000000e+00 : f32
      %broadcast_in_dim3A_132 = vector.broadcast %jit3A : f32 to vector<16xf32>
      %select_n3A_133 = arith.select %lt3A_4, %exp3A, %broadcast_in_dim3A_132 : vector<16xi1>, vector<16xf32>
      %reduce_sum3A = arith.constant true
      %reduce_sum3A_134 = vector.broadcast %reduce_sum3A : i1 to vector<16xi1>
      %reduce_sum3A_135 = tpu.scan <sum>, %select_n3A_133 masked %reduce_sum3A_134 : vector<16xf32>, vector<16xi1> -> vector<16xf32>
      %reduce_sum3A_136 = vector.extract %reduce_sum3A_135[15] : f32 from vector<16xf32>
      %div3A = vector.broadcast %reduce_sum3A_136 : f32 to vector<16xf32>
      %div3A_137 = arith.divf %select_n3A_133, %div3A : vector<16xf32>
      %bitcast3A = vector.bitcast %masked_sort3A_98 : vector<16xi32> to vector<16xf32>
      %reshape3A_138 = vector.shape_cast %select_n3A : vector<16xi32> to vector<16x1xi32>
      %gather3A_139 = vector.shape_cast %reshape3A_138 : vector<16x1xi32> to vector<16xi32>
      %gather3A_140 = tpu.dynamic_gather %bitcast3A[%gather3A_139] in [0] : vector<16xf32>, vector<16xi32> -> vector<16xf32>
      %select_n3A_141 = arith.select %lt3A_4, %div3A_137, %gather3A_140 : vector<16xi1>, vector<16xf32>
      %swap3A = arith.index_cast %scan3A_21 : i32 to index
      %swap3A_142 = arith.constant 0 : index
      %swap3A_143 = tpu.vector_load %arg6[%swap3A, %swap3A_142] {strides = array<i32>} : memref<128x16xf32, #tpu.memory_space<vmem>>, vector<16xf32>,
      tpu.vector_store %arg6[%swap3A, %swap3A_142], %select_n3A_141 {strides = array<i32>} : memref<128x16xf32, #tpu.memory_space<vmem>>, vector<16xf32>,
    }
    %scan3A_20 = arith.constant 128 : i32
    "tpu.region"() ({
      %run_scoped3A = tpu.sem_alloc : memref<!tpu.dma_semaphore, #tpu.memory_space<semaphore_mem>>
      %dma_start3A = arith.constant 0 : i32
      %dma_start3A_21 = tpu.memref_slice %arg4[%add3A_15, %dma_start3A] : memref<4096x16xf32, #tpu.memory_space<hbm>> -> memref<128x16xf32, #tpu.memory_space<hbm>>
      %dma_start3A_22 = arith.constant 0 : i32
      %dma_start3A_23 = tpu.memref_slice %arg4[%add3A_15, %dma_start3A_22] : memref<4096x16xf32, #tpu.memory_space<hbm>> -> memref<128x16xf32, #tpu.memory_space<hbm>>
      tpu.enqueue_dma source(%arg6 : memref<128x16xf32, #tpu.memory_space<vmem>>) target(%dma_start3A_23 : memref<128x16xf32, #tpu.memory_space<hbm>>) target_semaphore(%run_scoped3A : memref<!tpu.dma_semaphore, #tpu.memory_space<semaphore_mem>>)
      %dma_wait3A = arith.constant 0 : i32
      %dma_wait3A_24 = tpu.memref_slice %arg4[%add3A_15, %dma_wait3A] : memref<4096x16xf32, #tpu.memory_space<hbm>> -> memref<128x16xf32, #tpu.memory_space<hbm>>
      %dma_wait3A_25 = arith.constant 0 : i32
      %dma_wait3A_26 = tpu.memref_slice %arg4[%add3A_15, %dma_wait3A_25] : memref<4096x16xf32, #tpu.memory_space<hbm>> -> memref<128x16xf32, #tpu.memory_space<hbm>>
      tpu.wait_dma2 semaphore(%run_scoped3A : memref<!tpu.dma_semaphore, #tpu.memory_space<semaphore_mem>>) src(%arg6 : memref<128x16xf32, #tpu.memory_space<vmem>>) dst(%dma_wait3A_26 : memref<128x16xf32, #tpu.memory_space<hbm>>)
      tpu.yield
    }) : () -> ()
    return
  }
}

#map = affine_map<(d0, d1) -> (0, 0)>
#map1 = affine_map<(d0, d1) -> (0)>
module attributes {stable_mosaic.version = 14 : i64} {
  func.func @sc_router(%arg0: i32, %arg1: i32, %arg2: memref<4096x64xf32, #tpu.memory_space<hbm>>, %arg3: memref<64xf32, #tpu.memory_space<hbm>>, %arg4: memref<4096x16xf32, #tpu.memory_space<hbm>>, %arg5: memref<128x64xf32, #tpu.memory_space<vmem>>, %arg6: memref<128x16xf32, #tpu.memory_space<vmem>>, %arg7: memref<64xf32, #tpu.memory_space<vmem>>) attributes {dimension_semantics = [#tpu.dimension_semantics<core_parallel>, #tpu.dimension_semantics<subcore_parallel>], iteration_bounds = array<i64: 2, 16>, scalar_prefetch = 0 : i64, scratch_operands = 3 : i64, tpu.core_type = #tpu.core_type<sc_vector_subcore>, window_params = [{transform_indices = #map}, {transform_indices = #map1}, {transform_indices = #map}]} {
    %mul3A = arith.constant 2 : i32
    %mul3A_0 = arith.muli %arg1, %mul3A : i32
    %add3A = arith.addi %mul3A_0, %arg0 : i32
    %mul3A_1 = arith.constant 128 : i32
    %mul3A_2 = arith.muli %add3A, %mul3A_1 : i32
    "tpu.region"() ({
      %run_scoped3A = tpu.sem_alloc : memref<!tpu.dma_semaphore, #tpu.memory_space<semaphore_mem>>
      tpu.enqueue_dma source(%arg3 : memref<64xf32, #tpu.memory_space<hbm>>) target(%arg7 : memref<64xf32, #tpu.memory_space<vmem>>) target_semaphore(%run_scoped3A : memref<!tpu.dma_semaphore, #tpu.memory_space<semaphore_mem>>)
      tpu.wait_dma2 semaphore(%run_scoped3A : memref<!tpu.dma_semaphore, #tpu.memory_space<semaphore_mem>>) src(%arg3 : memref<64xf32, #tpu.memory_space<hbm>>) dst(%arg7 : memref<64xf32, #tpu.memory_space<vmem>>)
      tpu.yield
    }) : () -> ()
    %iota3A = tpu.iota {dimensions = array<i32: 0>} : vector<16xi32>
    %lt3A = arith.constant 8 : i32
    %lt3A_3 = vector.broadcast %lt3A : i32 to vector<16xi32>
    %lt3A_4 = arith.cmpi slt, %iota3A, %lt3A_3 : vector<16xi32>
    %sub3A = arith.constant 8 : i32
    %sub3A_5 = vector.broadcast %sub3A : i32 to vector<16xi32>
    %sub3A_6 = arith.subi %iota3A, %sub3A_5 : vector<16xi32>
    %select_n3A = arith.select %lt3A_4, %iota3A, %sub3A_6 : vector<16xi1>, vector<16xi32>
    %get3A = arith.constant 0 : index
    %get3A_7 = tpu.vector_load %arg7[%get3A] {strides = array<i32>} : memref<64xf32, #tpu.memory_space<vmem>>, vector<16xf32>,
    %get3A_8 = arith.constant 16 : index
    %get3A_9 = tpu.vector_load %arg7[%get3A_8] {strides = array<i32>} : memref<64xf32, #tpu.memory_space<vmem>>, vector<16xf32>,
    %get3A_10 = arith.constant 32 : index
    %get3A_11 = tpu.vector_load %arg7[%get3A_10] {strides = array<i32>} : memref<64xf32, #tpu.memory_space<vmem>>, vector<16xf32>,
    %get3A_12 = arith.constant 48 : index
    %get3A_13 = tpu.vector_load %arg7[%get3A_12] {strides = array<i32>} : memref<64xf32, #tpu.memory_space<vmem>>, vector<16xf32>,
    %add3A_14 = arith.constant 0 : i32
    %add3A_15 = arith.addi %mul3A_2, %add3A_14 : i32
    "tpu.region"() ({
      %run_scoped3A = tpu.sem_alloc : memref<!tpu.dma_semaphore, #tpu.memory_space<semaphore_mem>>
      %dma_start3A = arith.constant 0 : i32
      %dma_start3A_21 = tpu.memref_slice %arg2[%add3A_15, %dma_start3A] : memref<4096x64xf32, #tpu.memory_space<hbm>> -> memref<128x64xf32, #tpu.memory_space<hbm>>
      %dma_start3A_22 = arith.constant 0 : i32
      %dma_start3A_23 = tpu.memref_slice %arg2[%add3A_15, %dma_start3A_22] : memref<4096x64xf32, #tpu.memory_space<hbm>> -> memref<128x64xf32, #tpu.memory_space<hbm>>
      tpu.enqueue_dma source(%dma_start3A_23 : memref<128x64xf32, #tpu.memory_space<hbm>>) target(%arg5 : memref<128x64xf32, #tpu.memory_space<vmem>>) target_semaphore(%run_scoped3A : memref<!tpu.dma_semaphore, #tpu.memory_space<semaphore_mem>>)
      %dma_wait3A = arith.constant 0 : i32
      %dma_wait3A_24 = tpu.memref_slice %arg2[%add3A_15, %dma_wait3A] : memref<4096x64xf32, #tpu.memory_space<hbm>> -> memref<128x64xf32, #tpu.memory_space<hbm>>
      %dma_wait3A_25 = arith.constant 0 : i32
      %dma_wait3A_26 = tpu.memref_slice %arg2[%add3A_15, %dma_wait3A_25] : memref<4096x64xf32, #tpu.memory_space<hbm>> -> memref<128x64xf32, #tpu.memory_space<hbm>>
      tpu.wait_dma2 semaphore(%run_scoped3A : memref<!tpu.dma_semaphore, #tpu.memory_space<semaphore_mem>>) src(%dma_wait3A_26 : memref<128x64xf32, #tpu.memory_space<hbm>>) dst(%arg5 : memref<128x64xf32, #tpu.memory_space<vmem>>)
      tpu.yield
    }) : () -> ()
    %scan3A = arith.constant 0xFF800000 : f32
    %scan3A_16 = arith.constant 0 : i32
    %scan3A_17 = arith.constant 128 : i32
    %scan3A_18 = arith.addi %scan3A_16, %scan3A_17 : i32
    %scan3A_19 = arith.constant 1 : i32
    scf.for %scan3A_21 = %scan3A_16 to %scan3A_18 step %scan3A_19  : i32 {
      %get3A_22 = arith.index_cast %scan3A_21 : i32 to index
      %get3A_23 = arith.constant 0 : index
      %get3A_24 = tpu.vector_load %arg5[%get3A_22, %get3A_23] {strides = array<i32>} : memref<128x64xf32, #tpu.memory_space<vmem>>, vector<16xf32>,
      %add3A_25 = arith.addf %get3A_24, %get3A_7 : vector<16xf32>
      %add3A_26 = arith.constant 0 : i32
      %add3A_27 = vector.broadcast %add3A_26 : i32 to vector<16xi32>
      %add3A_28 = arith.addi %iota3A, %add3A_27 : vector<16xi32>
      %masked_sort3A = arith.constant dense<true> : vector<16xi1>
      %masked_sort3A_29, %masked_sort3A_30, %masked_sort3A_31 = tpu.sort %add3A_25, %add3A_28 masked %masked_sort3A {descending = true} : (vector<16xf32>, vector<16xi32>, vector<16xi1>) -> (vector<16xi1>, vector<16xf32>, vector<16xi32>)
      %get3A_32 = arith.index_cast %scan3A_21 : i32 to index
      %get3A_33 = arith.constant 16 : index
      %get3A_34 = tpu.vector_load %arg5[%get3A_32, %get3A_33] {strides = array<i32>} : memref<128x64xf32, #tpu.memory_space<vmem>>, vector<16xf32>,
      %add3A_35 = arith.addf %get3A_34, %get3A_9 : vector<16xf32>
      %add3A_36 = arith.constant 16 : i32
      %add3A_37 = vector.broadcast %add3A_36 : i32 to vector<16xi32>
      %add3A_38 = arith.addi %iota3A, %add3A_37 : vector<16xi32>
      %masked_sort3A_39 = arith.constant dense<true> : vector<16xi1>
      %masked_sort3A_40, %masked_sort3A_41, %masked_sort3A_42 = tpu.sort %add3A_35, %add3A_38 masked %masked_sort3A_39 {descending = true} : (vector<16xf32>, vector<16xi32>, vector<16xi1>) -> (vector<16xi1>, vector<16xf32>, vector<16xi32>)
      %get3A_43 = arith.index_cast %scan3A_21 : i32 to index
      %get3A_44 = arith.constant 32 : index
      %get3A_45 = tpu.vector_load %arg5[%get3A_43, %get3A_44] {strides = array<i32>} : memref<128x64xf32, #tpu.memory_space<vmem>>, vector<16xf32>,
      %add3A_46 = arith.addf %get3A_45, %get3A_11 : vector<16xf32>
      %add3A_47 = arith.constant 32 : i32
      %add3A_48 = vector.broadcast %add3A_47 : i32 to vector<16xi32>
      %add3A_49 = arith.addi %iota3A, %add3A_48 : vector<16xi32>
      %masked_sort3A_50 = arith.constant dense<true> : vector<16xi1>
      %masked_sort3A_51, %masked_sort3A_52, %masked_sort3A_53 = tpu.sort %add3A_46, %add3A_49 masked %masked_sort3A_50 {descending = true} : (vector<16xf32>, vector<16xi32>, vector<16xi1>) -> (vector<16xi1>, vector<16xf32>, vector<16xi32>)
      %get3A_54 = arith.index_cast %scan3A_21 : i32 to index
      %get3A_55 = arith.constant 48 : index
      %get3A_56 = tpu.vector_load %arg5[%get3A_54, %get3A_55] {strides = array<i32>} : memref<128x64xf32, #tpu.memory_space<vmem>>, vector<16xf32>,
      %add3A_57 = arith.addf %get3A_56, %get3A_13 : vector<16xf32>
      %add3A_58 = arith.constant 48 : i32
      %add3A_59 = vector.broadcast %add3A_58 : i32 to vector<16xi32>
      %add3A_60 = arith.addi %iota3A, %add3A_59 : vector<16xi32>
      %masked_sort3A_61 = arith.constant dense<true> : vector<16xi1>
      %masked_sort3A_62, %masked_sort3A_63, %masked_sort3A_64 = tpu.sort %add3A_57, %add3A_60 masked %masked_sort3A_61 {descending = true} : (vector<16xf32>, vector<16xi32>, vector<16xi1>) -> (vector<16xi1>, vector<16xf32>, vector<16xi32>)
      %reshape3A = vector.shape_cast %select_n3A : vector<16xi32> to vector<16x1xi32>
      %gather3A = vector.shape_cast %reshape3A : vector<16x1xi32> to vector<16xi32>
      %gather3A_65 = tpu.dynamic_gather %masked_sort3A_41[%gather3A] in [0] : vector<16xf32>, vector<16xi32> -> vector<16xf32>
      %select_n3A_66 = arith.select %lt3A_4, %masked_sort3A_30, %gather3A_65 : vector<16xi1>, vector<16xf32>
      %reshape3A_67 = vector.shape_cast %select_n3A : vector<16xi32> to vector<16x1xi32>
      %gather3A_68 = vector.shape_cast %reshape3A_67 : vector<16x1xi32> to vector<16xi32>
      %gather3A_69 = tpu.dynamic_gather %masked_sort3A_42[%gather3A_68] in [0] : vector<16xi32>, vector<16xi32> -> vector<16xi32>
      %select_n3A_70 = arith.select %lt3A_4, %masked_sort3A_31, %gather3A_69 : vector<16xi1>, vector<16xi32>
      %masked_sort3A_71 = arith.constant dense<true> : vector<16xi1>
      %masked_sort3A_72, %masked_sort3A_73, %masked_sort3A_74 = tpu.sort %select_n3A_66, %select_n3A_70 masked %masked_sort3A_71 {descending = true} : (vector<16xf32>, vector<16xi32>, vector<16xi1>) -> (vector<16xi1>, vector<16xf32>, vector<16xi32>)
      %reshape3A_75 = vector.shape_cast %select_n3A : vector<16xi32> to vector<16x1xi32>
      %gather3A_76 = vector.shape_cast %reshape3A_75 : vector<16x1xi32> to vector<16xi32>
      %gather3A_77 = tpu.dynamic_gather %masked_sort3A_63[%gather3A_76] in [0] : vector<16xf32>, vector<16xi32> -> vector<16xf32>
      %select_n3A_78 = arith.select %lt3A_4, %masked_sort3A_52, %gather3A_77 : vector<16xi1>, vector<16xf32>
      %reshape3A_79 = vector.shape_cast %select_n3A : vector<16xi32> to vector<16x1xi32>
      %gather3A_80 = vector.shape_cast %reshape3A_79 : vector<16x1xi32> to vector<16xi32>
      %gather3A_81 = tpu.dynamic_gather %masked_sort3A_64[%gather3A_80] in [0] : vector<16xi32>, vector<16xi32> -> vector<16xi32>
      %select_n3A_82 = arith.select %lt3A_4, %masked_sort3A_53, %gather3A_81 : vector<16xi1>, vector<16xi32>
      %masked_sort3A_83 = arith.constant dense<true> : vector<16xi1>
      %masked_sort3A_84, %masked_sort3A_85, %masked_sort3A_86 = tpu.sort %select_n3A_78, %select_n3A_82 masked %masked_sort3A_83 {descending = true} : (vector<16xf32>, vector<16xi32>, vector<16xi1>) -> (vector<16xi1>, vector<16xf32>, vector<16xi32>)
      %reshape3A_87 = vector.shape_cast %select_n3A : vector<16xi32> to vector<16x1xi32>
      %gather3A_88 = vector.shape_cast %reshape3A_87 : vector<16x1xi32> to vector<16xi32>
      %gather3A_89 = tpu.dynamic_gather %masked_sort3A_85[%gather3A_88] in [0] : vector<16xf32>, vector<16xi32> -> vector<16xf32>
      %select_n3A_90 = arith.select %lt3A_4, %masked_sort3A_73, %gather3A_89 : vector<16xi1>, vector<16xf32>
      %reshape3A_91 = vector.shape_cast %select_n3A : vector<16xi32> to vector<16x1xi32>
      %gather3A_92 = vector.shape_cast %reshape3A_91 : vector<16x1xi32> to vector<16xi32>
      %gather3A_93 = tpu.dynamic_gather %masked_sort3A_86[%gather3A_92] in [0] : vector<16xi32>, vector<16xi32> -> vector<16xi32>
      %select_n3A_94 = arith.select %lt3A_4, %masked_sort3A_74, %gather3A_93 : vector<16xi1>, vector<16xi32>
      %masked_sort3A_95 = arith.constant dense<true> : vector<16xi1>
      %masked_sort3A_96, %masked_sort3A_97, %masked_sort3A_98 = tpu.sort %select_n3A_90, %select_n3A_94 masked %masked_sort3A_95 {descending = true} : (vector<16xf32>, vector<16xi32>, vector<16xi1>) -> (vector<16xi1>, vector<16xf32>, vector<16xi32>)
      %and3A = arith.constant 15 : i32
      %and3A_99 = vector.broadcast %and3A : i32 to vector<16xi32>
      %and3A_100 = arith.andi %masked_sort3A_98, %and3A_99 : vector<16xi32>
      %reshape3A_101 = vector.shape_cast %and3A_100 : vector<16xi32> to vector<16x1xi32>
      %gather3A_102 = vector.shape_cast %reshape3A_101 : vector<16x1xi32> to vector<16xi32>
      %gather3A_103 = tpu.dynamic_gather %get3A_7[%gather3A_102] in [0] : vector<16xf32>, vector<16xi32> -> vector<16xf32>
      %reshape3A_104 = vector.shape_cast %and3A_100 : vector<16xi32> to vector<16x1xi32>
      %gather3A_105 = vector.shape_cast %reshape3A_104 : vector<16x1xi32> to vector<16xi32>
      %gather3A_106 = tpu.dynamic_gather %get3A_9[%gather3A_105] in [0] : vector<16xf32>, vector<16xi32> -> vector<16xf32>
      %reshape3A_107 = vector.shape_cast %and3A_100 : vector<16xi32> to vector<16x1xi32>
      %gather3A_108 = vector.shape_cast %reshape3A_107 : vector<16x1xi32> to vector<16xi32>
      %gather3A_109 = tpu.dynamic_gather %get3A_11[%gather3A_108] in [0] : vector<16xf32>, vector<16xi32> -> vector<16xf32>
      %reshape3A_110 = vector.shape_cast %and3A_100 : vector<16xi32> to vector<16x1xi32>
      %gather3A_111 = vector.shape_cast %reshape3A_110 : vector<16x1xi32> to vector<16xi32>
      %gather3A_112 = tpu.dynamic_gather %get3A_13[%gather3A_111] in [0] : vector<16xf32>, vector<16xi32> -> vector<16xf32>
      %lt3A_113 = arith.constant 16 : i32
      %lt3A_114 = vector.broadcast %lt3A_113 : i32 to vector<16xi32>
      %lt3A_115 = arith.cmpi slt, %masked_sort3A_98, %lt3A_114 : vector<16xi32>
      %lt3A_116 = arith.constant 32 : i32
      %lt3A_117 = vector.broadcast %lt3A_116 : i32 to vector<16xi32>
      %lt3A_118 = arith.cmpi slt, %masked_sort3A_98, %lt3A_117 : vector<16xi32>
      %lt3A_119 = arith.constant 48 : i32
      %lt3A_120 = vector.broadcast %lt3A_119 : i32 to vector<16xi32>
      %lt3A_121 = arith.cmpi slt, %masked_sort3A_98, %lt3A_120 : vector<16xi32>
      %select_n3A_122 = arith.select %lt3A_121, %gather3A_109, %gather3A_112 : vector<16xi1>, vector<16xf32>
      %select_n3A_123 = arith.select %lt3A_118, %gather3A_106, %select_n3A_122 : vector<16xi1>, vector<16xf32>
      %select_n3A_124 = arith.select %lt3A_115, %gather3A_103, %select_n3A_123 : vector<16xi1>, vector<16xf32>
      %sub3A_125 = arith.subf %masked_sort3A_97, %select_n3A_124 : vector<16xf32>
      %broadcast_in_dim3A = vector.broadcast %scan3A : f32 to vector<16xf32>
      %select_n3A_126 = arith.select %lt3A_4, %sub3A_125, %broadcast_in_dim3A : vector<16xi1>, vector<16xf32>
      %reduce_max3A = arith.constant true
      %reduce_max3A_127 = vector.broadcast %reduce_max3A : i1 to vector<16xi1>
      %reduce_max3A_128 = tpu.scan <max>, %select_n3A_126 masked %reduce_max3A_127 : vector<16xf32>, vector<16xi1> -> vector<16xf32>
      %reduce_max3A_129 = vector.extract %reduce_max3A_128[15] : f32 from vector<16xf32>
      %sub3A_130 = vector.broadcast %reduce_max3A_129 : f32 to vector<16xf32>
      %sub3A_131 = arith.subf %sub3A_125, %sub3A_130 : vector<16xf32>
      %exp3A = math.exp %sub3A_131 : vector<16xf32>
      %jit3A = arith.constant 0.000000e+00 : f32
      %broadcast_in_dim3A_132 = vector.broadcast %jit3A : f32 to vector<16xf32>
      %select_n3A_133 = arith.select %lt3A_4, %exp3A, %broadcast_in_dim3A_132 : vector<16xi1>, vector<16xf32>
      %reduce_sum3A = arith.constant true
      %reduce_sum3A_134 = vector.broadcast %reduce_sum3A : i1 to vector<16xi1>
      %reduce_sum3A_135 = tpu.scan <sum>, %select_n3A_133 masked %reduce_sum3A_134 : vector<16xf32>, vector<16xi1> -> vector<16xf32>
      %reduce_sum3A_136 = vector.extract %reduce_sum3A_135[15] : f32 from vector<16xf32>
      %div3A = vector.broadcast %reduce_sum3A_136 : f32 to vector<16xf32>
      %div3A_137 = arith.divf %select_n3A_133, %div3A : vector<16xf32>
      %bitcast3A = vector.bitcast %masked_sort3A_98 : vector<16xi32> to vector<16xf32>
      %reshape3A_138 = vector.shape_cast %select_n3A : vector<16xi32> to vector<16x1xi32>
      %gather3A_139 = vector.shape_cast %reshape3A_138 : vector<16x1xi32> to vector<16xi32>
      %gather3A_140 = tpu.dynamic_gather %bitcast3A[%gather3A_139] in [0] : vector<16xf32>, vector<16xi32> -> vector<16xf32>
      %select_n3A_141 = arith.select %lt3A_4, %div3A_137, %gather3A_140 : vector<16xi1>, vector<16xf32>
      %swap3A = arith.index_cast %scan3A_21 : i32 to index
      %swap3A_142 = arith.constant 0 : index
      %swap3A_143 = tpu.vector_load %arg6[%swap3A, %swap3A_142] {strides = array<i32>} : memref<128x16xf32, #tpu.memory_space<vmem>>, vector<16xf32>,
      tpu.vector_store %arg6[%swap3A, %swap3A_142], %select_n3A_141 {strides = array<i32>} : memref<128x16xf32, #tpu.memory_space<vmem>>, vector<16xf32>,
    }
    %scan3A_20 = arith.constant 128 : i32
    "tpu.region"() ({
      %run_scoped3A = tpu.sem_alloc : memref<!tpu.dma_semaphore, #tpu.memory_space<semaphore_mem>>
      %dma_start3A = arith.constant 0 : i32
      %dma_start3A_21 = tpu.memref_slice %arg4[%add3A_15, %dma_start3A] : memref<4096x16xf32, #tpu.memory_space<hbm>> -> memref<128x16xf32, #tpu.memory_space<hbm>>
      %dma_start3A_22 = arith.constant 0 : i32
      %dma_start3A_23 = tpu.memref_slice %arg4[%add3A_15, %dma_start3A_22] : memref<4096x16xf32, #tpu.memory_space<hbm>> -> memref<128x16xf32, #tpu.memory_space<hbm>>
      tpu.enqueue_dma source(%arg6 : memref<128x16xf32, #tpu.memory_space<vmem>>) target(%dma_start3A_23 : memref<128x16xf32, #tpu.memory_space<hbm>>) target_semaphore(%run_scoped3A : memref<!tpu.dma_semaphore, #tpu.memory_space<semaphore_mem>>)
      %dma_wait3A = arith.constant 0 : i32
      %dma_wait3A_24 = tpu.memref_slice %arg4[%add3A_15, %dma_wait3A] : memref<4096x16xf32, #tpu.memory_space<hbm>> -> memref<128x16xf32, #tpu.memory_space<hbm>>
      %dma_wait3A_25 = arith.constant 0 : i32
      %dma_wait3A_26 = tpu.memref_slice %arg4[%add3A_15, %dma_wait3A_25] : memref<4096x16xf32, #tpu.memory_space<hbm>> -> memref<128x16xf32, #tpu.memory_space<hbm>>
      tpu.wait_dma2 semaphore(%run_scoped3A : memref<!tpu.dma_semaphore, #tpu.memory_space<semaphore_mem>>) src(%arg6 : memref<128x16xf32, #tpu.memory_space<vmem>>) dst(%dma_wait3A_26 : memref<128x16xf32, #tpu.memory_space<hbm>>)
      tpu.yield
    }) : () -> ()
    return
  }
}

#map = affine_map<(d0, d1) -> (0, 0)>
#map1 = affine_map<(d0, d1) -> (0)>
module attributes {stable_mosaic.version = 14 : i64} {
  func.func @sc_router(%arg0: i32, %arg1: i32, %arg2: memref<4096x64xf32, #tpu.memory_space<hbm>>, %arg3: memref<64xf32, #tpu.memory_space<hbm>>, %arg4: memref<4096x16xf32, #tpu.memory_space<hbm>>, %arg5: memref<128x64xf32, #tpu.memory_space<vmem>>, %arg6: memref<128x16xf32, #tpu.memory_space<vmem>>, %arg7: memref<64xf32, #tpu.memory_space<vmem>>) attributes {dimension_semantics = [#tpu.dimension_semantics<core_parallel>, #tpu.dimension_semantics<subcore_parallel>], iteration_bounds = array<i64: 2, 16>, scalar_prefetch = 0 : i64, scratch_operands = 3 : i64, tpu.core_type = #tpu.core_type<sc_vector_subcore>, window_params = [{transform_indices = #map}, {transform_indices = #map1}, {transform_indices = #map}]} {
    %mul3A = arith.constant 2 : i32
    %mul3A_0 = arith.muli %arg1, %mul3A : i32
    %add3A = arith.addi %mul3A_0, %arg0 : i32
    %mul3A_1 = arith.constant 128 : i32
    %mul3A_2 = arith.muli %add3A, %mul3A_1 : i32
    "tpu.region"() ({
      %run_scoped3A = tpu.sem_alloc : memref<!tpu.dma_semaphore, #tpu.memory_space<semaphore_mem>>
      tpu.enqueue_dma source(%arg3 : memref<64xf32, #tpu.memory_space<hbm>>) target(%arg7 : memref<64xf32, #tpu.memory_space<vmem>>) target_semaphore(%run_scoped3A : memref<!tpu.dma_semaphore, #tpu.memory_space<semaphore_mem>>)
      tpu.wait_dma2 semaphore(%run_scoped3A : memref<!tpu.dma_semaphore, #tpu.memory_space<semaphore_mem>>) src(%arg3 : memref<64xf32, #tpu.memory_space<hbm>>) dst(%arg7 : memref<64xf32, #tpu.memory_space<vmem>>)
      tpu.yield
    }) : () -> ()
    %iota3A = tpu.iota {dimensions = array<i32: 0>} : vector<16xi32>
    %lt3A = arith.constant 8 : i32
    %lt3A_3 = vector.broadcast %lt3A : i32 to vector<16xi32>
    %lt3A_4 = arith.cmpi slt, %iota3A, %lt3A_3 : vector<16xi32>
    %sub3A = arith.constant 8 : i32
    %sub3A_5 = vector.broadcast %sub3A : i32 to vector<16xi32>
    %sub3A_6 = arith.subi %iota3A, %sub3A_5 : vector<16xi32>
    %select_n3A = arith.select %lt3A_4, %iota3A, %sub3A_6 : vector<16xi1>, vector<16xi32>
    %get3A = arith.constant 0 : index
    %get3A_7 = tpu.vector_load %arg7[%get3A] {strides = array<i32>} : memref<64xf32, #tpu.memory_space<vmem>>, vector<16xf32>,
    %get3A_8 = arith.constant 16 : index
    %get3A_9 = tpu.vector_load %arg7[%get3A_8] {strides = array<i32>} : memref<64xf32, #tpu.memory_space<vmem>>, vector<16xf32>,
    %get3A_10 = arith.constant 32 : index
    %get3A_11 = tpu.vector_load %arg7[%get3A_10] {strides = array<i32>} : memref<64xf32, #tpu.memory_space<vmem>>, vector<16xf32>,
    %get3A_12 = arith.constant 48 : index
    %get3A_13 = tpu.vector_load %arg7[%get3A_12] {strides = array<i32>} : memref<64xf32, #tpu.memory_space<vmem>>, vector<16xf32>,
    %add3A_14 = arith.constant 0 : i32
    %add3A_15 = arith.addi %mul3A_2, %add3A_14 : i32
    "tpu.region"() ({
      %run_scoped3A = tpu.sem_alloc : memref<!tpu.dma_semaphore, #tpu.memory_space<semaphore_mem>>
      %dma_start3A = arith.constant 0 : i32
      %dma_start3A_21 = tpu.memref_slice %arg2[%add3A_15, %dma_start3A] : memref<4096x64xf32, #tpu.memory_space<hbm>> -> memref<128x64xf32, #tpu.memory_space<hbm>>
      %dma_start3A_22 = arith.constant 0 : i32
      %dma_start3A_23 = tpu.memref_slice %arg2[%add3A_15, %dma_start3A_22] : memref<4096x64xf32, #tpu.memory_space<hbm>> -> memref<128x64xf32, #tpu.memory_space<hbm>>
      tpu.enqueue_dma source(%dma_start3A_23 : memref<128x64xf32, #tpu.memory_space<hbm>>) target(%arg5 : memref<128x64xf32, #tpu.memory_space<vmem>>) target_semaphore(%run_scoped3A : memref<!tpu.dma_semaphore, #tpu.memory_space<semaphore_mem>>)
      %dma_wait3A = arith.constant 0 : i32
      %dma_wait3A_24 = tpu.memref_slice %arg2[%add3A_15, %dma_wait3A] : memref<4096x64xf32, #tpu.memory_space<hbm>> -> memref<128x64xf32, #tpu.memory_space<hbm>>
      %dma_wait3A_25 = arith.constant 0 : i32
      %dma_wait3A_26 = tpu.memref_slice %arg2[%add3A_15, %dma_wait3A_25] : memref<4096x64xf32, #tpu.memory_space<hbm>> -> memref<128x64xf32, #tpu.memory_space<hbm>>
      tpu.wait_dma2 semaphore(%run_scoped3A : memref<!tpu.dma_semaphore, #tpu.memory_space<semaphore_mem>>) src(%dma_wait3A_26 : memref<128x64xf32, #tpu.memory_space<hbm>>) dst(%arg5 : memref<128x64xf32, #tpu.memory_space<vmem>>)
      tpu.yield
    }) : () -> ()
    %scan3A = arith.constant 0xFF800000 : f32
    %scan3A_16 = arith.constant 0 : i32
    %scan3A_17 = arith.constant 128 : i32
    %scan3A_18 = arith.addi %scan3A_16, %scan3A_17 : i32
    %scan3A_19 = arith.constant 1 : i32
    scf.for %scan3A_21 = %scan3A_16 to %scan3A_18 step %scan3A_19  : i32 {
      %get3A_22 = arith.index_cast %scan3A_21 : i32 to index
      %get3A_23 = arith.constant 0 : index
      %get3A_24 = tpu.vector_load %arg5[%get3A_22, %get3A_23] {strides = array<i32>} : memref<128x64xf32, #tpu.memory_space<vmem>>, vector<16xf32>,
      %add3A_25 = arith.addf %get3A_24, %get3A_7 : vector<16xf32>
      %add3A_26 = arith.constant 0 : i32
      %add3A_27 = vector.broadcast %add3A_26 : i32 to vector<16xi32>
      %add3A_28 = arith.addi %iota3A, %add3A_27 : vector<16xi32>
      %masked_sort3A = arith.constant dense<true> : vector<16xi1>
      %masked_sort3A_29, %masked_sort3A_30, %masked_sort3A_31 = tpu.sort %add3A_25, %add3A_28 masked %masked_sort3A {descending = true} : (vector<16xf32>, vector<16xi32>, vector<16xi1>) -> (vector<16xi1>, vector<16xf32>, vector<16xi32>)
      %get3A_32 = arith.index_cast %scan3A_21 : i32 to index
      %get3A_33 = arith.constant 16 : index
      %get3A_34 = tpu.vector_load %arg5[%get3A_32, %get3A_33] {strides = array<i32>} : memref<128x64xf32, #tpu.memory_space<vmem>>, vector<16xf32>,
      %add3A_35 = arith.addf %get3A_34, %get3A_9 : vector<16xf32>
      %add3A_36 = arith.constant 16 : i32
      %add3A_37 = vector.broadcast %add3A_36 : i32 to vector<16xi32>
      %add3A_38 = arith.addi %iota3A, %add3A_37 : vector<16xi32>
      %masked_sort3A_39 = arith.constant dense<true> : vector<16xi1>
      %masked_sort3A_40, %masked_sort3A_41, %masked_sort3A_42 = tpu.sort %add3A_35, %add3A_38 masked %masked_sort3A_39 {descending = true} : (vector<16xf32>, vector<16xi32>, vector<16xi1>) -> (vector<16xi1>, vector<16xf32>, vector<16xi32>)
      %get3A_43 = arith.index_cast %scan3A_21 : i32 to index
      %get3A_44 = arith.constant 32 : index
      %get3A_45 = tpu.vector_load %arg5[%get3A_43, %get3A_44] {strides = array<i32>} : memref<128x64xf32, #tpu.memory_space<vmem>>, vector<16xf32>,
      %add3A_46 = arith.addf %get3A_45, %get3A_11 : vector<16xf32>
      %add3A_47 = arith.constant 32 : i32
      %add3A_48 = vector.broadcast %add3A_47 : i32 to vector<16xi32>
      %add3A_49 = arith.addi %iota3A, %add3A_48 : vector<16xi32>
      %masked_sort3A_50 = arith.constant dense<true> : vector<16xi1>
      %masked_sort3A_51, %masked_sort3A_52, %masked_sort3A_53 = tpu.sort %add3A_46, %add3A_49 masked %masked_sort3A_50 {descending = true} : (vector<16xf32>, vector<16xi32>, vector<16xi1>) -> (vector<16xi1>, vector<16xf32>, vector<16xi32>)
      %get3A_54 = arith.index_cast %scan3A_21 : i32 to index
      %get3A_55 = arith.constant 48 : index
      %get3A_56 = tpu.vector_load %arg5[%get3A_54, %get3A_55] {strides = array<i32>} : memref<128x64xf32, #tpu.memory_space<vmem>>, vector<16xf32>,
      %add3A_57 = arith.addf %get3A_56, %get3A_13 : vector<16xf32>
      %add3A_58 = arith.constant 48 : i32
      %add3A_59 = vector.broadcast %add3A_58 : i32 to vector<16xi32>
      %add3A_60 = arith.addi %iota3A, %add3A_59 : vector<16xi32>
      %masked_sort3A_61 = arith.constant dense<true> : vector<16xi1>
      %masked_sort3A_62, %masked_sort3A_63, %masked_sort3A_64 = tpu.sort %add3A_57, %add3A_60 masked %masked_sort3A_61 {descending = true} : (vector<16xf32>, vector<16xi32>, vector<16xi1>) -> (vector<16xi1>, vector<16xf32>, vector<16xi32>)
      %reshape3A = vector.shape_cast %select_n3A : vector<16xi32> to vector<16x1xi32>
      %gather3A = vector.shape_cast %reshape3A : vector<16x1xi32> to vector<16xi32>
      %gather3A_65 = tpu.dynamic_gather %masked_sort3A_41[%gather3A] in [0] : vector<16xf32>, vector<16xi32> -> vector<16xf32>
      %select_n3A_66 = arith.select %lt3A_4, %masked_sort3A_30, %gather3A_65 : vector<16xi1>, vector<16xf32>
      %reshape3A_67 = vector.shape_cast %select_n3A : vector<16xi32> to vector<16x1xi32>
      %gather3A_68 = vector.shape_cast %reshape3A_67 : vector<16x1xi32> to vector<16xi32>
      %gather3A_69 = tpu.dynamic_gather %masked_sort3A_42[%gather3A_68] in [0] : vector<16xi32>, vector<16xi32> -> vector<16xi32>
      %select_n3A_70 = arith.select %lt3A_4, %masked_sort3A_31, %gather3A_69 : vector<16xi1>, vector<16xi32>
      %masked_sort3A_71 = arith.constant dense<true> : vector<16xi1>
      %masked_sort3A_72, %masked_sort3A_73, %masked_sort3A_74 = tpu.sort %select_n3A_66, %select_n3A_70 masked %masked_sort3A_71 {descending = true} : (vector<16xf32>, vector<16xi32>, vector<16xi1>) -> (vector<16xi1>, vector<16xf32>, vector<16xi32>)
      %reshape3A_75 = vector.shape_cast %select_n3A : vector<16xi32> to vector<16x1xi32>
      %gather3A_76 = vector.shape_cast %reshape3A_75 : vector<16x1xi32> to vector<16xi32>
      %gather3A_77 = tpu.dynamic_gather %masked_sort3A_63[%gather3A_76] in [0] : vector<16xf32>, vector<16xi32> -> vector<16xf32>
      %select_n3A_78 = arith.select %lt3A_4, %masked_sort3A_52, %gather3A_77 : vector<16xi1>, vector<16xf32>
      %reshape3A_79 = vector.shape_cast %select_n3A : vector<16xi32> to vector<16x1xi32>
      %gather3A_80 = vector.shape_cast %reshape3A_79 : vector<16x1xi32> to vector<16xi32>
      %gather3A_81 = tpu.dynamic_gather %masked_sort3A_64[%gather3A_80] in [0] : vector<16xi32>, vector<16xi32> -> vector<16xi32>
      %select_n3A_82 = arith.select %lt3A_4, %masked_sort3A_53, %gather3A_81 : vector<16xi1>, vector<16xi32>
      %masked_sort3A_83 = arith.constant dense<true> : vector<16xi1>
      %masked_sort3A_84, %masked_sort3A_85, %masked_sort3A_86 = tpu.sort %select_n3A_78, %select_n3A_82 masked %masked_sort3A_83 {descending = true} : (vector<16xf32>, vector<16xi32>, vector<16xi1>) -> (vector<16xi1>, vector<16xf32>, vector<16xi32>)
      %reshape3A_87 = vector.shape_cast %select_n3A : vector<16xi32> to vector<16x1xi32>
      %gather3A_88 = vector.shape_cast %reshape3A_87 : vector<16x1xi32> to vector<16xi32>
      %gather3A_89 = tpu.dynamic_gather %masked_sort3A_85[%gather3A_88] in [0] : vector<16xf32>, vector<16xi32> -> vector<16xf32>
      %select_n3A_90 = arith.select %lt3A_4, %masked_sort3A_73, %gather3A_89 : vector<16xi1>, vector<16xf32>
      %reshape3A_91 = vector.shape_cast %select_n3A : vector<16xi32> to vector<16x1xi32>
      %gather3A_92 = vector.shape_cast %reshape3A_91 : vector<16x1xi32> to vector<16xi32>
      %gather3A_93 = tpu.dynamic_gather %masked_sort3A_86[%gather3A_92] in [0] : vector<16xi32>, vector<16xi32> -> vector<16xi32>
      %select_n3A_94 = arith.select %lt3A_4, %masked_sort3A_74, %gather3A_93 : vector<16xi1>, vector<16xi32>
      %masked_sort3A_95 = arith.constant dense<true> : vector<16xi1>
      %masked_sort3A_96, %masked_sort3A_97, %masked_sort3A_98 = tpu.sort %select_n3A_90, %select_n3A_94 masked %masked_sort3A_95 {descending = true} : (vector<16xf32>, vector<16xi32>, vector<16xi1>) -> (vector<16xi1>, vector<16xf32>, vector<16xi32>)
      %and3A = arith.constant 15 : i32
      %and3A_99 = vector.broadcast %and3A : i32 to vector<16xi32>
      %and3A_100 = arith.andi %masked_sort3A_98, %and3A_99 : vector<16xi32>
      %reshape3A_101 = vector.shape_cast %and3A_100 : vector<16xi32> to vector<16x1xi32>
      %gather3A_102 = vector.shape_cast %reshape3A_101 : vector<16x1xi32> to vector<16xi32>
      %gather3A_103 = tpu.dynamic_gather %get3A_7[%gather3A_102] in [0] : vector<16xf32>, vector<16xi32> -> vector<16xf32>
      %reshape3A_104 = vector.shape_cast %and3A_100 : vector<16xi32> to vector<16x1xi32>
      %gather3A_105 = vector.shape_cast %reshape3A_104 : vector<16x1xi32> to vector<16xi32>
      %gather3A_106 = tpu.dynamic_gather %get3A_9[%gather3A_105] in [0] : vector<16xf32>, vector<16xi32> -> vector<16xf32>
      %reshape3A_107 = vector.shape_cast %and3A_100 : vector<16xi32> to vector<16x1xi32>
      %gather3A_108 = vector.shape_cast %reshape3A_107 : vector<16x1xi32> to vector<16xi32>
      %gather3A_109 = tpu.dynamic_gather %get3A_11[%gather3A_108] in [0] : vector<16xf32>, vector<16xi32> -> vector<16xf32>
      %reshape3A_110 = vector.shape_cast %and3A_100 : vector<16xi32> to vector<16x1xi32>
      %gather3A_111 = vector.shape_cast %reshape3A_110 : vector<16x1xi32> to vector<16xi32>
      %gather3A_112 = tpu.dynamic_gather %get3A_13[%gather3A_111] in [0] : vector<16xf32>, vector<16xi32> -> vector<16xf32>
      %lt3A_113 = arith.constant 16 : i32
      %lt3A_114 = vector.broadcast %lt3A_113 : i32 to vector<16xi32>
      %lt3A_115 = arith.cmpi slt, %masked_sort3A_98, %lt3A_114 : vector<16xi32>
      %lt3A_116 = arith.constant 32 : i32
      %lt3A_117 = vector.broadcast %lt3A_116 : i32 to vector<16xi32>
      %lt3A_118 = arith.cmpi slt, %masked_sort3A_98, %lt3A_117 : vector<16xi32>
      %lt3A_119 = arith.constant 48 : i32
      %lt3A_120 = vector.broadcast %lt3A_119 : i32 to vector<16xi32>
      %lt3A_121 = arith.cmpi slt, %masked_sort3A_98, %lt3A_120 : vector<16xi32>
      %select_n3A_122 = arith.select %lt3A_121, %gather3A_109, %gather3A_112 : vector<16xi1>, vector<16xf32>
      %select_n3A_123 = arith.select %lt3A_118, %gather3A_106, %select_n3A_122 : vector<16xi1>, vector<16xf32>
      %select_n3A_124 = arith.select %lt3A_115, %gather3A_103, %select_n3A_123 : vector<16xi1>, vector<16xf32>
      %sub3A_125 = arith.subf %masked_sort3A_97, %select_n3A_124 : vector<16xf32>
      %broadcast_in_dim3A = vector.broadcast %scan3A : f32 to vector<16xf32>
      %select_n3A_126 = arith.select %lt3A_4, %sub3A_125, %broadcast_in_dim3A : vector<16xi1>, vector<16xf32>
      %reduce_max3A = arith.constant true
      %reduce_max3A_127 = vector.broadcast %reduce_max3A : i1 to vector<16xi1>
      %reduce_max3A_128 = tpu.scan <max>, %select_n3A_126 masked %reduce_max3A_127 : vector<16xf32>, vector<16xi1> -> vector<16xf32>
      %reduce_max3A_129 = vector.extract %reduce_max3A_128[15] : f32 from vector<16xf32>
      %sub3A_130 = vector.broadcast %reduce_max3A_129 : f32 to vector<16xf32>
      %sub3A_131 = arith.subf %sub3A_125, %sub3A_130 : vector<16xf32>
      %exp3A = math.exp %sub3A_131 : vector<16xf32>
      %jit3A = arith.constant 0.000000e+00 : f32
      %broadcast_in_dim3A_132 = vector.broadcast %jit3A : f32 to vector<16xf32>
      %select_n3A_133 = arith.select %lt3A_4, %exp3A, %broadcast_in_dim3A_132 : vector<16xi1>, vector<16xf32>
      %reduce_sum3A = arith.constant true
      %reduce_sum3A_134 = vector.broadcast %reduce_sum3A : i1 to vector<16xi1>
      %reduce_sum3A_135 = tpu.scan <sum>, %select_n3A_133 masked %reduce_sum3A_134 : vector<16xf32>, vector<16xi1> -> vector<16xf32>
      %reduce_sum3A_136 = vector.extract %reduce_sum3A_135[15] : f32 from vector<16xf32>
      %div3A = vector.broadcast %reduce_sum3A_136 : f32 to vector<16xf32>
      %div3A_137 = arith.divf %select_n3A_133, %div3A : vector<16xf32>
      %bitcast3A = vector.bitcast %masked_sort3A_98 : vector<16xi32> to vector<16xf32>
      %reshape3A_138 = vector.shape_cast %select_n3A : vector<16xi32> to vector<16x1xi32>
      %gather3A_139 = vector.shape_cast %reshape3A_138 : vector<16x1xi32> to vector<16xi32>
      %gather3A_140 = tpu.dynamic_gather %bitcast3A[%gather3A_139] in [0] : vector<16xf32>, vector<16xi32> -> vector<16xf32>
      %select_n3A_141 = arith.select %lt3A_4, %div3A_137, %gather3A_140 : vector<16xi1>, vector<16xf32>
      %swap3A = arith.index_cast %scan3A_21 : i32 to index
      %swap3A_142 = arith.constant 0 : index
      %swap3A_143 = tpu.vector_load %arg6[%swap3A, %swap3A_142] {strides = array<i32>} : memref<128x16xf32, #tpu.memory_space<vmem>>, vector<16xf32>,
      tpu.vector_store %arg6[%swap3A, %swap3A_142], %select_n3A_141 {strides = array<i32>} : memref<128x16xf32, #tpu.memory_space<vmem>>, vector<16xf32>,
    }
    %scan3A_20 = arith.constant 128 : i32
    "tpu.region"() ({
      %run_scoped3A = tpu.sem_alloc : memref<!tpu.dma_semaphore, #tpu.memory_space<semaphore_mem>>
      %dma_start3A = arith.constant 0 : i32
      %dma_start3A_21 = tpu.memref_slice %arg4[%add3A_15, %dma_start3A] : memref<4096x16xf32, #tpu.memory_space<hbm>> -> memref<128x16xf32, #tpu.memory_space<hbm>>
      %dma_start3A_22 = arith.constant 0 : i32
      %dma_start3A_23 = tpu.memref_slice %arg4[%add3A_15, %dma_start3A_22] : memref<4096x16xf32, #tpu.memory_space<hbm>> -> memref<128x16xf32, #tpu.memory_space<hbm>>
      tpu.enqueue_dma source(%arg6 : memref<128x16xf32, #tpu.memory_space<vmem>>) target(%dma_start3A_23 : memref<128x16xf32, #tpu.memory_space<hbm>>) target_semaphore(%run_scoped3A : memref<!tpu.dma_semaphore, #tpu.memory_space<semaphore_mem>>)
      %dma_wait3A = arith.constant 0 : i32
      %dma_wait3A_24 = tpu.memref_slice %arg4[%add3A_15, %dma_wait3A] : memref<4096x16xf32, #tpu.memory_space<hbm>> -> memref<128x16xf32, #tpu.memory_space<hbm>>
      %dma_wait3A_25 = arith.constant 0 : i32
      %dma_wait3A_26 = tpu.memref_slice %arg4[%add3A_15, %dma_wait3A_25] : memref<4096x16xf32, #tpu.memory_space<hbm>> -> memref<128x16xf32, #tpu.memory_space<hbm>>
      tpu.wait_dma2 semaphore(%run_scoped3A : memref<!tpu.dma_semaphore, #tpu.memory_space<semaphore_mem>>) src(%arg6 : memref<128x16xf32, #tpu.memory_space<vmem>>) dst(%dma_wait3A_26 : memref<128x16xf32, #tpu.memory_space<hbm>>)
      tpu.yield
    }) : () -> ()
    return
  }
}

module attributes {stable_mosaic.version = 14 : i64} {
  func.func @_logits_block_kernel(%arg0: i32, %arg1: memref<1024x4096xf32, #tpu.memory_space<vmem>>, %arg2: memref<4096x64xbf16, #tpu.memory_space<vmem>>, %arg3: memref<1024x64xf32, #tpu.memory_space<vmem>>) attributes {dimension_semantics = [#tpu.dimension_semantics<arbitrary>], iteration_bounds = array<i64: 4>, scalar_prefetch = 0 : i64, scratch_operands = 0 : i64, tpu.core_type = #tpu.core_type<tc>, window_params = [{transform_indices = @transform_0, window_bounds = array<i64: 1024, 4096>}, {pipeline_mode = #tpu.pipeline_mode<synchronous>, transform_indices = @transform_1, window_bounds = array<i64: 4096, 64>}, {transform_indices = @transform_2, window_bounds = array<i64: 1024, 64>}]} {
    %get3A = arith.constant 0 : index
    %get3A_0 = arith.constant 0 : index
    %get3A_1 = vector.load %arg1[%get3A, %get3A_0] : memref<1024x4096xf32, #tpu.memory_space<vmem>>, vector<1024x4096xf32>
    %convert_element_type3A = arith.truncf %get3A_1 : vector<1024x4096xf32> to vector<1024x4096xbf16>
    %get3A_2 = arith.constant 0 : index
    %get3A_3 = arith.constant 0 : index
    %get3A_4 = vector.load %arg2[%get3A_2, %get3A_3] : memref<4096x64xbf16, #tpu.memory_space<vmem>>, vector<4096x64xbf16>
    %dot_general3A = arith.constant dense<0.000000e+00> : vector<1024x64xf32>
    %dot_general3A_5 = tpu.matmul %convert_element_type3A, %get3A_4, %dot_general3A {dimension_numbers = #tpu.dot_dimension_numbers<[1], [0], [0], [1], [0, 0, 1, 1], [], []>, transpose_lhs_hint = false} : vector<1024x4096xbf16>, vector<4096x64xbf16>, vector<1024x64xf32> -> vector<1024x64xf32>
    %mul3A = arith.constant 1.562500e-02 : f32
    %mul3A_6 = vector.broadcast %mul3A : f32 to vector<1024x64xf32>
    %mul3A_7 = arith.mulf %dot_general3A_5, %mul3A_6 : vector<1024x64xf32>
    %swap3A = arith.constant 0 : index
    %swap3A_8 = arith.constant 0 : index
    %swap3A_9 = vector.load %arg3[%swap3A, %swap3A_8] : memref<1024x64xf32, #tpu.memory_space<vmem>>, vector<1024x64xf32>
    tpu.vector_store %arg3[%swap3A, %swap3A_8], %mul3A_7 {strides = array<i32>} : memref<1024x64xf32, #tpu.memory_space<vmem>>, vector<1024x64xf32>,
    return
  }
  func.func @transform_0(%arg0: i32) -> (i32, i32) {
    %c0_i32 = arith.constant 0 : i32
    %c0_i32_0 = arith.constant 0 : i32
    return %arg0, %c0_i32 : i32, i32
  }
  func.func @transform_1(%arg0: i32) -> (i32, i32) {
    %c0_i32 = arith.constant 0 : i32
    %c0_i32_0 = arith.constant 0 : i32
    %c0_i32_1 = arith.constant 0 : i32
    return %c0_i32, %c0_i32_0 : i32, i32
  }
  func.func @transform_2(%arg0: i32) -> (i32, i32) {
    %c0_i32 = arith.constant 0 : i32
    %c0_i32_0 = arith.constant 0 : i32
    return %arg0, %c0_i32 : i32, i32
  }
}

</mosaic_0001>

<sc_bundles>
// kernel: kernel.10.cloned.1.call-start
scs
__scs_entry_jumppad:
0x0: {  	(pc) =	sbr.rel $0x88, $3  }
0x1: {  	(tag) =	ssettag $0x0;
	lr =	simm.s32 $0x1  }
0x2: {  	[smem:$0x3F9E] =	sst lr;
	_ =	strace $0xD0000000  }
0x3: {  	_ = 	snop  }
0x4: {  	_ = 	snop  }
0x5: {  	_ = 	snop  }
0x6: {  	_ = 	snop  }
0x7: {  	_ = 	snop  }
__scs_overlays_trampoline_lowered:
0x8: {  	[smem:$0x3FAD] =	sst s0  }
0x9: {  	[smem:$0x3FAE] =	sst s1  }
0xa: {  	[smem:$0x3FAF] =	sst s2  }
0xb: {  	[smem:$0x3FB0] =	sst s3  }
0xc: {  	[smem:$0x3FB1] =	sst s4  }
0xd: {  	[smem:$0x3FB2] =	sst s5  }
0xe: {  	[smem:$0x3FB3] =	sst s6  }
0xf: {  	[smem:$0x3FB4] =	sst s7  }
0x10: {  	[smem:$0x3FB5] =	sst s8  }
0x11: {  	[smem:$0x3FB6] =	sst s9;
	s0 =	simm.s32 @!p0 $0x0  }
0x12: {  	s1 =	sld [smem:$0x3F9C];
	s0 =	simm.s32 @p0 $0x1  }
0x13: {  	[smem:$0x3FB7] =	sst s0;
	s0 =	simm.s32 @!p1 $0x0  }
0x14: {  	s2 =	sld [smem:$0x3F9B];
	s0 =	simm.s32 @p1 $0x1  }
0x15: {  	[smem:$0x3FB8] =	sst s0;
	s0 =	simm.s32 @!p2 $0x0  }
0x16: {  	s3 =	sld [smem:$0x3FDB];
	s0 =	simm.s32 @p2 $0x1  }
0x17: {  	s4 =	simm.s32 $0x1BF5;
	[smem:$0x3FBA] =	sst s0  }
0x18: {  	s0 =	sld [smem:$0x3F9D];
	_ =	swait.ge [sflag:s4], $0x0  }
0x19: {  	s7 =	sld [smem:$0x3F9E]  }
0x1a: {  	s8 =	sadd.s32 $0xFFFFE003, lr  }
0x1b: {  	s9 =	sadd.s32 $0xFFFFFEF7, lr;
	s5 =	simm.s32 $0xFFFFFFFF;
	p2 =	slt.u32 s8, $0xFFFFF086  }
0x1c: {  	p1 =	slt.u32 s9, $0xF7A;
	s5 =	simm.s32 @!p2 $0x0  }
0x1d: {  	s5 =	simm.s32 @p1 $0x1;
	p0 =	seq.s32 s7, s2  }
0x1e: {  	s7 =	smul.u32 @!p0 $0xF7A, s2;
	p2 =	seq.s32 @!p0 s5, $0x0  }
0x1f: {  	s9 =	smul.u32 $0xF7A, s1;
	s8 =	simm.s32 @!p0 $0x1BF5;
	p2 =	por !p2, p0  }
0x20: {  	[sflag:s8] =	ssyncset.s32 @!p0 $0xFFFFF086;
	s6 =	sadd.s32 @!p0 s3, s7;
	s7 =	simm.s32 @!p0 $0x108  }
0x21: {  	s3 =	sadd.s32 s3, s9;
	s6 =	sadd.s32 @!p0 $0x88, s6;
	s7 =	simm.s32 @p2 $0x1082  }
0x22: {  	[simem:s7], [sflag:s8] =	dma.local @!p0 [hbm:s6], $0xF7A  }
0x23: {  	s9 =	sor.u32 $0xD0000000, s2;
	s6 =	simm.s32 $0x108;
	_ =	swait.ge @!p0 [sflag:s8], $0x0  }
0x24: {  	s3 =	sadd.s32 $0x88, s3;
	s6 =	simm.s32 @!p1 $0x1082;
	[sflag:s4] =	ssyncset.s32 $0xFFFFF086  }
0x25: {  	[simem:s6], [sflag:s4] =	dma.local [hbm:s3], $0xF7A  }
0x26: {  	[smem:$0x3F9E] =	sst s1;
	(tag) =	ssettag s2;
	_ =	strace s9  }
0x27: {  	s1 =	sld [smem:$0x3FAE]  }
0x28: {  	s2 =	sld [smem:$0x3FAF]  }
0x29: {  	s4 =	sld [smem:$0x3FB1]  }
0x2a: {  	p0 =	seq.s32 s5, $0x0;
	s5 =	sld [smem:$0x3FB2]  }
0x2b: {  	s6 =	sld [smem:$0x3FB3]  }
0x2c: {  	s7 =	sld [smem:$0x3FB4]  }
0x2d: {  	s3 =	simm.s32 $0x108;
	s8 =	sld [smem:$0x3FB5]  }
0x2e: {  	s3 =	simm.s32 @!p0 $0x1082;
	s9 =	sld [smem:$0x3FB6]  }
0x2f: {  	lr =	sadd.s32 s0, s3;
	s0 =	sld [smem:$0x3FAD]  }
0x30: {  	s3 =	sld [smem:$0x3FB0]  }
0x31: {  	[smem:$0x3FB9] =	sst s10  }
0x32: {  	s10 =	sld [smem:$0x3FB7];
	_ =	sdelay $0x3  }
0x33: {  	p0 =	seq.s32 s10, $0x1;
	s10 =	sld [smem:$0x3FB9];
	_ =	sdelay $0x3  }
0x34: {  	[smem:$0x3FB9] =	sst s10  }
0x35: {  	s10 =	sld [smem:$0x3FB8];
	_ =	sdelay $0x3  }
0x36: {  	p1 =	seq.s32 s10, $0x1;
	s10 =	sld [smem:$0x3FB9];
	_ =	sdelay $0x3  }
0x37: {  	[smem:$0x3FB9] =	sst s10  }
0x38: {  	s10 =	sld [smem:$0x3FBA]  }
0x39: {  	_ = 	snop;
	(pc) =	sbr.ind lr, $3  }
0x3a: {  	_ = 	snop  }
0x3b: {  	_ = 	snop  }
0x3c: {  	p2 =	seq.s32 s10, $0x1;
	s10 =	sld [smem:$0x3FB9]  }
0x3d: {  	_ =	shalt  }
0x3e: {  	_ =	shalt  }
0x3f: {  	_ =	shalt  }
0x40: {  	_ =	shalt  }
0x41: {  	_ =	shalt  }
0x42: {  	_ =	shalt  }
0x43: {  	_ =	shalt  }
0x44: {  	_ =	shalt  }
0x45: {  	_ =	shalt  }
0x46: {  	_ =	shalt  }
0x47: {  	_ =	shalt  }
0x48: {  	_ =	shalt  }
0x49: {  	_ =	shalt  }
0x4a: {  	_ =	shalt  }
0x4b: {  	_ =	shalt  }
0x4c: {  	_ =	shalt  }
0x4d: {  	_ =	shalt  }
0x4e: {  	_ =	shalt  }
0x4f: {  	_ =	shalt  }
0x50: {  	_ =	shalt  }
0x51: {  	_ =	shalt  }
0x52: {  	_ =	shalt  }
0x53: {  	_ =	shalt  }
0x54: {  	_ =	shalt  }
0x55: {  	_ =	shalt  }
0x56: {  	_ =	shalt  }
0x57: {  	_ =	shalt  }
0x58: {  	_ =	shalt  }
0x59: {  	_ =	shalt  }
0x5a: {  	_ =	shalt  }
0x5b: {  	_ =	shalt  }
0x5c: {  	_ =	shalt  }
0x5d: {  	_ =	shalt  }
0x5e: {  	_ =	shalt  }
0x5f: {  	_ =	shalt  }
0x60: {  	_ =	shalt  }
0x61: {  	_ =	shalt  }
0x62: {  	_ =	shalt  }
0x63: {  	_ =	shalt  }
0x64: {  	_ =	shalt  }
0x65: {  	_ =	shalt  }
0x66: {  	_ =	shalt  }
0x67: {  	_ =	shalt  }
0x68: {  	_ =	shalt  }
0x69: {  	_ =	shalt  }
0x6a: {  	_ =	shalt  }
0x6b: {  	_ =	shalt  }
0x6c: {  	_ =	shalt  }
0x6d: {  	_ =	shalt  }
0x6e: {  	_ =	shalt  }
0x6f: {  	_ =	shalt  }
0x70: {  	_ =	shalt  }
0x71: {  	_ =	shalt  }
0x72: {  	_ =	shalt  }
0x73: {  	_ =	shalt  }
0x74: {  	_ =	shalt  }
0x75: {  	_ =	shalt  }
0x76: {  	_ =	shalt  }
0x77: {  	_ =	shalt  }
0x78: {  	_ =	shalt  }
0x79: {  	_ =	shalt  }
0x7a: {  	_ =	shalt  }
0x7b: {  	_ =	shalt  }
0x7c: {  	_ =	shalt  }
0x7d: {  	_ =	shalt  }
0x7e: {  	_ =	shalt  }
0x7f: {  	_ =	shalt  }
0x80: {  	_ =	shalt  }
0x81: {  	_ =	shalt  }
0x82: {  	_ =	shalt  }
0x83: {  	_ =	shalt  }
0x84: {  	_ =	shalt  }
0x85: {  	_ =	shalt  }
0x86: {  	_ =	shalt  }
0x87: {  	_ =	shalt  }
.Lfunc_end0:
.L_simem_size_0:
called_computation_lowered:
.L_overlay_start_0:
0x88: {  	s2 =	sld [smem:$0x3FD9]  }
0x89: {  	s3 =	sld [smem:$0x3FFE];
	_ =	sdelay $0x1  }
0x8a: {  	s1 =	srdreg.scid  }
0x8b: {  	s0 =	sand.u32 $0x1, s1  }
0x8c: {  	s17 =	sshll.u32 s0, $0xA;
	s2 =	sadd.s32 s3, s2  }
0x8d: {  	s2 =	sadd.s32 s2, s17  }
0x8e: {  	[smem:$0x3FC5] =	sst s2  }
0x8f: {  	_ = 	snop  }
0x90: {  	s18 =	sld [smem:$0x3FC7];
	(tm) =	ssettm $0x1  }
0x91: {  	s19 =	sld [smem:$0x3FFB];
	_ =	sdelay $0x3  }
0x92: {  	_ =	strace s19  }
0x93: {  	s2 =	sld [smem:$0x3FFC];
	_ =	sdelay $0x3  }
0x94: {  	_ =	strace s2  }
0x95: {  	s2 =	sld [smem:$0x3FFD];
	_ =	sdelay $0x3  }
0x96: {  	_ =	strace s2  }
0x97: {  	_ =	strace $0x8FFFFFFF  }
0x98: {  	s20 =	sld [smem:$0x3FDB];
	_ =	sdelay $0x1  }
0x99: {  	s4 =	simm.s32 $_scs_section_size  }
0x9a: {  	s5 =	simm.s32 $_size__tile_overlayer_lowered;
	s6 =	simm.s32 $_tile_overlayer_lowered  }
0x9b: {  	s7 =	simm.s32 $0x1BFF;
	s21 =	sshll.u32 s6, $0x1;
	s4 =	sadd.s32 s4, s20  }
0x9c: {  	s22 =	simm.s32 $0x0;
	s5 =	sshll.u32 s5, $0x1;
	s6 =	sadd.s32 s21, s4  }
0x9d: {  	[timem:s22], [sflag:s7] =	dma.local [hbm:s6], s5  }
0x9e: {  	_ =	swait.ge [sflag:s7], s5  }
0x9f: {  	s5 =	ssub.s32 $0x0, s5;
	[sflag:s7] =	ssyncset.done $0x0  }
0xa0: {  	[sflag:s7] =	ssyncadd.s32 s5;
	_ =	sdelay $0x1  }
0xa1: {  	s23 =	simm.s32 $0x1B8B  }
0xa2: {  	_ =	swait.ge [sflag:s23], $0x1  }
0xa3: {  	[sflag:s23] =	ssyncset.done $0x0  }
0xa4: {  	[sflag:s23] =	ssyncadd.s32 $0xFFFFFFFF  }
0xa5: {  	s5 =	sld [smem:$0x0]  }
0xa6: {  	s6 =	sand.u32 $0xFFFFFFFE, s1  }
0xa7: {  	p0 =	sne.s32 s1, s6  }
0xa8: {  	s6 =	sshll.u32 @p0 s6, $0xE  }
0xa9: {  	s6 =	sadd.s32 @p0 $0x11B8D, s6;
	s7 =	sshll.u32 @p0 s5, $0x11  }
0xaa: {  	s6 =	sor.u32 @p0 s7, s6  }
0xab: {  	[sflag:s6] =	ssyncadd.remote.s32 @p0 $0x1;
	_ =	sdelay $0x1  }
0xac: {  	s6 =	simm.s32 @p0 $0x1B8D  }
0xad: {  	_ =	swait.eq @p0 [sflag:s6], $0x1  }
0xae: {  	[sflag:s6] =	ssyncadd.s32 @p0 $0xFFFFFFFF  }
0xaf: {  	s7 =	sshll.u32 @!p0 s1, $0xE  }
0xb0: {  	s7 =	sor.u32 @!p0 $0x4000, s7;
	s6 =	simm.s32 @!p0 $0x1B8D  }
0xb1: {  	s5 =	sshll.u32 @!p0 s5, $0x11;
	s7 =	sadd.s32 @!p0 $0x11B8D, s7;
	_ =	swait.eq @!p0 [sflag:s6], $0x1  }
0xb2: {  	s5 =	sor.u32 @!p0 s5, s7;
	[sflag:s6] =	ssyncadd.s32 @!p0 $0xFFFFFFFF  }
0xb3: {  	s25 =	simm.s32 $0x1B8E;
	s24 =	sld [smem:$0x3FFE];
	[sflag:s5] =	ssyncadd.remote.s32 @!p0 $0x1  }
0xb4: {  	s26 =	simm.s32 $execute0_lowered;
	[smem:$0x3FD2] =	sst s25  }
0xb5: {  	s6 =	sshll.u32 s26, $0x1;
	_ =	strace $0x8000004F;
	[dreg:$0x1] =	wrdreg $0xFFFFFFFF  }
0xb6: {  	s28 =	simm.s32 $_size_execute0_lowered;
	s4 =	sadd.s32 s4, s6;
	[dreg:$0x0] =	wrdreg $0x0  }
0xb7: {  	s6 =	sshll.u32 s28, $0x1;
	[dreg:$0x2] =	wrdreg s4  }
0xb8: {  	[dreg:$0x3] =	wrdreg s6  }
0xb9: {  	[dreg:$0x4] =	wrdreg $0xC0  }
0xba: {  	_ =	task [dreg:s22], $0x5FFFF  }
0xbb: {  	[dreg:$0x1] =	wrdreg $0xFFFFFFFF  }
0xbc: {  	[dreg:$0x0] =	wrdreg $0x60  }
0xbd: {  	[dreg:$0x2] =	wrdreg s24  }
0xbe: {  	[dreg:$0x3] =	wrdreg s18  }
0xbf: {  	[dreg:$0x4] =	wrdreg $0x9  }
0xc0: {  	_ =	task.clear_ibuf [dreg:s22], $0x5FFFF;
	_ =	strace $0x9000004F  }
0xc1: {  	s29 =	simm.s32 $0x9;
	_ =	strace $0x80000051  }
0xc2: {  	_ =	swait.ge [sflag:s29], $0x1  }
0xc3: {  	[sflag:s29] =	ssyncadd.s32 $0xFFFFFFFF  }
0xc4: {  	_ =	strace $0x90000051  }
0xc5: {  	_ =	sfence  }
0xc6: {  	s30 =	sld [smem:$0x0];
	_ =	sdelay $0x2  }
0xc7: {  	s31 =	sshll.u32 s1, $0xD;
	s1 =	sshrl.u32 s1, $0x2  }
0xc8: {  	s4 =	sand.u32 $0x4000, s31;
	s1 =	sadd.s32 s1, s30  }
0xc9: {  	s0 =	sor.u32 s4, s0;
	s1 =	sshll.u32 s1, $0x11  }
0xca: {  	s0 =	sor.u32 s1, s0  }
0xcb: {  	s0 =	sadd.s32 $0x8F2B, s0  }
0xcc: {  	[sflag:s0] =	ssyncadd.remote.s32 $0x1  }
0xcd: {  	_ =	sfence.sel $0xFFFF  }
0xce: {  	[dreg:$0x0] =	wrdreg $0xFFFFFFFF;
	(pc) =	sbr.abs _section_cstart, $3  }
0xcf: {  	[dreg:$0x1] =	wrdreg $0xFFFFFFFF  }
0xd0: {  	_ =	task.clear_ibuf [dreg:s22], $0x2FFFF;
	_ =	strace $0x9FFFFFFF  }
0xd1: {  	(tm) =	ssettm $0x7FFFFFFF  }
tec
execute0_lowered:
.L_overlay_start_1:
0x0: {  	(tag) =	ssettag $0x1  }
0x1: {  	s4 =	rddreg [dreg:$0x0];
	s0 =	srdreg.scid  }
0x2: {  	s2 =	rddreg [dreg:$0x1];
	s1 =	stileid.u32;
	s3 =	simm.s32 $0x0  }
0x3: {  	s8 =	simm.s32 $0x1;
	s9 =	simm.s32 $0x4000;
	s10 =	simm.s32 $0x0  }
0x4: {  	s5 =	sand.u32 $0x1, s0;
	s0 =	rddreg [dreg:$0x2];
	s6 =	sshll.u32 s1, $0xC  }
0x5: {  	[smem:$0x7FF] =	sst s3;
	s7 =	sshll.u32 s5, $0xB;
	s5 =	ssub.s32 $0x2, s5  }
0x6: {  	v0 =	vlaneseq.u32;
	_ =	strace $0x80000050;
	s6 =	sor.u32 s7, s6;
	s30 =	sshrl.u32 s5, $0x1  }
0x7: {  	vm0 =	vmmov $0xff;
	v1 =	vor.u32 $0x10, v0;
	s7 =	simm.s32 $0x8000;
	s6 =	sadd.s32 s6, s4;
	s31 =	ssub.s32 s5, s30  }
0x8: {  	v2 =	vor.u32 $0x20, v0;
	v3 =	vor.u32 $0x30, v0;
	v4 =	vand.u32 $0x7, v0;
	s4 =	sadd.s32 $0x61A00, s6;
	s5 =	sadd.s32 $0x71A00, s6;
	s6 =	smax.u32 s31, $0x1  }
.LBB2_1:
0x9: {  	[tilespmem:s7], [sflag:$0x1] =	stream.linear.gather [hbm4b:s2+s3], $0x80, $0x38;
	[tilespmem:$0x8080] =	vst v63  }
0xa: {  	_ =	swait.ge [sflag:s8], $0x80  }
0xb: {  	[sflag:s8] =	ssyncset.done $0x0  }
0xc: {  	[sflag:s8] =	ssyncadd.s32 $0xFFFFFF80  }
0xd: {  	v5 =	vld [tilespmem:$0x8000]  }
0xe: {  	v6 =	vld [tilespmem:$0x8010]  }
0xf: {  	v7 =	vld [tilespmem:$0x8020]  }
0x10: {  	v8 =	vld [tilespmem:$0x8030];
	[tilespmem:s3], [sflag:$0x1] =	stream.linear.gather [hbm4b:s4+s3], $0x4000, $0x38  }
0x11: {  	_ =	swait.ge [sflag:s8], $0x4000  }
0x12: {  	[sflag:s8] =	ssyncset.done $0x0  }
0x13: {  	s11 =	simm.s32 $0x0;
	[sflag:s8] =	ssyncadd.s32 $0xFFFFC000  }
0x14: {  	v9 =	vld [tilespmem:s11+$0x10]  }
0x15: {  	v10 =	vld [tilespmem:s11+$0x30]  }
0x16: {  	v11 =	vld [tilespmem:s11+$0x0]  }
0x17: {  	v12 =	vld [tilespmem:s11+$0x20];
	_ =	sdelay $0x1  }
0x18: {  	v9 =	vadd.f32 v9, v6  }
0x19: {  	v10 =	vadd.f32 v10, v8  }
0x1a: {  	v11 =	vadd.f32 v11, v5;
	(xrf1) =	vsort.dscd.msk.f32 $0xffff, v9, v1  }
0x1b: {  	v9 =	vadd.f32 v12, v7;
	(xrf1) =	vsort.dscd.msk.f32 $0xffff, v10, v3  }
0x1c: {  	(xrf1) =	vsort.dscd.msk.f32 $0xffff, v11, v0  }
0x1d: {  	(xrf1) =	vsort.dscd.msk.f32 $0xffff, v9, v2;
	_ =	sdelay $0x1  }
0x1e: {  	s12 =	simm.s32 $0x80  }
0x1f: {  	v9 =	vld [tilespmem:s12+$0x10]  }
0x20: {  	v10 =	vld [tilespmem:s12+$0x30];
	_ =	sdelay $0x1  }
0x21: {  	v11 =	vld [tilespmem:s12+$0x0]  }
0x22: {  	v12 =	vld [tilespmem:s12+$0x20]  }
0x23: {  	v9 =	vadd.f32 v9, v6  }
0x24: {  	v10 =	vadd.f32 v10, v8;
	_ =	sdelay $0x1  }
0x25: {  	v11 =	vadd.f32 v11, v5;
	v13, v14, _ =	vpop (xrf1);
	(xrf1) =	vsort.dscd.msk.f32 $0xffff, v9, v1  }
0x26: {  	v12 =	vadd.f32 v12, v7;
	v9, v15, _ =	vpop (xrf1);
	(xrf1) =	vsort.dscd.msk.f32 $0xffff, v10, v3  }
0x27: {  	v9 =	vperm.xlane v9, v4;
	v10, v16, _ =	vpop (xrf1);
	(xrf1) =	vsort.dscd.msk.f32 $0xffff, v11, v0;
	v11 =	vperm.xlane v15, v4  }
0x28: {  	v13 =	vperm.xlane v13, v4;
	v15, v17, _ =	vpop (xrf1);
	(xrf1) =	vsort.dscd.msk.f32 $0xffff, v12, v2;
	v12 =	vperm.xlane v14, v4  }
0x29: {  	v9 =	vsel vm0, v15, v9;
	v11 =	vsel vm0, v17, v11  }
0x2a: {  	s13 =	simm.s32 $0x100;
	(xrf1) =	vsort.dscd.msk.f32 $0xffff, v9, v11;
	v9 =	vsel vm0, v10, v13;
	v10 =	vsel vm0, v16, v12  }
0x2b: {  	v11 =	vld [tilespmem:s13+$0x10];
	(xrf1) =	vsort.dscd.msk.f32 $0xffff, v9, v10;
	_ =	sdelay $0x1  }
0x2c: {  	v9 =	vld [tilespmem:s13+$0x30]  }
0x2d: {  	v10 =	vld [tilespmem:s13+$0x0]  }
0x2e: {  	v12 =	vld [tilespmem:s13+$0x20]  }
0x2f: {  	v11 =	vadd.f32 v11, v6;
	_ =	sdelay $0x1  }
0x30: {  	v9 =	vadd.f32 v9, v8  }
0x31: {  	v10 =	vadd.f32 v10, v5;
	v13, v14, _ =	vpop (xrf1);
	(xrf1) =	vsort.dscd.msk.f32 $0xffff, v11, v1  }
0x32: {  	v12 =	vadd.f32 v12, v7;
	v11, v15, _ =	vpop (xrf1);
	(xrf1) =	vsort.dscd.msk.f32 $0xffff, v9, v3;
	v13 =	vperm.xlane v13, v4  }
0x33: {  	v9 =	vperm.xlane v11, v4;
	v11, v16, _ =	vpop (xrf1);
	(xrf1) =	vsort.dscd.msk.f32 $0xffff, v10, v0;
	v10 =	vperm.xlane v15, v4  }
0x34: {  	v15, v17, _ =	vpop (xrf1);
	(xrf1) =	vsort.dscd.msk.f32 $0xffff, v12, v2;
	v12 =	vperm.xlane v14, v4  }
0x35: {  	v9 =	vsel vm0, v15, v9;
	v10 =	vsel vm0, v17, v10  }
0x36: {  	s14 =	simm.s32 $0x180;
	v11 =	vsel vm0, v11, v13;
	v13, v14, _ =	vpop (xrf1);
	(xrf1) =	vsort.dscd.msk.f32 $0xffff, v9, v10;
	v12 =	vsel vm0, v16, v12  }
0x37: {  	v9 =	vperm.xlane v13, v4;
	v10 =	vperm.xlane v14, v4;
	v13, v14, _ =	vpop (xrf1);
	(xrf1) =	vsort.dscd.msk.f32 $0xffff, v11, v12;
	v11 =	vld [tilespmem:s14+$0x10]  }
0x38: {  	v12 =	vld [tilespmem:s14+$0x30];
	_ =	sdelay $0x1  }
0x39: {  	v9 =	vsel vm0, v13, v9;
	v10 =	vsel vm0, v14, v10  }
0x3a: {  	(xrf1) =	vsort.dscd.msk.f32 $0xffff, v9, v10;
	v9 =	vld [tilespmem:s14+$0x0]  }
0x3b: {  	v10 =	vld [tilespmem:s14+$0x20];
	v11 =	vadd.f32 v11, v6  }
0x3c: {  	v12 =	vadd.f32 v12, v8;
	_ =	sdelay $0x1  }
0x3d: {  	v13, v14, _ =	vpop (xrf1)  }
0x3e: {  	v9 =	vadd.f32 v9, v5;
	(xrf1) =	vsort.dscd.msk.f32 $0xffff, v11, v1;
	v11, v15, _ =	vpop (xrf1)  }
0x3f: {  	v10 =	vadd.f32 v10, v7;
	(xrf1) =	vsort.dscd.msk.f32 $0xffff, v12, v3;
	v12, v16, _ =	vpop (xrf1)  }
0x40: {  	v11 =	vperm.xlane v11, v4;
	(xrf1) =	vsort.dscd.msk.f32 $0xffff, v9, v0;
	v9 =	vperm.xlane v15, v4;
	v15, v17, _ =	vpop (xrf1)  }
0x41: {  	(xrf1) =	vsort.dscd.msk.f32 $0xffff, v10, v2  }
0x42: {  	v10 =	vperm.xlane v14, v4;
	v11 =	vsel vm0, v15, v11;
	v9 =	vsel vm0, v17, v9;
	v14, v15, _ =	vpop (xrf1)  }
0x43: {  	v13 =	vperm.xlane v13, v4;
	(xrf1) =	vsort.dscd.msk.f32 $0xffff, v11, v9;
	v9 =	vperm.xlane v14, v4;
	_ =	sdelay $0x2  }
0x44: {  	v11 =	vperm.xlane v15, v4  }
0x45: {  	s15 =	simm.s32 $0x200;
	v12 =	vsel vm0, v12, v13;
	v10 =	vsel vm0, v16, v10;
	v13, v15, _ =	vpop (xrf1)  }
0x46: {  	v14 =	vld [tilespmem:s15+$0x10];
	(xrf1) =	vsort.dscd.msk.f32 $0xffff, v12, v10;
	v10 =	vsel vm0, v13, v9;
	v11 =	vsel vm0, v15, v11;
	v13, v9, _ =	vpop (xrf1)  }
0x47: {  	(xrf1) =	vsort.dscd.msk.f32 $0xffff, v10, v11;
	v11 =	vand.u32 $0xF, v9  }
0x48: {  	v12 =	vld [tilespmem:s15+$0x30];
	v16 =	vperm.xlane v7, v11;
	v17 =	vperm.xlane v8, v11  }
0x49: {  	v15 =	vld [tilespmem:s15+$0x20];
	vm1 =	vlt.s32 v9, $0x30;
	v18 =	vperm.xlane v6, v11  }
0x4a: {  	v10 =	vld [tilespmem:s15+$0x0];
	vm2 =	vlt.s32 v9, $0x20;
	v16 =	vsel vm1, v16, v17  }
0x4b: {  	v14 =	vadd.f32 v14, v6;
	v16 =	vsel vm2, v18, v16;
	_ =	sdelay $0x1  }
0x4c: {  	v11 =	vperm.xlane v5, v11  }
0x4d: {  	v12 =	vadd.f32 v12, v8;
	v15 =	vadd.f32 v15, v7;
	vm1 =	vlt.s32 v9, $0x10;
	v17, v18, _ =	vpop (xrf1)  }
0x4e: {  	v10 =	vadd.f32 v10, v5;
	v11 =	vsel vm1, v11, v16;
	(xrf1) =	vsort.dscd.msk.f32 $0xffff, v14, v1;
	v14, v16, _ =	vpop (xrf1)  }
0x4f: {  	v11 =	vsub.f32 v13, v11;
	(xrf1) =	vsort.dscd.msk.f32 $0xffff, v12, v3;
	v12 =	vperm.xlane v14, v4  }
0x50: {  	v13, v14, _ =	vpop (xrf1);
	(xrf1) =	vsort.dscd.msk.f32 $0xffff, v10, v0;
	v10 =	vperm.xlane v16, v4;
	v16 =	vperm.xlane v17, v4;
	_ =	sdelay $0x1  }
0x51: {  	v17, v19, _ =	vpop (xrf1);
	(xrf1) =	vsort.dscd.msk.f32 $0xffff, v15, v2;
	v15 =	vnsel vm0, $0xFF800000, v11;
	_ =	sdelay $0x1  }
0x52: {  	(xrf0) =	vmax.scan.msk.f32 $0xffff, v15  }
0x53: {  	v12 =	vsel vm0, v17, v12;
	v10 =	vsel vm0, v19, v10;
	v13 =	vsel vm0, v13, v16;
	v15, v16, _ =	vpop (xrf1)  }
0x54: {  	v18 =	vperm.xlane v18, v4;
	(xrf1) =	vsort.dscd.msk.f32 $0xffff, v12, v10;
	v10 =	vperm.xlane v15, v4  }
0x55: {  	v15 =	vperm.xlane v16, v4;
	_ =	sdelay $0x1  }
0x56: {  	v16, v17, _ =	vpop (xrf1)  }
0x57: {  	s16 =	simm.s32 $0x280;
	v14 =	vsel vm0, v14, v18;
	v18, _, _ =	vpop (xrf0)  }
0x58: {  	(xrf1) =	vsort.dscd.msk.f32 $0xffff, v13, v14;
	v13 =	vsel vm0, v16, v10;
	v14 =	vsel vm0, v17, v15;
	v16 =	vld [tilespmem:s16+$0x30];
	v15, v10, _ =	vpop (xrf1)  }
0x59: {  	v12 =	vld [tilespmem:s16+$0x10];
	v18 =	vbroadcast v18, $0xF;
	(xrf1) =	vsort.dscd.msk.f32 $0xffff, v13, v14;
	v13 =	vand.u32 $0xF, v10  }
0x5a: {  	v14 =	vld [tilespmem:s16+$0x0];
	v17 =	vperm.xlane v7, v13;
	v20 =	vperm.xlane v8, v13  }
0x5b: {  	vm2 =	vlt.s32 v10, $0x30;
	v21 =	vperm.xlane v6, v13  }
0x5c: {  	v19 =	vld [tilespmem:s16+$0x20];
	v11 =	vsub.f32 v11, v18;
	vm1 =	vlt.s32 v10, $0x20;
	v17 =	vsel vm2, v17, v20  }
0x5d: {  	v13 =	vperm.xlane v5, v13;
	v16 =	vadd.f32 v16, v8;
	v17 =	vsel vm1, v21, v17  }
0x5e: {  	v12 =	vadd.f32 v12, v6  }
0x5f: {  	v11 =	vmul.f32 $1.442695020e+00, v11;
	vm2 =	vlt.s32 v10, $0x10;
	v14 =	vadd.f32 v14, v5  }
0x60: {  	v18, v20, _ =	vpop (xrf1);
	(xrf1) =	vsort.dscd.msk.f32 $0xffff, v12, v1;
	v12 =	vsel vm2, v13, v17  }
0x61: {  	v19 =	vadd.f32 v19, v7;
	(erf) = vpow2.f32 v11;
	v15 =	vsub.f32 v15, v12;
	v13, v17, _ =	vpop (xrf1);
	(xrf1) =	vsort.dscd.msk.f32 $0xffff, v16, v3  }
0x62: {  	v12 =	vperm.xlane v13, v4;
	v13, v16, _ =	vpop (xrf1);
	(xrf1) =	vsort.dscd.msk.f32 $0xffff, v14, v0;
	v11 =	vperm.xlane v17, v4  }
0x63: {  	v20 =	vperm.xlane v20, v4;
	v14, v17, _ =	vpop (xrf1);
	(xrf1) =	vsort.dscd.msk.f32 $0xffff, v19, v2;
	v19 =	vnsel vm0, $0xFF800000, v15  }
0x64: {  	v18 =	vperm.xlane v18, v4;
	v12 =	vsel vm0, v14, v12;
	v14, v21, _ =	vpop (xrf1);
	(xrf0) =	vmax.scan.msk.f32 $0xffff, v19;
	v11 =	vsel vm0, v17, v11  }
0x65: {  	v14 =	vperm.xlane v14, v4;
	(xrf1) =	vsort.dscd.msk.f32 $0xffff, v12, v11;
	v11 =	vsel vm0, v16, v20  }
0x66: {  	v17 =	vperm.xlane v21, v4  }
0x67: {  	v13 =	vsel vm0, v13, v18;
	v12, v16, _ =	vpop (xrf1)  }
0x68: {  	s17 =	simm.s32 $0x300;
	(xrf1) =	vsort.dscd.msk.f32 $0xffff, v13, v11;
	v12 =	vsel vm0, v12, v14;
	v13 =	vsel vm0, v16, v17  }
0x69: {  	v14, v11, _ =	vpop (xrf1);
	(xrf1) =	vsort.dscd.msk.f32 $0xffff, v12, v13;
	v13 =	vld [tilespmem:s17+$0x10]  }
0x6a: {  	v17 =	vld [tilespmem:s17+$0x30];
	v16 =	vand.u32 $0xF, v11  }
0x6b: {  	vm1 =	vlt.s32 v11, $0x20;
	v18 =	vperm.xlane v7, v16;
	v12, _, _ =	vpop (xrf0);
	v20 =	vperm.xlane v8, v16  }
0x6c: {  	v19 =	vld [tilespmem:s17+$0x0];
	vm2 =	vlt.s32 v11, $0x30;
	v22 =	vperm.xlane v6, v16;
	v21 =	vbroadcast v12, $0xF;
	v12 =	vpop (erf)  }
0x6d: {  	v24 =	vld [tilespmem:s17+$0x20];
	v16 =	vperm.xlane v5, v16;
	v23 =	vnsel vm0, $0x0, v12;
	v18 =	vsel vm2, v18, v20  }
0x6e: {  	v15 =	vsub.f32 v15, v21;
	(xrf2) =	vadd.scan.msk.f32 $0xffff, v23;
	v13 =	vadd.f32 v13, v6;
	v18 =	vsel vm1, v22, v18  }
0x6f: {  	vm2 =	vlt.s32 v11, $0x10;
	v17 =	vadd.f32 v17, v8  }
0x70: {  	v16 =	vsel vm2, v16, v18;
	v15 =	vmul.f32 $1.442695020e+00, v15  }
0x71: {  	v19 =	vadd.f32 v19, v5;
	(xrf1) =	vsort.dscd.msk.f32 $0xffff, v13, v1;
	v16 =	vsub.f32 v14, v16;
	v18, v20, _ =	vpop (xrf1)  }
0x72: {  	(xrf1) =	vsort.dscd.msk.f32 $0xffff, v17, v3;
	v13, v14, _ =	vpop (xrf1);
	(erf) = vpow2.f32 v15;
	v15 =	vadd.f32 v24, v7  }
0x73: {  	(xrf1) =	vsort.dscd.msk.f32 $0xffff, v19, v0;
	v19 =	vnsel vm0, $0xFF800000, v16;
	v13 =	vperm.xlane v13, v4;
	v17, v21, _ =	vpop (xrf1)  }
0x74: {  	s18 =	simm.s32 $0x380;
	v14 =	vperm.xlane v14, v4;
	(xrf0) =	vmax.scan.msk.f32 $0xffff, v19;
	v19 =	vperm.xlane v20, v4;
	v22, v23, _ =	vpop (xrf1)  }
0x75: {  	v24 =	vld [tilespmem:s18+$0x10];
	(xrf1) =	vsort.dscd.msk.f32 $0xffff, v15, v2;
	v13 =	vsel vm0, v22, v13  }
0x76: {  	v18 =	vperm.xlane v18, v4;
	v22 =	vld [tilespmem:s18+$0x30];
	v14 =	vsel vm0, v23, v14;
	v15, v20, _ =	vpop (xrf1)  }
0x77: {  	v23 =	vperm.xlane v15, v4;
	v20 =	vperm.xlane v20, v4;
	v25, v26, _ =	vpop (xrf1);
	(xrf1) =	vsort.dscd.msk.f32 $0xffff, v13, v14  }
0x78: {  	v17 =	vsel vm0, v17, v18;
	v14 =	vsel vm0, v21, v19;
	v19, _, _ =	vpop (xrf2)  }
0x79: {  	(xrf1) =	vsort.dscd.msk.f32 $0xffff, v17, v14;
	v15, v13, _ =	vpop (xrf1);
	v18 =	vsel vm0, v25, v23;
	v25 =	vsel vm0, v26, v20  }
0x7a: {  	v17 =	vadd.f32 v24, v6;
	v26 =	vbroadcast v19, $0xF;
	v19 =	vld [tilespmem:s18+$0x0];
	v21 =	vand.u32 $0xF, v13;
	(xrf1) =	vsort.dscd.msk.f32 $0xffff, v18, v25  }
0x7b: {  	v20 =	vadd.f32 v22, v8;
	v14, _, _ =	vpop (xrf0);
	v22 =	vld [tilespmem:s18+$0x20];
	v23 =	vperm.xlane v7, v21;
	v24 =	vperm.xlane v8, v21  }
0x7c: {  	s19 =	simm.s32 $0x1000;
	vm1 =	vlt.s32 v13, $0x20;
	v18 =	vbroadcast v14, $0xF;
	v14 =	vpop (erf);
	(erf) = vrcp.f32 v26  }
.LBB2_2:
0x7d: {  	v29 =	vperm.xlane v6, v21  }
0x7e: {  	p0 =	sne.s32 s19, $0xFE00;
	vm2 =	vlt.s32 v13, $0x30;
	v26 =	vnsel vm0, $0x0, v14;
	v21 =	vperm.xlane v5, v21  }
0x7f: {  	v27, v28, _ =	vpop (xrf1);
	v23 =	vsel vm2, v23, v24;
	v16 =	vsub.f32 v16, v18;
	(xrf2) =	vadd.scan.msk.f32 $0xffff, v26;
	v26 =	vadd.f32 v19, v5  }
0x80: {  	vm2 =	vlt.s32 v13, $0x10;
	(xrf1) =	vsort.dscd.msk.f32 $0xffff, v17, v1;
	v17, v19, _ =	vpop (xrf1);
	v23 =	vsel vm1, v29, v23;
	v22 =	vadd.f32 v22, v7  }
0x81: {  	(xrf1) =	vsort.dscd.msk.f32 $0xffff, v20, v3;
	v20 =	vsel vm2, v21, v23;
	v21 =	vmul.f32 $1.442695020e+00, v16;
	v23 =	vperm.xlane v27, v4  }
0x82: {  	v17 =	vperm.xlane v17, v4;
	v24, v25, _ =	vpop (xrf1);
	v16 =	vsub.f32 v15, v20;
	v15 =	vperm.xlane v19, v4  }
0x83: {  	v20 =	vperm.xlane v28, v4;
	(xrf1) =	vsort.dscd.msk.f32 $0xffff, v26, v0;
	v18, v19, _ =	vpop (xrf1);
	(erf) = vpow2.f32 v21  }
0x84: {  	s20 =	sshra.s32 s19, $0x2;
	(xrf1) =	vsort.dscd.msk.f32 $0xffff, v22, v2;
	v26 =	vnsel vm0, $0xFF800000, v16  }
0x85: {  	v23 =	vsel vm0, v24, v23;
	v17 =	vsel vm0, v18, v17;
	v15 =	vsel vm0, v19, v15;
	v22 =	vld [tilespmem:s20+$0x10];
	v18, v19, _ =	vpop (xrf1);
	(xrf0) =	vmax.scan.msk.f32 $0xffff, v26  }
0x86: {  	v24 =	vld [tilespmem:s20+$0x30];
	(xrf1) =	vsort.dscd.msk.f32 $0xffff, v17, v15;
	v26 =	vperm.xlane v18, v4;
	v17 =	vperm.xlane v19, v4;
	v18 =	vpop (erf)  }
0x87: {  	v19 =	vsel vm0, v25, v20;
	v25, v21, _ =	vpop (xrf1);
	v27 =	vmul.f32 v18, v12;
	v18 =	vperm.xlane v9, v4  }
.Ltmp0:
0x88: {  	v9 =	vmov v10;
	(xrf1) =	vsort.dscd.msk.f32 $0xffff, v23, v19;
	v19 =	vsel vm0, v25, v26;
	v17 =	vsel vm0, v21, v17;
	v15, v20, _ =	vpop (xrf1);
	(pc) =	sbr.rel @p0 .LBB2_2-.Ltmp0, $4  }
0x89: {  	v10 =	vmov v11;
	v11 =	vmov v13;
	(xrf1) =	vsort.dscd.msk.f32 $0xffff, v19, v17;
	v23, _, _ =	vpop (xrf2);
	v18 =	vsel vm0, v27, v18  }
0x8a: {  	v12 =	vmovc v14;
	v21 =	vand.u32 $0xF, v20;
	v13 =	vmovc v20;
	v19 =	vld [tilespmem:s20+$0x0];
	v17 =	vadd.f32 v22, v6;
	v25 =	vbroadcast v23, $0xF;
	[tilespmem:s11+$0x4000] =	vst v18;
	s11 =	smov.u32 s12;
	s12 =	smov.u32 s13;
	s13 =	smov.u32 s14  }
0x8b: {  	v23 =	vperm.xlane v7, v21;
	s14 =	smov.u32 s15;
	s15 =	smov.u32 s16;
	s16 =	smov.u32 s17;
	v22 =	vld [tilespmem:s20+$0x20];
	v20 =	vadd.f32 v24, v8;
	v24 =	vperm.xlane v8, v21;
	v14, _, _ =	vpop (xrf0)  }
0x8c: {  	s19 =	sadd.s32 $0x200, s19;
	vm1 =	vlt.s32 v13, $0x20;
	s17 =	smov.u32 s18;
	s18 =	smov.u32 s20;
	v18 =	vbroadcast v14, $0xF;
	v14 =	vpop (erf);
	(erf) = vrcp.f32 v25  }
0x8d: {  	_ = 	snop  }
0x8e: {  	v25 =	vperm.xlane v6, v21  }
0x8f: {  	vm2 =	vlt.s32 v13, $0x30;
	v30 =	vperm.xlane v5, v21;
	(xrf1) =	vsort.dscd.msk.f32 $0xffff, v17, v1;
	v19 =	vadd.f32 v19, v5  }
0x90: {  	v31 =	vsel vm2, v23, v24;
	(xrf1) =	vsort.dscd.msk.f32 $0xffff, v20, v3;
	v22 =	vadd.f32 v22, v7  }
0x91: {  	vm2 =	vlt.s32 v13, $0x10;
	v17 =	vsel vm1, v25, v31;
	(xrf1) =	vsort.dscd.msk.f32 $0xffff, v19, v0  }
0x92: {  	v33, v32, _ =	vpop (xrf1);
	v17 =	vsel vm2, v30, v17;
	(xrf1) =	vsort.dscd.msk.f32 $0xffff, v22, v2  }
0x93: {  	v34, v35, _ =	vpop (xrf1);
	v17 =	vsub.f32 v15, v17  }
0x94: {  	v21 =	vperm.xlane v34, v4;
	v37, v36, _ =	vpop (xrf1);
	v19 =	vperm.xlane v33, v4  }
0x95: {  	v38 =	vnsel vm0, $0x0, v14;
	v22 =	vperm.xlane v35, v4;
	v39, v26, _ =	vpop (xrf1);
	v27 =	vnsel vm0, $0xFF800000, v17  }
0x96: {  	v20 =	vperm.xlane v32, v4;
	v21 =	vsel vm0, v39, v21;
	v15 =	vsel vm0, v37, v19;
	v40, v28, _ =	vpop (xrf1);
	(xrf0) =	vmax.scan.msk.f32 $0xffff, v27  }
0x97: {  	(xrf2) =	vadd.scan.msk.f32 $0xffff, v38;
	v22 =	vsel vm0, v26, v22;
	v41 =	vperm.xlane v40, v4;
	v42 =	vperm.xlane v28, v4  }
0x98: {  	v43 =	vsel vm0, v36, v20;
	(xrf1) =	vsort.dscd.msk.f32 $0xffff, v21, v22;
	v45, v44, _ =	vpop (xrf1)  }
0x99: {  	(xrf1) =	vsort.dscd.msk.f32 $0xffff, v15, v43;
	v46 =	vsel vm0, v45, v41;
	v47 =	vsel vm0, v44, v42  }
0x9a: {  	v16 =	vsub.f32 v16, v18;
	(xrf1) =	vsort.dscd.msk.f32 $0xffff, v46, v47  }
0x9b: {  	v19, v15, _ =	vpop (xrf1)  }
0x9c: {  	v16 =	vmul.f32 $1.442695020e+00, v16;
	v48, _, _ =	vpop (xrf0)  }
0x9d: {  	v49, v50, _ =	vpop (xrf1)  }
0x9e: {  	(erf) = vpow2.f32 v16;
	v51, v52, _ =	vpop (xrf1)  }
0x9f: {  	v22 =	vperm.xlane v51, v4;
	v23 =	vperm.xlane v52, v4;
	v53, v54, _ =	vpop (xrf1)  }
0xa0: {  	v18 =	vbroadcast v48, $0xF;
	v20 =	vperm.xlane v49, v4;
	v56, v55, _ =	vpop (xrf1)  }
0xa1: {  	v21 =	vperm.xlane v50, v4;
	v22 =	vsel vm0, v56, v22;
	v23 =	vsel vm0, v55, v23  }
0xa2: {  	v57, _, _ =	vpop (xrf2);
	v17 =	vsub.f32 v17, v18;
	(xrf1) =	vsort.dscd.msk.f32 $0xffff, v22, v23  }
0xa3: {  	v16 =	vbroadcast v57, $0xF;
	v58 =	vsel vm0, v53, v20;
	v59 =	vsel vm0, v54, v21  }
0xa4: {  	v60 =	vand.u32 $0xF, v15;
	v17 =	vmul.f32 $1.442695020e+00, v17;
	(xrf1) =	vsort.dscd.msk.f32 $0xffff, v58, v59  }
0xa5: {  	v26 =	vpop (erf);
	v61 =	vperm.xlane v7, v60;
	(erf) = vrcp.f32 v16  }
0xa6: {  	v62 =	vperm.xlane v8, v60;
	(erf) = vpow2.f32 v17;
	v32, v63, _ =	vpop (xrf1)  }
0xa7: {  	vm1 =	vlt.s32 v15, $0x30;
	v33 =	vperm.xlane v6, v60;
	v34, v35, _ =	vpop (xrf1)  }
0xa8: {  	vm2 =	vlt.s32 v15, $0x20;
	v18 =	vsel vm1, v61, v62;
	v21 =	vperm.xlane v5, v60;
	v36, v16, _ =	vpop (xrf1)  }
0xa9: {  	v28 =	vpop (erf);
	vm1 =	vlt.s32 v15, $0x10;
	v18 =	vsel vm2, v33, v18;
	v37 =	vand.u32 $0xF, v16  }
0xaa: {  	v40 =	vnsel vm0, $0x0, v28;
	v18 =	vsel vm1, v21, v18;
	v38 =	vperm.xlane v7, v37  }
0xab: {  	v18 =	vsub.f32 v19, v18;
	v39 =	vperm.xlane v8, v37;
	v22 =	vperm.xlane v5, v37  }
0xac: {  	v17 =	vperm.xlane v32, v4;
	vm1 =	vlt.s32 v16, $0x30;
	v41 =	vperm.xlane v6, v37  }
0xad: {  	v20 =	vperm.xlane v63, v4;
	v21 =	vsel vm1, v38, v39;
	vm1 =	vlt.s32 v16, $0x20  }
0xae: {  	(xrf2) =	vadd.scan.msk.f32 $0xffff, v40;
	v27 =	vpop (erf);
	v42 =	vnsel vm0, $0xFF800000, v18;
	v21 =	vsel vm1, v41, v21;
	vm1 =	vlt.s32 v16, $0x10  }
0xaf: {  	(xrf0) =	vmax.scan.msk.f32 $0xffff, v42;
	v17 =	vsel vm0, v34, v17;
	v43 =	vsel vm0, v35, v20;
	v21 =	vsel vm1, v22, v21;
	v22 =	vpop (erf)  }
0xb0: {  	(xrf1) =	vsort.dscd.msk.f32 $0xffff, v17, v43;
	v44 =	vsub.f32 v36, v21;
	v46, v45, _ =	vpop (xrf1)  }
0xb1: {  	v47 =	vnsel vm0, $0x0, v22;
	v48 =	vperm.xlane v46, v4;
	v49 =	vperm.xlane v45, v4  }
0xb2: {  	(xrf2) =	vadd.scan.msk.f32 $0xffff, v47;
	v50 =	vnsel vm0, $0xFF800000, v44;
	v52, v51, _ =	vpop (xrf1)  }
0xb3: {  	(xrf0) =	vmax.scan.msk.f32 $0xffff, v50;
	v53 =	vsel vm0, v52, v48;
	v54 =	vsel vm0, v51, v49  }
0xb4: {  	(xrf1) =	vsort.dscd.msk.f32 $0xffff, v53, v54;
	_ =	sdelay $0x1  }
0xb5: {  	v55, _, _ =	vpop (xrf0)  }
0xb6: {  	v17 =	vbroadcast v55, $0xF;
	_ =	sdelay $0x1  }
0xb7: {  	v57, _, _ =	vpop (xrf2);
	v17 =	vsub.f32 v18, v17  }
0xb8: {  	v59 =	vbroadcast v57, $0xF;
	v56, _, _ =	vpop (xrf0)  }
0xb9: {  	v17 =	vmul.f32 $1.442695020e+00, v17;
	v58 =	vbroadcast v56, $0xF  }
0xba: {  	(erf) = vrcp.f32 v59  }
0xbb: {  	(erf) = vpow2.f32 v17;
	v60, _, _ =	vpop (xrf2);
	v18 =	vsub.f32 v44, v58  }
0xbc: {  	v63, v20, _ =	vpop (xrf1);
	v61 =	vbroadcast v60, $0xF  }
0xbd: {  	v29 =	vand.u32 $0xF, v20;
	v62 =	vmul.f32 $1.442695020e+00, v18  }
0xbe: {  	v30 =	vperm.xlane v7, v29;
	(erf) = vrcp.f32 v61  }
0xbf: {  	v31 =	vperm.xlane v8, v29;
	(erf) = vpow2.f32 v62  }
0xc0: {  	vm1 =	vlt.s32 v20, $0x20;
	vm2 =	vlt.s32 v20, $0x30;
	v32 =	vperm.xlane v6, v29;
	v34, v33, _ =	vpop (xrf1)  }
0xc1: {  	v19 =	vperm.xlane v5, v29;
	v17 =	vsel vm2, v30, v31;
	v35 =	vand.u32 $0xF, v33  }
0xc2: {  	vm2 =	vlt.s32 v20, $0x10;
	v7 =	vperm.xlane v7, v35;
	v36 =	vperm.xlane v8, v35  }
0xc3: {  	v37 =	vpop (erf);
	v17 =	vsel vm1, v32, v17;
	vm1 =	vlt.s32 v33, $0x30;
	v6 =	vperm.xlane v6, v35  }
0xc4: {  	v17 =	vsel vm2, v19, v17;
	v38 =	vpop (erf);
	vm2 =	vlt.s32 v33, $0x20;
	v7 =	vsel vm1, v7, v36  }
0xc5: {  	v5 =	vperm.xlane v5, v35;
	v6 =	vsel vm2, v6, v7;
	v7 =	vnsel vm0, $0x0, v38  }
0xc6: {  	v17 =	vsub.f32 v63, v17;
	vm1 =	vlt.s32 v33, $0x10  }
0xc7: {  	v39 =	vpop (erf);
	v5 =	vsel vm1, v5, v6  }
0xc8: {  	(xrf2) =	vadd.scan.msk.f32 $0xffff, v7;
	v6 =	vnsel vm0, $0xFF800000, v17;
	v5 =	vsub.f32 v34, v5;
	v7 =	vpop (erf)  }
0xc9: {  	(xrf0) =	vmax.scan.msk.f32 $0xffff, v6;
	v6 =	vnsel vm0, $0x0, v7  }
0xca: {  	(xrf2) =	vadd.scan.msk.f32 $0xffff, v6;
	v6 =	vnsel vm0, $0xFF800000, v5  }
0xcb: {  	(xrf0) =	vmax.scan.msk.f32 $0xffff, v6;
	_ =	sdelay $0x3  }
0xcc: {  	v6, _, _ =	vpop (xrf0)  }
0xcd: {  	v6 =	vbroadcast v6, $0xF  }
0xce: {  	v40, _, _ =	vpop (xrf0)  }
0xcf: {  	v41, _, _ =	vpop (xrf2);
	v6 =	vsub.f32 v17, v6;
	v42 =	vbroadcast v40, $0xF  }
0xd0: {  	v43 =	vbroadcast v41, $0xF  }
0xd1: {  	v6 =	vmul.f32 $1.442695020e+00, v6;
	v44, _, _ =	vpop (xrf2);
	v5 =	vsub.f32 v5, v42  }
0xd2: {  	(erf) = vrcp.f32 v43;
	v45 =	vbroadcast v44, $0xF  }
0xd3: {  	(erf) = vpow2.f32 v6;
	v5 =	vmul.f32 $1.442695020e+00, v5  }
0xd4: {  	(erf) = vrcp.f32 v45  }
0xd5: {  	(erf) = vpow2.f32 v5;
	_ =	sdelay $0x5  }
0xd6: {  	v5 =	vpop (erf)  }
0xd7: {  	v6 =	vpop (erf)  }
0xd8: {  	v17 =	vpop (erf)  }
0xd9: {  	v46 =	vnsel vm0, $0x0, v6;
	v47 =	vpop (erf)  }
0xda: {  	(xrf2) =	vadd.scan.msk.f32 $0xffff, v46;
	v48 =	vnsel vm0, $0x0, v47  }
0xdb: {  	(xrf2) =	vadd.scan.msk.f32 $0xffff, v48;
	_ =	sdelay $0x8  }
0xdc: {  	v49, _, _ =	vpop (xrf2)  }
0xdd: {  	v21 =	vbroadcast v49, $0xF;
	v50, _, _ =	vpop (xrf2)  }
0xde: {  	v24 =	vbroadcast v50, $0xF  }
0xdf: {  	(erf) = vrcp.f32 v21  }
0xe0: {  	(erf) = vrcp.f32 v24;
	_ =	sdelay $0x2  }
0xe1: {  	v9 =	vperm.xlane v9, v4;
	v12 =	vmul.f32 v26, v12  }
0xe2: {  	v10 =	vperm.xlane v10, v4;
	v51 =	vmul.f32 v27, v14  }
0xe3: {  	v11 =	vperm.xlane v11, v4;
	v9 =	vsel vm0, v12, v9;
	v52 =	vmul.f32 v37, v28  }
0xe4: {  	[tilespmem:s11+$0x4000] =	vst v9;
	v55 =	vperm.xlane v13, v4;
	v53 =	vsel vm0, v51, v10;
	v54 =	vmul.f32 v39, v22  }
0xe5: {  	v57 =	vperm.xlane v15, v4;
	[tilespmem:s12+$0x4000] =	vst v53;
	v56 =	vsel vm0, v52, v11;
	v5 =	vmul.f32 v5, v38  }
0xe6: {  	v59 =	vperm.xlane v16, v4;
	[tilespmem:s13+$0x4000] =	vst v56;
	v58 =	vsel vm0, v54, v55;
	v7 =	vmul.f32 v17, v7;
	v60 =	vpop (erf)  }
0xe7: {  	v61 =	vperm.xlane v20, v4;
	[tilespmem:s14+$0x4000] =	vst v58;
	v5 =	vsel vm0, v5, v57;
	v6 =	vmul.f32 v60, v6;
	v62 =	vpop (erf)  }
0xe8: {  	v63 =	vperm.xlane v33, v4;
	[tilespmem:s15+$0x4000] =	vst v5;
	v5 =	vsel vm0, v7, v59;
	v7 =	vmul.f32 v62, v47  }
0xe9: {  	s10 =	sadd.s32 $0x1, s10;
	[tilespmem:s16+$0x4000] =	vst v5;
	v5 =	vsel vm0, v6, v61  }
0xea: {  	p0 =	sne.s32 s10, s6;
	[tilespmem:s17+$0x4000] =	vst v5;
	v5 =	vsel vm0, v7, v63  }
.Ltmp1:
0xeb: {  	[tilespmem:s18+$0x4000] =	vst v5;
	(pc) =	sbr.rel @p0 .LBB2_1-.Ltmp1, $4  }
0xec: {  	[hbm4b:s5+s3] =	stream.linear.scatter [tilespmem:s9], [sflag:$0x1], $0x4000, $0x38;
	[tilespmem:$0x8080] =	vst v63  }
0xed: {  	_ =	swait.ge [sflag:s8], $0x4000  }
0xee: {  	[sflag:s8] =	ssyncset.done $0x0  }
0xef: {  	[sflag:s8] =	ssyncadd.s32 $0xFFFFC000  }
0xf0: {  	_ =	sfence.sel $0x180000  }
0xf1: {  	[bflag:$0x0] =	sbarrier.arrive $0xFFFF  }
0xf2: {  	p0 =	sne.s32 s1, $0x0;
	_ =	strace $0x90000050  }
0xf3: {  	s0 =	sadd.s32 @!p0 $0x100000, s0;
	[bflag:$0x2] =	sbarrier.arrive $0xFFFF  }
0xf4: {  	[sflag:s0] =	ssyncadd.tile.s32 @!p0 $0x1;
	_ =	shalt  }
.Lfunc_end2:
_tile_overlayer_lowered:
.L_overlay_start_2:
0xf5: {  	(tag) =	ssettag $0x2  }
0xf6: {  	s0 =	rddreg [dreg:$0x0];
	s2 =	stileid.u32  }
0xf7: {  	s1 =	rddreg [dreg:$0x1];
	p0 =	sne.s32 s2, $0x0  }
0xf8: {  	s3 =	rddreg [dreg:$0x2];
	[bflag:$0x3] =	sbarrier.arrive $0xFFFF;
	s2 =	simm.s32 @!p0 $0x1C01  }
0xf9: {  	[timem:s3], [sflag:s2] =	dma.local @!p0 [hbm:s0], s1  }
0xfa: {  	s0 =	simm.s32 @!p0 $0x1  }
0xfb: {  	_ =	swait.ge @!p0 [sflag:s0], s1  }
0xfc: {  	s1 =	ssub.s32 @!p0 $0x0, s1;
	[sflag:s0] =	ssyncset.done @!p0 $0x0  }
0xfd: {  	[sflag:s0] =	ssyncadd.s32 @!p0 s1  }
0xfe: {  	[bflag:$0x3] =	sbarrier.arrive $0xFFFF  }
0xff: {  	_ =	shalt  }

// kernel: kernel.13.cloned.1.call-start
scs
__scs_entry_jumppad:
0x0: {  	(pc) =	sbr.rel $0x88, $3  }
0x1: {  	(tag) =	ssettag $0x0;
	lr =	simm.s32 $0x1  }
0x2: {  	[smem:$0x3F9E] =	sst lr;
	_ =	strace $0xD0000000  }
0x3: {  	_ = 	snop  }
0x4: {  	_ = 	snop  }
0x5: {  	_ = 	snop  }
0x6: {  	_ = 	snop  }
0x7: {  	_ = 	snop  }
__scs_overlays_trampoline_lowered:
0x8: {  	[smem:$0x3FAD] =	sst s0  }
0x9: {  	[smem:$0x3FAE] =	sst s1  }
0xa: {  	[smem:$0x3FAF] =	sst s2  }
0xb: {  	[smem:$0x3FB0] =	sst s3  }
0xc: {  	[smem:$0x3FB1] =	sst s4  }
0xd: {  	[smem:$0x3FB2] =	sst s5  }
0xe: {  	[smem:$0x3FB3] =	sst s6  }
0xf: {  	[smem:$0x3FB4] =	sst s7  }
0x10: {  	[smem:$0x3FB5] =	sst s8  }
0x11: {  	[smem:$0x3FB6] =	sst s9;
	s0 =	simm.s32 @!p0 $0x0  }
0x12: {  	s1 =	sld [smem:$0x3F9C];
	s0 =	simm.s32 @p0 $0x1  }
0x13: {  	[smem:$0x3FB7] =	sst s0;
	s0 =	simm.s32 @!p1 $0x0  }
0x14: {  	s2 =	sld [smem:$0x3F9B];
	s0 =	simm.s32 @p1 $0x1  }
0x15: {  	[smem:$0x3FB8] =	sst s0;
	s0 =	simm.s32 @!p2 $0x0  }
0x16: {  	s3 =	sld [smem:$0x3FDB];
	s0 =	simm.s32 @p2 $0x1  }
0x17: {  	s4 =	simm.s32 $0x1BF5;
	[smem:$0x3FBA] =	sst s0  }
0x18: {  	s0 =	sld [smem:$0x3F9D];
	_ =	swait.ge [sflag:s4], $0x0  }
0x19: {  	s7 =	sld [smem:$0x3F9E]  }
0x1a: {  	s8 =	sadd.s32 $0xFFFFE003, lr  }
0x1b: {  	s9 =	sadd.s32 $0xFFFFFEF7, lr;
	s5 =	simm.s32 $0xFFFFFFFF;
	p2 =	slt.u32 s8, $0xFFFFF086  }
0x1c: {  	p1 =	slt.u32 s9, $0xF7A;
	s5 =	simm.s32 @!p2 $0x0  }
0x1d: {  	s5 =	simm.s32 @p1 $0x1;
	p0 =	seq.s32 s7, s2  }
0x1e: {  	s7 =	smul.u32 @!p0 $0xF7A, s2;
	p2 =	seq.s32 @!p0 s5, $0x0  }
0x1f: {  	s9 =	smul.u32 $0xF7A, s1;
	s8 =	simm.s32 @!p0 $0x1BF5;
	p2 =	por !p2, p0  }
0x20: {  	[sflag:s8] =	ssyncset.s32 @!p0 $0xFFFFF086;
	s6 =	sadd.s32 @!p0 s3, s7;
	s7 =	simm.s32 @!p0 $0x108  }
0x21: {  	s3 =	sadd.s32 s3, s9;
	s6 =	sadd.s32 @!p0 $0x88, s6;
	s7 =	simm.s32 @p2 $0x1082  }
0x22: {  	[simem:s7], [sflag:s8] =	dma.local @!p0 [hbm:s6], $0xF7A  }
0x23: {  	s9 =	sor.u32 $0xD0000000, s2;
	s6 =	simm.s32 $0x108;
	_ =	swait.ge @!p0 [sflag:s8], $0x0  }
0x24: {  	s3 =	sadd.s32 $0x88, s3;
	s6 =	simm.s32 @!p1 $0x1082;
	[sflag:s4] =	ssyncset.s32 $0xFFFFF086  }
0x25: {  	[simem:s6], [sflag:s4] =	dma.local [hbm:s3], $0xF7A  }
0x26: {  	[smem:$0x3F9E] =	sst s1;
	(tag) =	ssettag s2;
	_ =	strace s9  }
0x27: {  	s1 =	sld [smem:$0x3FAE]  }
0x28: {  	s2 =	sld [smem:$0x3FAF]  }
0x29: {  	s4 =	sld [smem:$0x3FB1]  }
0x2a: {  	p0 =	seq.s32 s5, $0x0;
	s5 =	sld [smem:$0x3FB2]  }
0x2b: {  	s6 =	sld [smem:$0x3FB3]  }
0x2c: {  	s7 =	sld [smem:$0x3FB4]  }
0x2d: {  	s3 =	simm.s32 $0x108;
	s8 =	sld [smem:$0x3FB5]  }
0x2e: {  	s3 =	simm.s32 @!p0 $0x1082;
	s9 =	sld [smem:$0x3FB6]  }
0x2f: {  	lr =	sadd.s32 s0, s3;
	s0 =	sld [smem:$0x3FAD]  }
0x30: {  	s3 =	sld [smem:$0x3FB0]  }
0x31: {  	[smem:$0x3FB9] =	sst s10  }
0x32: {  	s10 =	sld [smem:$0x3FB7];
	_ =	sdelay $0x3  }
0x33: {  	p0 =	seq.s32 s10, $0x1;
	s10 =	sld [smem:$0x3FB9];
	_ =	sdelay $0x3  }
0x34: {  	[smem:$0x3FB9] =	sst s10  }
0x35: {  	s10 =	sld [smem:$0x3FB8];
	_ =	sdelay $0x3  }
0x36: {  	p1 =	seq.s32 s10, $0x1;
	s10 =	sld [smem:$0x3FB9];
	_ =	sdelay $0x3  }
0x37: {  	[smem:$0x3FB9] =	sst s10  }
0x38: {  	s10 =	sld [smem:$0x3FBA]  }
0x39: {  	_ = 	snop;
	(pc) =	sbr.ind lr, $3  }
0x3a: {  	_ = 	snop  }
0x3b: {  	_ = 	snop  }
0x3c: {  	p2 =	seq.s32 s10, $0x1;
	s10 =	sld [smem:$0x3FB9]  }
0x3d: {  	_ =	shalt  }
0x3e: {  	_ =	shalt  }
0x3f: {  	_ =	shalt  }
0x40: {  	_ =	shalt  }
0x41: {  	_ =	shalt  }
0x42: {  	_ =	shalt  }
0x43: {  	_ =	shalt  }
0x44: {  	_ =	shalt  }
0x45: {  	_ =	shalt  }
0x46: {  	_ =	shalt  }
0x47: {  	_ =	shalt  }
0x48: {  	_ =	shalt  }
0x49: {  	_ =	shalt  }
0x4a: {  	_ =	shalt  }
0x4b: {  	_ =	shalt  }
0x4c: {  	_ =	shalt  }
0x4d: {  	_ =	shalt  }
0x4e: {  	_ =	shalt  }
0x4f: {  	_ =	shalt  }
0x50: {  	_ =	shalt  }
0x51: {  	_ =	shalt  }
0x52: {  	_ =	shalt  }
0x53: {  	_ =	shalt  }
0x54: {  	_ =	shalt  }
0x55: {  	_ =	shalt  }
0x56: {  	_ =	shalt  }
0x57: {  	_ =	shalt  }
0x58: {  	_ =	shalt  }
0x59: {  	_ =	shalt  }
0x5a: {  	_ =	shalt  }
0x5b: {  	_ =	shalt  }
0x5c: {  	_ =	shalt  }
0x5d: {  	_ =	shalt  }
0x5e: {  	_ =	shalt  }
0x5f: {  	_ =	shalt  }
0x60: {  	_ =	shalt  }
0x61: {  	_ =	shalt  }
0x62: {  	_ =	shalt  }
0x63: {  	_ =	shalt  }
0x64: {  	_ =	shalt  }
0x65: {  	_ =	shalt  }
0x66: {  	_ =	shalt  }
0x67: {  	_ =	shalt  }
0x68: {  	_ =	shalt  }
0x69: {  	_ =	shalt  }
0x6a: {  	_ =	shalt  }
0x6b: {  	_ =	shalt  }
0x6c: {  	_ =	shalt  }
0x6d: {  	_ =	shalt  }
0x6e: {  	_ =	shalt  }
0x6f: {  	_ =	shalt  }
0x70: {  	_ =	shalt  }
0x71: {  	_ =	shalt  }
0x72: {  	_ =	shalt  }
0x73: {  	_ =	shalt  }
0x74: {  	_ =	shalt  }
0x75: {  	_ =	shalt  }
0x76: {  	_ =	shalt  }
0x77: {  	_ =	shalt  }
0x78: {  	_ =	shalt  }
0x79: {  	_ =	shalt  }
0x7a: {  	_ =	shalt  }
0x7b: {  	_ =	shalt  }
0x7c: {  	_ =	shalt  }
0x7d: {  	_ =	shalt  }
0x7e: {  	_ =	shalt  }
0x7f: {  	_ =	shalt  }
0x80: {  	_ =	shalt  }
0x81: {  	_ =	shalt  }
0x82: {  	_ =	shalt  }
0x83: {  	_ =	shalt  }
0x84: {  	_ =	shalt  }
0x85: {  	_ =	shalt  }
0x86: {  	_ =	shalt  }
0x87: {  	_ =	shalt  }
.Lfunc_end0:
.L_simem_size_0:
called_computation.1_lowered:
.L_overlay_start_0:
0x88: {  	s2 =	sld [smem:$0x3FD9]  }
0x89: {  	s3 =	sld [smem:$0x3FFE];
	_ =	sdelay $0x1  }
0x8a: {  	s1 =	srdreg.scid  }
0x8b: {  	s0 =	sand.u32 $0x1, s1  }
0x8c: {  	s17 =	sshll.u32 s0, $0xA;
	s2 =	sadd.s32 s3, s2  }
0x8d: {  	s2 =	sadd.s32 s2, s17  }
0x8e: {  	[smem:$0x3FC5] =	sst s2  }
0x8f: {  	_ = 	snop  }
0x90: {  	s2 =	sld [smem:$0x3FC7];
	(tm) =	ssettm $0x1  }
0x91: {  	s18 =	sld [smem:$0x3FFB];
	_ =	sdelay $0x3  }
0x92: {  	_ =	strace s18  }
0x93: {  	s3 =	sld [smem:$0x3FFC];
	_ =	sdelay $0x3  }
0x94: {  	_ =	strace s3  }
0x95: {  	s3 =	sld [smem:$0x3FFD];
	_ =	sdelay $0x3  }
0x96: {  	_ =	strace s3  }
0x97: {  	_ =	strace $0x8FFFFFFF  }
0x98: {  	s19 =	sld [smem:$0x3FDB];
	_ =	sdelay $0x1  }
0x99: {  	s4 =	simm.s32 $_scs_section_size  }
0x9a: {  	s5 =	simm.s32 $_size__tile_overlayer_lowered;
	s6 =	simm.s32 $_tile_overlayer_lowered  }
0x9b: {  	s22 =	simm.s32 $0x1BFF;
	s21 =	sshll.u32 s6, $0x1;
	s3 =	sadd.s32 s4, s19  }
0x9c: {  	s7 =	simm.s32 $0x0;
	s20 =	sshll.u32 s5, $0x1;
	s5 =	sadd.s32 s21, s3  }
0x9d: {  	[timem:s7], [sflag:s22] =	dma.local [hbm:s5], s20  }
0x9e: {  	_ =	swait.ge [sflag:s22], s20  }
0x9f: {  	s4 =	ssub.s32 $0x0, s20;
	[sflag:s22] =	ssyncset.done $0x0  }
0xa0: {  	[sflag:s22] =	ssyncadd.s32 s4;
	_ =	sdelay $0x1  }
0xa1: {  	s23 =	simm.s32 $0x1B8B  }
0xa2: {  	_ =	swait.ge [sflag:s23], $0x1  }
0xa3: {  	[sflag:s23] =	ssyncset.done $0x0  }
0xa4: {  	s25 =	simm.s32 $0x1B8E;
	s24 =	sld [smem:$0x3FFE];
	[sflag:s23] =	ssyncadd.s32 $0xFFFFFFFF  }
0xa5: {  	s26 =	simm.s32 $execute0_lowered;
	[smem:$0x3FD2] =	sst s25  }
0xa6: {  	s5 =	sshll.u32 s26, $0x1;
	_ =	strace $0x80000046;
	[dreg:$0x1] =	wrdreg $0xFFFFFFFF  }
0xa7: {  	s28 =	simm.s32 $_size_execute0_lowered;
	s3 =	sadd.s32 s3, s5;
	[dreg:$0x0] =	wrdreg $0x0  }
0xa8: {  	s5 =	sshll.u32 s28, $0x1;
	[dreg:$0x2] =	wrdreg s3  }
0xa9: {  	[dreg:$0x3] =	wrdreg s5  }
0xaa: {  	[dreg:$0x4] =	wrdreg $0xC0  }
0xab: {  	_ =	task [dreg:s7], $0x5FFFF  }
0xac: {  	[dreg:$0x1] =	wrdreg $0xFFFFFFFF  }
0xad: {  	[dreg:$0x0] =	wrdreg $0x60  }
0xae: {  	[dreg:$0x2] =	wrdreg s24  }
0xaf: {  	[dreg:$0x3] =	wrdreg s2  }
0xb0: {  	[dreg:$0x4] =	wrdreg $0xA  }
0xb1: {  	_ =	task.clear_ibuf [dreg:s7], $0x5FFFF;
	_ =	strace $0x90000046  }
0xb2: {  	s29 =	simm.s32 $0xA;
	_ =	strace $0x80000048  }
0xb3: {  	_ =	swait.ge [sflag:s29], $0x1  }
0xb4: {  	[sflag:s29] =	ssyncadd.s32 $0xFFFFFFFF  }
0xb5: {  	_ =	strace $0x90000048  }
0xb6: {  	_ =	sfence  }
0xb7: {  	s30 =	sld [smem:$0x0];
	_ =	sdelay $0x2  }
0xb8: {  	s31 =	sshll.u32 s1, $0xD;
	s1 =	sshrl.u32 s1, $0x2  }
0xb9: {  	s3 =	sand.u32 $0x4000, s31;
	s1 =	sadd.s32 s1, s30  }
0xba: {  	s0 =	sor.u32 s3, s0;
	s1 =	sshll.u32 s1, $0x11  }
0xbb: {  	s0 =	sor.u32 s1, s0  }
0xbc: {  	s0 =	sadd.s32 $0x8F2B, s0  }
0xbd: {  	[sflag:s0] =	ssyncadd.remote.s32 $0x1  }
0xbe: {  	_ =	sfence.sel $0xFFFF  }
0xbf: {  	[dreg:$0x0] =	wrdreg $0xFFFFFFFF;
	(pc) =	sbr.abs _section_cstart, $3  }
0xc0: {  	[dreg:$0x1] =	wrdreg $0xFFFFFFFF  }
0xc1: {  	_ =	task.clear_ibuf [dreg:s7], $0x2FFFF;
	_ =	strace $0x9FFFFFFF  }
0xc2: {  	(tm) =	ssettm $0x7FFFFFFF  }
0xc3: {  	_ =	shalt  }
tec
execute0_lowered:
.L_overlay_start_1:
0x0: {  	(tag) =	ssettag $0x1  }
0x1: {  	s4 =	rddreg [dreg:$0x0];
	s0 =	srdreg.scid  }
0x2: {  	s2 =	rddreg [dreg:$0x1];
	s1 =	stileid.u32;
	s3 =	simm.s32 $0x0  }
0x3: {  	s8 =	simm.s32 $0x1;
	s9 =	simm.s32 $0x4000;
	s10 =	simm.s32 $0x0  }
0x4: {  	s5 =	sand.u32 $0x1, s0;
	s0 =	rddreg [dreg:$0x2];
	s6 =	sshll.u32 s1, $0xC  }
0x5: {  	[smem:$0x7FF] =	sst s3;
	s7 =	sshll.u32 s5, $0xB;
	s5 =	ssub.s32 $0x2, s5  }
0x6: {  	v0 =	vlaneseq.u32;
	_ =	strace $0x80000047;
	s6 =	sor.u32 s7, s6;
	s30 =	sshrl.u32 s5, $0x1  }
0x7: {  	vm0 =	vmmov $0xff;
	v1 =	vor.u32 $0x10, v0;
	s7 =	simm.s32 $0x8000;
	s6 =	sadd.s32 s6, s4;
	s31 =	ssub.s32 s5, s30  }
0x8: {  	v2 =	vor.u32 $0x20, v0;
	v3 =	vor.u32 $0x30, v0;
	v4 =	vand.u32 $0x7, v0;
	s4 =	sadd.s32 $0x1A00, s6;
	s5 =	sadd.s32 $0x11A00, s6;
	s6 =	smax.u32 s31, $0x1  }
.LBB2_1:
0x9: {  	[tilespmem:s7], [sflag:$0x1] =	stream.linear.gather [hbm4b:s2+s3], $0x80, $0x38;
	[tilespmem:$0x8080] =	vst v63  }
0xa: {  	_ =	swait.ge [sflag:s8], $0x80  }
0xb: {  	[sflag:s8] =	ssyncset.done $0x0  }
0xc: {  	[sflag:s8] =	ssyncadd.s32 $0xFFFFFF80  }
0xd: {  	v5 =	vld [tilespmem:$0x8000]  }
0xe: {  	v6 =	vld [tilespmem:$0x8010]  }
0xf: {  	v7 =	vld [tilespmem:$0x8020]  }
0x10: {  	v8 =	vld [tilespmem:$0x8030];
	[tilespmem:s3], [sflag:$0x1] =	stream.linear.gather [hbm4b:s4+s3], $0x4000, $0x38  }
0x11: {  	_ =	swait.ge [sflag:s8], $0x4000  }
0x12: {  	[sflag:s8] =	ssyncset.done $0x0  }
0x13: {  	s11 =	simm.s32 $0x0;
	[sflag:s8] =	ssyncadd.s32 $0xFFFFC000  }
0x14: {  	v9 =	vld [tilespmem:s11+$0x10]  }
0x15: {  	v10 =	vld [tilespmem:s11+$0x30]  }
0x16: {  	v11 =	vld [tilespmem:s11+$0x0]  }
0x17: {  	v12 =	vld [tilespmem:s11+$0x20];
	_ =	sdelay $0x1  }
0x18: {  	v9 =	vadd.f32 v9, v6  }
0x19: {  	v10 =	vadd.f32 v10, v8  }
0x1a: {  	v11 =	vadd.f32 v11, v5;
	(xrf1) =	vsort.dscd.msk.f32 $0xffff, v9, v1  }
0x1b: {  	v9 =	vadd.f32 v12, v7;
	(xrf1) =	vsort.dscd.msk.f32 $0xffff, v10, v3  }
0x1c: {  	(xrf1) =	vsort.dscd.msk.f32 $0xffff, v11, v0  }
0x1d: {  	(xrf1) =	vsort.dscd.msk.f32 $0xffff, v9, v2;
	_ =	sdelay $0x1  }
0x1e: {  	s12 =	simm.s32 $0x80  }
0x1f: {  	v9 =	vld [tilespmem:s12+$0x10]  }
0x20: {  	v10 =	vld [tilespmem:s12+$0x30];
	_ =	sdelay $0x1  }
0x21: {  	v11 =	vld [tilespmem:s12+$0x0]  }
0x22: {  	v12 =	vld [tilespmem:s12+$0x20]  }
0x23: {  	v9 =	vadd.f32 v9, v6  }
0x24: {  	v10 =	vadd.f32 v10, v8;
	_ =	sdelay $0x1  }
0x25: {  	v11 =	vadd.f32 v11, v5;
	v13, v14, _ =	vpop (xrf1);
	(xrf1) =	vsort.dscd.msk.f32 $0xffff, v9, v1  }
0x26: {  	v12 =	vadd.f32 v12, v7;
	v9, v15, _ =	vpop (xrf1);
	(xrf1) =	vsort.dscd.msk.f32 $0xffff, v10, v3  }
0x27: {  	v9 =	vperm.xlane v9, v4;
	v10, v16, _ =	vpop (xrf1);
	(xrf1) =	vsort.dscd.msk.f32 $0xffff, v11, v0;
	v11 =	vperm.xlane v15, v4  }
0x28: {  	v13 =	vperm.xlane v13, v4;
	v15, v17, _ =	vpop (xrf1);
	(xrf1) =	vsort.dscd.msk.f32 $0xffff, v12, v2;
	v12 =	vperm.xlane v14, v4  }
0x29: {  	v9 =	vsel vm0, v15, v9;
	v11 =	vsel vm0, v17, v11  }
0x2a: {  	s13 =	simm.s32 $0x100;
	(xrf1) =	vsort.dscd.msk.f32 $0xffff, v9, v11;
	v9 =	vsel vm0, v10, v13;
	v10 =	vsel vm0, v16, v12  }
0x2b: {  	v11 =	vld [tilespmem:s13+$0x10];
	(xrf1) =	vsort.dscd.msk.f32 $0xffff, v9, v10;
	_ =	sdelay $0x1  }
0x2c: {  	v9 =	vld [tilespmem:s13+$0x30]  }
0x2d: {  	v10 =	vld [tilespmem:s13+$0x0]  }
0x2e: {  	v12 =	vld [tilespmem:s13+$0x20]  }
0x2f: {  	v11 =	vadd.f32 v11, v6;
	_ =	sdelay $0x1  }
0x30: {  	v9 =	vadd.f32 v9, v8  }
0x31: {  	v10 =	vadd.f32 v10, v5;
	v13, v14, _ =	vpop (xrf1);
	(xrf1) =	vsort.dscd.msk.f32 $0xffff, v11, v1  }
0x32: {  	v12 =	vadd.f32 v12, v7;
	v11, v15, _ =	vpop (xrf1);
	(xrf1) =	vsort.dscd.msk.f32 $0xffff, v9, v3;
	v13 =	vperm.xlane v13, v4  }
0x33: {  	v9 =	vperm.xlane v11, v4;
	v11, v16, _ =	vpop (xrf1);
	(xrf1) =	vsort.dscd.msk.f32 $0xffff, v10, v0;
	v10 =	vperm.xlane v15, v4  }
0x34: {  	v15, v17, _ =	vpop (xrf1);
	(xrf1) =	vsort.dscd.msk.f32 $0xffff, v12, v2;
	v12 =	vperm.xlane v14, v4  }
0x35: {  	v9 =	vsel vm0, v15, v9;
	v10 =	vsel vm0, v17, v10  }
0x36: {  	s14 =	simm.s32 $0x180;
	v11 =	vsel vm0, v11, v13;
	v13, v14, _ =	vpop (xrf1);
	(xrf1) =	vsort.dscd.msk.f32 $0xffff, v9, v10;
	v12 =	vsel vm0, v16, v12  }
0x37: {  	v9 =	vperm.xlane v13, v4;
	v10 =	vperm.xlane v14, v4;
	v13, v14, _ =	vpop (xrf1);
	(xrf1) =	vsort.dscd.msk.f32 $0xffff, v11, v12;
	v11 =	vld [tilespmem:s14+$0x10]  }
0x38: {  	v12 =	vld [tilespmem:s14+$0x30];
	_ =	sdelay $0x1  }
0x39: {  	v9 =	vsel vm0, v13, v9;
	v10 =	vsel vm0, v14, v10  }
0x3a: {  	(xrf1) =	vsort.dscd.msk.f32 $0xffff, v9, v10;
	v9 =	vld [tilespmem:s14+$0x0]  }
0x3b: {  	v10 =	vld [tilespmem:s14+$0x20];
	v11 =	vadd.f32 v11, v6  }
0x3c: {  	v12 =	vadd.f32 v12, v8;
	_ =	sdelay $0x1  }
0x3d: {  	v13, v14, _ =	vpop (xrf1)  }
0x3e: {  	v9 =	vadd.f32 v9, v5;
	(xrf1) =	vsort.dscd.msk.f32 $0xffff, v11, v1;
	v11, v15, _ =	vpop (xrf1)  }
0x3f: {  	v10 =	vadd.f32 v10, v7;
	(xrf1) =	vsort.dscd.msk.f32 $0xffff, v12, v3;
	v12, v16, _ =	vpop (xrf1)  }
0x40: {  	v11 =	vperm.xlane v11, v4;
	(xrf1) =	vsort.dscd.msk.f32 $0xffff, v9, v0;
	v9 =	vperm.xlane v15, v4;
	v15, v17, _ =	vpop (xrf1)  }
0x41: {  	(xrf1) =	vsort.dscd.msk.f32 $0xffff, v10, v2  }
0x42: {  	v10 =	vperm.xlane v14, v4;
	v11 =	vsel vm0, v15, v11;
	v9 =	vsel vm0, v17, v9;
	v14, v15, _ =	vpop (xrf1)  }
0x43: {  	v13 =	vperm.xlane v13, v4;
	(xrf1) =	vsort.dscd.msk.f32 $0xffff, v11, v9;
	v9 =	vperm.xlane v14, v4;
	_ =	sdelay $0x2  }
0x44: {  	v11 =	vperm.xlane v15, v4  }
0x45: {  	s15 =	simm.s32 $0x200;
	v12 =	vsel vm0, v12, v13;
	v10 =	vsel vm0, v16, v10;
	v13, v15, _ =	vpop (xrf1)  }
0x46: {  	v14 =	vld [tilespmem:s15+$0x10];
	(xrf1) =	vsort.dscd.msk.f32 $0xffff, v12, v10;
	v10 =	vsel vm0, v13, v9;
	v11 =	vsel vm0, v15, v11;
	v13, v9, _ =	vpop (xrf1)  }
0x47: {  	(xrf1) =	vsort.dscd.msk.f32 $0xffff, v10, v11;
	v11 =	vand.u32 $0xF, v9  }
0x48: {  	v12 =	vld [tilespmem:s15+$0x30];
	v16 =	vperm.xlane v7, v11;
	v17 =	vperm.xlane v8, v11  }
0x49: {  	v15 =	vld [tilespmem:s15+$0x20];
	vm1 =	vlt.s32 v9, $0x30;
	v18 =	vperm.xlane v6, v11  }
0x4a: {  	v10 =	vld [tilespmem:s15+$0x0];
	vm2 =	vlt.s32 v9, $0x20;
	v16 =	vsel vm1, v16, v17  }
0x4b: {  	v14 =	vadd.f32 v14, v6;
	v16 =	vsel vm2, v18, v16;
	_ =	sdelay $0x1  }
0x4c: {  	v11 =	vperm.xlane v5, v11  }
0x4d: {  	v12 =	vadd.f32 v12, v8;
	v15 =	vadd.f32 v15, v7;
	vm1 =	vlt.s32 v9, $0x10;
	v17, v18, _ =	vpop (xrf1)  }
0x4e: {  	v10 =	vadd.f32 v10, v5;
	v11 =	vsel vm1, v11, v16;
	(xrf1) =	vsort.dscd.msk.f32 $0xffff, v14, v1;
	v14, v16, _ =	vpop (xrf1)  }
0x4f: {  	v11 =	vsub.f32 v13, v11;
	(xrf1) =	vsort.dscd.msk.f32 $0xffff, v12, v3;
	v12 =	vperm.xlane v14, v4  }
0x50: {  	v13, v14, _ =	vpop (xrf1);
	(xrf1) =	vsort.dscd.msk.f32 $0xffff, v10, v0;
	v10 =	vperm.xlane v16, v4;
	v16 =	vperm.xlane v17, v4;
	_ =	sdelay $0x1  }
0x51: {  	v17, v19, _ =	vpop (xrf1);
	(xrf1) =	vsort.dscd.msk.f32 $0xffff, v15, v2;
	v15 =	vnsel vm0, $0xFF800000, v11;
	_ =	sdelay $0x1  }
0x52: {  	(xrf0) =	vmax.scan.msk.f32 $0xffff, v15  }
0x53: {  	v12 =	vsel vm0, v17, v12;
	v10 =	vsel vm0, v19, v10;
	v13 =	vsel vm0, v13, v16;
	v15, v16, _ =	vpop (xrf1)  }
0x54: {  	v18 =	vperm.xlane v18, v4;
	(xrf1) =	vsort.dscd.msk.f32 $0xffff, v12, v10;
	v10 =	vperm.xlane v15, v4  }
0x55: {  	v15 =	vperm.xlane v16, v4;
	_ =	sdelay $0x1  }
0x56: {  	v16, v17, _ =	vpop (xrf1)  }
0x57: {  	s16 =	simm.s32 $0x280;
	v14 =	vsel vm0, v14, v18;
	v18, _, _ =	vpop (xrf0)  }
0x58: {  	(xrf1) =	vsort.dscd.msk.f32 $0xffff, v13, v14;
	v13 =	vsel vm0, v16, v10;
	v14 =	vsel vm0, v17, v15;
	v16 =	vld [tilespmem:s16+$0x30];
	v15, v10, _ =	vpop (xrf1)  }
0x59: {  	v12 =	vld [tilespmem:s16+$0x10];
	v18 =	vbroadcast v18, $0xF;
	(xrf1) =	vsort.dscd.msk.f32 $0xffff, v13, v14;
	v13 =	vand.u32 $0xF, v10  }
0x5a: {  	v14 =	vld [tilespmem:s16+$0x0];
	v17 =	vperm.xlane v7, v13;
	v20 =	vperm.xlane v8, v13  }
0x5b: {  	vm2 =	vlt.s32 v10, $0x30;
	v21 =	vperm.xlane v6, v13  }
0x5c: {  	v19 =	vld [tilespmem:s16+$0x20];
	v11 =	vsub.f32 v11, v18;
	vm1 =	vlt.s32 v10, $0x20;
	v17 =	vsel vm2, v17, v20  }
0x5d: {  	v13 =	vperm.xlane v5, v13;
	v16 =	vadd.f32 v16, v8;
	v17 =	vsel vm1, v21, v17  }
0x5e: {  	v12 =	vadd.f32 v12, v6  }
0x5f: {  	v11 =	vmul.f32 $1.442695020e+00, v11;
	vm2 =	vlt.s32 v10, $0x10;
	v14 =	vadd.f32 v14, v5  }
0x60: {  	v18, v20, _ =	vpop (xrf1);
	(xrf1) =	vsort.dscd.msk.f32 $0xffff, v12, v1;
	v12 =	vsel vm2, v13, v17  }
0x61: {  	v19 =	vadd.f32 v19, v7;
	(erf) = vpow2.f32 v11;
	v15 =	vsub.f32 v15, v12;
	v13, v17, _ =	vpop (xrf1);
	(xrf1) =	vsort.dscd.msk.f32 $0xffff, v16, v3  }
0x62: {  	v12 =	vperm.xlane v13, v4;
	v13, v16, _ =	vpop (xrf1);
	(xrf1) =	vsort.dscd.msk.f32 $0xffff, v14, v0;
	v11 =	vperm.xlane v17, v4  }
0x63: {  	v20 =	vperm.xlane v20, v4;
	v14, v17, _ =	vpop (xrf1);
	(xrf1) =	vsort.dscd.msk.f32 $0xffff, v19, v2;
	v19 =	vnsel vm0, $0xFF800000, v15  }
0x64: {  	v18 =	vperm.xlane v18, v4;
	v12 =	vsel vm0, v14, v12;
	v14, v21, _ =	vpop (xrf1);
	(xrf0) =	vmax.scan.msk.f32 $0xffff, v19;
	v11 =	vsel vm0, v17, v11  }
0x65: {  	v14 =	vperm.xlane v14, v4;
	(xrf1) =	vsort.dscd.msk.f32 $0xffff, v12, v11;
	v11 =	vsel vm0, v16, v20  }
0x66: {  	v17 =	vperm.xlane v21, v4  }
0x67: {  	v13 =	vsel vm0, v13, v18;
	v12, v16, _ =	vpop (xrf1)  }
0x68: {  	s17 =	simm.s32 $0x300;
	(xrf1) =	vsort.dscd.msk.f32 $0xffff, v13, v11;
	v12 =	vsel vm0, v12, v14;
	v13 =	vsel vm0, v16, v17  }
0x69: {  	v14, v11, _ =	vpop (xrf1);
	(xrf1) =	vsort.dscd.msk.f32 $0xffff, v12, v13;
	v13 =	vld [tilespmem:s17+$0x10]  }
0x6a: {  	v17 =	vld [tilespmem:s17+$0x30];
	v16 =	vand.u32 $0xF, v11  }
0x6b: {  	vm1 =	vlt.s32 v11, $0x20;
	v18 =	vperm.xlane v7, v16;
	v12, _, _ =	vpop (xrf0);
	v20 =	vperm.xlane v8, v16  }
0x6c: {  	v19 =	vld [tilespmem:s17+$0x0];
	vm2 =	vlt.s32 v11, $0x30;
	v22 =	vperm.xlane v6, v16;
	v21 =	vbroadcast v12, $0xF;
	v12 =	vpop (erf)  }
0x6d: {  	v24 =	vld [tilespmem:s17+$0x20];
	v16 =	vperm.xlane v5, v16;
	v23 =	vnsel vm0, $0x0, v12;
	v18 =	vsel vm2, v18, v20  }
0x6e: {  	v15 =	vsub.f32 v15, v21;
	(xrf2) =	vadd.scan.msk.f32 $0xffff, v23;
	v13 =	vadd.f32 v13, v6;
	v18 =	vsel vm1, v22, v18  }
0x6f: {  	vm2 =	vlt.s32 v11, $0x10;
	v17 =	vadd.f32 v17, v8  }
0x70: {  	v16 =	vsel vm2, v16, v18;
	v15 =	vmul.f32 $1.442695020e+00, v15  }
0x71: {  	v19 =	vadd.f32 v19, v5;
	(xrf1) =	vsort.dscd.msk.f32 $0xffff, v13, v1;
	v16 =	vsub.f32 v14, v16;
	v18, v20, _ =	vpop (xrf1)  }
0x72: {  	(xrf1) =	vsort.dscd.msk.f32 $0xffff, v17, v3;
	v13, v14, _ =	vpop (xrf1);
	(erf) = vpow2.f32 v15;
	v15 =	vadd.f32 v24, v7  }
0x73: {  	(xrf1) =	vsort.dscd.msk.f32 $0xffff, v19, v0;
	v19 =	vnsel vm0, $0xFF800000, v16;
	v13 =	vperm.xlane v13, v4;
	v17, v21, _ =	vpop (xrf1)  }
0x74: {  	s18 =	simm.s32 $0x380;
	v14 =	vperm.xlane v14, v4;
	(xrf0) =	vmax.scan.msk.f32 $0xffff, v19;
	v19 =	vperm.xlane v20, v4;
	v22, v23, _ =	vpop (xrf1)  }
0x75: {  	v24 =	vld [tilespmem:s18+$0x10];
	(xrf1) =	vsort.dscd.msk.f32 $0xffff, v15, v2;
	v13 =	vsel vm0, v22, v13  }
0x76: {  	v18 =	vperm.xlane v18, v4;
	v22 =	vld [tilespmem:s18+$0x30];
	v14 =	vsel vm0, v23, v14;
	v15, v20, _ =	vpop (xrf1)  }
0x77: {  	v23 =	vperm.xlane v15, v4;
	v20 =	vperm.xlane v20, v4;
	v25, v26, _ =	vpop (xrf1);
	(xrf1) =	vsort.dscd.msk.f32 $0xffff, v13, v14  }
0x78: {  	v17 =	vsel vm0, v17, v18;
	v14 =	vsel vm0, v21, v19;
	v19, _, _ =	vpop (xrf2)  }
0x79: {  	(xrf1) =	vsort.dscd.msk.f32 $0xffff, v17, v14;
	v15, v13, _ =	vpop (xrf1);
	v18 =	vsel vm0, v25, v23;
	v25 =	vsel vm0, v26, v20  }
0x7a: {  	v17 =	vadd.f32 v24, v6;
	v26 =	vbroadcast v19, $0xF;
	v19 =	vld [tilespmem:s18+$0x0];
	v21 =	vand.u32 $0xF, v13;
	(xrf1) =	vsort.dscd.msk.f32 $0xffff, v18, v25  }
0x7b: {  	v20 =	vadd.f32 v22, v8;
	v14, _, _ =	vpop (xrf0);
	v22 =	vld [tilespmem:s18+$0x20];
	v23 =	vperm.xlane v7, v21;
	v24 =	vperm.xlane v8, v21  }
0x7c: {  	s19 =	simm.s32 $0x1000;
	vm1 =	vlt.s32 v13, $0x20;
	v18 =	vbroadcast v14, $0xF;
	v14 =	vpop (erf);
	(erf) = vrcp.f32 v26  }
.LBB2_2:
0x7d: {  	v29 =	vperm.xlane v6, v21  }
0x7e: {  	p0 =	sne.s32 s19, $0xFE00;
	vm2 =	vlt.s32 v13, $0x30;
	v26 =	vnsel vm0, $0x0, v14;
	v21 =	vperm.xlane v5, v21  }
0x7f: {  	v27, v28, _ =	vpop (xrf1);
	v23 =	vsel vm2, v23, v24;
	v16 =	vsub.f32 v16, v18;
	(xrf2) =	vadd.scan.msk.f32 $0xffff, v26;
	v26 =	vadd.f32 v19, v5  }
0x80: {  	vm2 =	vlt.s32 v13, $0x10;
	(xrf1) =	vsort.dscd.msk.f32 $0xffff, v17, v1;
	v17, v19, _ =	vpop (xrf1);
	v23 =	vsel vm1, v29, v23;
	v22 =	vadd.f32 v22, v7  }
0x81: {  	(xrf1) =	vsort.dscd.msk.f32 $0xffff, v20, v3;
	v20 =	vsel vm2, v21, v23;
	v21 =	vmul.f32 $1.442695020e+00, v16;
	v23 =	vperm.xlane v27, v4  }
0x82: {  	v17 =	vperm.xlane v17, v4;
	v24, v25, _ =	vpop (xrf1);
	v16 =	vsub.f32 v15, v20;
	v15 =	vperm.xlane v19, v4  }
0x83: {  	v20 =	vperm.xlane v28, v4;
	(xrf1) =	vsort.dscd.msk.f32 $0xffff, v26, v0;
	v18, v19, _ =	vpop (xrf1);
	(erf) = vpow2.f32 v21  }
0x84: {  	s20 =	sshra.s32 s19, $0x2;
	(xrf1) =	vsort.dscd.msk.f32 $0xffff, v22, v2;
	v26 =	vnsel vm0, $0xFF800000, v16  }
0x85: {  	v23 =	vsel vm0, v24, v23;
	v17 =	vsel vm0, v18, v17;
	v15 =	vsel vm0, v19, v15;
	v22 =	vld [tilespmem:s20+$0x10];
	v18, v19, _ =	vpop (xrf1);
	(xrf0) =	vmax.scan.msk.f32 $0xffff, v26  }
0x86: {  	v24 =	vld [tilespmem:s20+$0x30];
	(xrf1) =	vsort.dscd.msk.f32 $0xffff, v17, v15;
	v26 =	vperm.xlane v18, v4;
	v17 =	vperm.xlane v19, v4;
	v18 =	vpop (erf)  }
0x87: {  	v19 =	vsel vm0, v25, v20;
	v25, v21, _ =	vpop (xrf1);
	v27 =	vmul.f32 v18, v12;
	v18 =	vperm.xlane v9, v4  }
.Ltmp0:
0x88: {  	v9 =	vmov v10;
	(xrf1) =	vsort.dscd.msk.f32 $0xffff, v23, v19;
	v19 =	vsel vm0, v25, v26;
	v17 =	vsel vm0, v21, v17;
	v15, v20, _ =	vpop (xrf1);
	(pc) =	sbr.rel @p0 .LBB2_2-.Ltmp0, $4  }
0x89: {  	v10 =	vmov v11;
	v11 =	vmov v13;
	(xrf1) =	vsort.dscd.msk.f32 $0xffff, v19, v17;
	v23, _, _ =	vpop (xrf2);
	v18 =	vsel vm0, v27, v18  }
0x8a: {  	v12 =	vmovc v14;
	v21 =	vand.u32 $0xF, v20;
	v13 =	vmovc v20;
	v19 =	vld [tilespmem:s20+$0x0];
	v17 =	vadd.f32 v22, v6;
	v25 =	vbroadcast v23, $0xF;
	[tilespmem:s11+$0x4000] =	vst v18;
	s11 =	smov.u32 s12;
	s12 =	smov.u32 s13;
	s13 =	smov.u32 s14  }
0x8b: {  	v23 =	vperm.xlane v7, v21;
	s14 =	smov.u32 s15;
	s15 =	smov.u32 s16;
	s16 =	smov.u32 s17;
	v22 =	vld [tilespmem:s20+$0x20];
	v20 =	vadd.f32 v24, v8;
	v24 =	vperm.xlane v8, v21;
	v14, _, _ =	vpop (xrf0)  }
0x8c: {  	s19 =	sadd.s32 $0x200, s19;
	vm1 =	vlt.s32 v13, $0x20;
	s17 =	smov.u32 s18;
	s18 =	smov.u32 s20;
	v18 =	vbroadcast v14, $0xF;
	v14 =	vpop (erf);
	(erf) = vrcp.f32 v25  }
0x8d: {  	_ = 	snop  }
0x8e: {  	v25 =	vperm.xlane v6, v21  }
0x8f: {  	vm2 =	vlt.s32 v13, $0x30;
	v30 =	vperm.xlane v5, v21;
	(xrf1) =	vsort.dscd.msk.f32 $0xffff, v17, v1;
	v19 =	vadd.f32 v19, v5  }
0x90: {  	v31 =	vsel vm2, v23, v24;
	(xrf1) =	vsort.dscd.msk.f32 $0xffff, v20, v3;
	v22 =	vadd.f32 v22, v7  }
0x91: {  	vm2 =	vlt.s32 v13, $0x10;
	v17 =	vsel vm1, v25, v31;
	(xrf1) =	vsort.dscd.msk.f32 $0xffff, v19, v0  }
0x92: {  	v33, v32, _ =	vpop (xrf1);
	v17 =	vsel vm2, v30, v17;
	(xrf1) =	vsort.dscd.msk.f32 $0xffff, v22, v2  }
0x93: {  	v34, v35, _ =	vpop (xrf1);
	v17 =	vsub.f32 v15, v17  }
0x94: {  	v21 =	vperm.xlane v34, v4;
	v37, v36, _ =	vpop (xrf1);
	v19 =	vperm.xlane v33, v4  }
0x95: {  	v38 =	vnsel vm0, $0x0, v14;
	v22 =	vperm.xlane v35, v4;
	v39, v26, _ =	vpop (xrf1);
	v27 =	vnsel vm0, $0xFF800000, v17  }
0x96: {  	v20 =	vperm.xlane v32, v4;
	v21 =	vsel vm0, v39, v21;
	v15 =	vsel vm0, v37, v19;
	v40, v28, _ =	vpop (xrf1);
	(xrf0) =	vmax.scan.msk.f32 $0xffff, v27  }
0x97: {  	(xrf2) =	vadd.scan.msk.f32 $0xffff, v38;
	v22 =	vsel vm0, v26, v22;
	v41 =	vperm.xlane v40, v4;
	v42 =	vperm.xlane v28, v4  }
0x98: {  	v43 =	vsel vm0, v36, v20;
	(xrf1) =	vsort.dscd.msk.f32 $0xffff, v21, v22;
	v45, v44, _ =	vpop (xrf1)  }
0x99: {  	(xrf1) =	vsort.dscd.msk.f32 $0xffff, v15, v43;
	v46 =	vsel vm0, v45, v41;
	v47 =	vsel vm0, v44, v42  }
0x9a: {  	v16 =	vsub.f32 v16, v18;
	(xrf1) =	vsort.dscd.msk.f32 $0xffff, v46, v47  }
0x9b: {  	v19, v15, _ =	vpop (xrf1)  }
0x9c: {  	v16 =	vmul.f32 $1.442695020e+00, v16;
	v48, _, _ =	vpop (xrf0)  }
0x9d: {  	v49, v50, _ =	vpop (xrf1)  }
0x9e: {  	(erf) = vpow2.f32 v16;
	v51, v52, _ =	vpop (xrf1)  }
0x9f: {  	v22 =	vperm.xlane v51, v4;
	v23 =	vperm.xlane v52, v4;
	v53, v54, _ =	vpop (xrf1)  }
0xa0: {  	v18 =	vbroadcast v48, $0xF;
	v20 =	vperm.xlane v49, v4;
	v56, v55, _ =	vpop (xrf1)  }
0xa1: {  	v21 =	vperm.xlane v50, v4;
	v22 =	vsel vm0, v56, v22;
	v23 =	vsel vm0, v55, v23  }
0xa2: {  	v57, _, _ =	vpop (xrf2);
	v17 =	vsub.f32 v17, v18;
	(xrf1) =	vsort.dscd.msk.f32 $0xffff, v22, v23  }
0xa3: {  	v16 =	vbroadcast v57, $0xF;
	v58 =	vsel vm0, v53, v20;
	v59 =	vsel vm0, v54, v21  }
0xa4: {  	v60 =	vand.u32 $0xF, v15;
	v17 =	vmul.f32 $1.442695020e+00, v17;
	(xrf1) =	vsort.dscd.msk.f32 $0xffff, v58, v59  }
0xa5: {  	v26 =	vpop (erf);
	v61 =	vperm.xlane v7, v60;
	(erf) = vrcp.f32 v16  }
0xa6: {  	v62 =	vperm.xlane v8, v60;
	(erf) = vpow2.f32 v17;
	v32, v63, _ =	vpop (xrf1)  }
0xa7: {  	vm1 =	vlt.s32 v15, $0x30;
	v33 =	vperm.xlane v6, v60;
	v34, v35, _ =	vpop (xrf1)  }
0xa8: {  	vm2 =	vlt.s32 v15, $0x20;
	v18 =	vsel vm1, v61, v62;
	v21 =	vperm.xlane v5, v60;
	v36, v16, _ =	vpop (xrf1)  }
0xa9: {  	v28 =	vpop (erf);
	vm1 =	vlt.s32 v15, $0x10;
	v18 =	vsel vm2, v33, v18;
	v37 =	vand.u32 $0xF, v16  }
0xaa: {  	v40 =	vnsel vm0, $0x0, v28;
	v18 =	vsel vm1, v21, v18;
	v38 =	vperm.xlane v7, v37  }
0xab: {  	v18 =	vsub.f32 v19, v18;
	v39 =	vperm.xlane v8, v37;
	v22 =	vperm.xlane v5, v37  }
0xac: {  	v17 =	vperm.xlane v32, v4;
	vm1 =	vlt.s32 v16, $0x30;
	v41 =	vperm.xlane v6, v37  }
0xad: {  	v20 =	vperm.xlane v63, v4;
	v21 =	vsel vm1, v38, v39;
	vm1 =	vlt.s32 v16, $0x20  }
0xae: {  	(xrf2) =	vadd.scan.msk.f32 $0xffff, v40;
	v27 =	vpop (erf);
	v42 =	vnsel vm0, $0xFF800000, v18;
	v21 =	vsel vm1, v41, v21;
	vm1 =	vlt.s32 v16, $0x10  }
0xaf: {  	(xrf0) =	vmax.scan.msk.f32 $0xffff, v42;
	v17 =	vsel vm0, v34, v17;
	v43 =	vsel vm0, v35, v20;
	v21 =	vsel vm1, v22, v21;
	v22 =	vpop (erf)  }
0xb0: {  	(xrf1) =	vsort.dscd.msk.f32 $0xffff, v17, v43;
	v44 =	vsub.f32 v36, v21;
	v46, v45, _ =	vpop (xrf1)  }
0xb1: {  	v47 =	vnsel vm0, $0x0, v22;
	v48 =	vperm.xlane v46, v4;
	v49 =	vperm.xlane v45, v4  }
0xb2: {  	(xrf2) =	vadd.scan.msk.f32 $0xffff, v47;
	v50 =	vnsel vm0, $0xFF800000, v44;
	v52, v51, _ =	vpop (xrf1)  }
0xb3: {  	(xrf0) =	vmax.scan.msk.f32 $0xffff, v50;
	v53 =	vsel vm0, v52, v48;
	v54 =	vsel vm0, v51, v49  }
0xb4: {  	(xrf1) =	vsort.dscd.msk.f32 $0xffff, v53, v54;
	_ =	sdelay $0x1  }
0xb5: {  	v55, _, _ =	vpop (xrf0)  }
0xb6: {  	v17 =	vbroadcast v55, $0xF;
	_ =	sdelay $0x1  }
0xb7: {  	v57, _, _ =	vpop (xrf2);
	v17 =	vsub.f32 v18, v17  }
0xb8: {  	v59 =	vbroadcast v57, $0xF;
	v56, _, _ =	vpop (xrf0)  }
0xb9: {  	v17 =	vmul.f32 $1.442695020e+00, v17;
	v58 =	vbroadcast v56, $0xF  }
0xba: {  	(erf) = vrcp.f32 v59  }
0xbb: {  	(erf) = vpow2.f32 v17;
	v60, _, _ =	vpop (xrf2);
	v18 =	vsub.f32 v44, v58  }
0xbc: {  	v63, v20, _ =	vpop (xrf1);
	v61 =	vbroadcast v60, $0xF  }
0xbd: {  	v29 =	vand.u32 $0xF, v20;
	v62 =	vmul.f32 $1.442695020e+00, v18  }
0xbe: {  	v30 =	vperm.xlane v7, v29;
	(erf) = vrcp.f32 v61  }
0xbf: {  	v31 =	vperm.xlane v8, v29;
	(erf) = vpow2.f32 v62  }
0xc0: {  	vm1 =	vlt.s32 v20, $0x20;
	vm2 =	vlt.s32 v20, $0x30;
	v32 =	vperm.xlane v6, v29;
	v34, v33, _ =	vpop (xrf1)  }
0xc1: {  	v19 =	vperm.xlane v5, v29;
	v17 =	vsel vm2, v30, v31;
	v35 =	vand.u32 $0xF, v33  }
0xc2: {  	vm2 =	vlt.s32 v20, $0x10;
	v7 =	vperm.xlane v7, v35;
	v36 =	vperm.xlane v8, v35  }
0xc3: {  	v37 =	vpop (erf);
	v17 =	vsel vm1, v32, v17;
	vm1 =	vlt.s32 v33, $0x30;
	v6 =	vperm.xlane v6, v35  }
0xc4: {  	v17 =	vsel vm2, v19, v17;
	v38 =	vpop (erf);
	vm2 =	vlt.s32 v33, $0x20;
	v7 =	vsel vm1, v7, v36  }
0xc5: {  	v5 =	vperm.xlane v5, v35;
	v6 =	vsel vm2, v6, v7;
	v7 =	vnsel vm0, $0x0, v38  }
0xc6: {  	v17 =	vsub.f32 v63, v17;
	vm1 =	vlt.s32 v33, $0x10  }
0xc7: {  	v39 =	vpop (erf);
	v5 =	vsel vm1, v5, v6  }
0xc8: {  	(xrf2) =	vadd.scan.msk.f32 $0xffff, v7;
	v6 =	vnsel vm0, $0xFF800000, v17;
	v5 =	vsub.f32 v34, v5;
	v7 =	vpop (erf)  }
0xc9: {  	(xrf0) =	vmax.scan.msk.f32 $0xffff, v6;
	v6 =	vnsel vm0, $0x0, v7  }
0xca: {  	(xrf2) =	vadd.scan.msk.f32 $0xffff, v6;
	v6 =	vnsel vm0, $0xFF800000, v5  }
0xcb: {  	(xrf0) =	vmax.scan.msk.f32 $0xffff, v6;
	_ =	sdelay $0x3  }
0xcc: {  	v6, _, _ =	vpop (xrf0)  }
0xcd: {  	v6 =	vbroadcast v6, $0xF  }
0xce: {  	v40, _, _ =	vpop (xrf0)  }
0xcf: {  	v41, _, _ =	vpop (xrf2);
	v6 =	vsub.f32 v17, v6;
	v42 =	vbroadcast v40, $0xF  }
0xd0: {  	v43 =	vbroadcast v41, $0xF  }
0xd1: {  	v6 =	vmul.f32 $1.442695020e+00, v6;
	v44, _, _ =	vpop (xrf2);
	v5 =	vsub.f32 v5, v42  }
0xd2: {  	(erf) = vrcp.f32 v43;
	v45 =	vbroadcast v44, $0xF  }
0xd3: {  	(erf) = vpow2.f32 v6;
	v5 =	vmul.f32 $1.442695020e+00, v5  }
0xd4: {  	(erf) = vrcp.f32 v45  }
0xd5: {  	(erf) = vpow2.f32 v5;
	_ =	sdelay $0x5  }
0xd6: {  	v5 =	vpop (erf)  }
0xd7: {  	v6 =	vpop (erf)  }
0xd8: {  	v17 =	vpop (erf)  }
0xd9: {  	v46 =	vnsel vm0, $0x0, v6;
	v47 =	vpop (erf)  }
0xda: {  	(xrf2) =	vadd.scan.msk.f32 $0xffff, v46;
	v48 =	vnsel vm0, $0x0, v47  }
0xdb: {  	(xrf2) =	vadd.scan.msk.f32 $0xffff, v48;
	_ =	sdelay $0x8  }
0xdc: {  	v49, _, _ =	vpop (xrf2)  }
0xdd: {  	v21 =	vbroadcast v49, $0xF;
	v50, _, _ =	vpop (xrf2)  }
0xde: {  	v24 =	vbroadcast v50, $0xF  }
0xdf: {  	(erf) = vrcp.f32 v21  }
0xe0: {  	(erf) = vrcp.f32 v24;
	_ =	sdelay $0x2  }
0xe1: {  	v9 =	vperm.xlane v9, v4;
	v12 =	vmul.f32 v26, v12  }
0xe2: {  	v10 =	vperm.xlane v10, v4;
	v51 =	vmul.f32 v27, v14  }
0xe3: {  	v11 =	vperm.xlane v11, v4;
	v9 =	vsel vm0, v12, v9;
	v52 =	vmul.f32 v37, v28  }
0xe4: {  	[tilespmem:s11+$0x4000] =	vst v9;
	v55 =	vperm.xlane v13, v4;
	v53 =	vsel vm0, v51, v10;
	v54 =	vmul.f32 v39, v22  }
0xe5: {  	v57 =	vperm.xlane v15, v4;
	[tilespmem:s12+$0x4000] =	vst v53;
	v56 =	vsel vm0, v52, v11;
	v5 =	vmul.f32 v5, v38  }
0xe6: {  	v59 =	vperm.xlane v16, v4;
	[tilespmem:s13+$0x4000] =	vst v56;
	v58 =	vsel vm0, v54, v55;
	v7 =	vmul.f32 v17, v7;
	v60 =	vpop (erf)  }
0xe7: {  	v61 =	vperm.xlane v20, v4;
	[tilespmem:s14+$0x4000] =	vst v58;
	v5 =	vsel vm0, v5, v57;
	v6 =	vmul.f32 v60, v6;
	v62 =	vpop (erf)  }
0xe8: {  	v63 =	vperm.xlane v33, v4;
	[tilespmem:s15+$0x4000] =	vst v5;
	v5 =	vsel vm0, v7, v59;
	v7 =	vmul.f32 v62, v47  }
0xe9: {  	s10 =	sadd.s32 $0x1, s10;
	[tilespmem:s16+$0x4000] =	vst v5;
	v5 =	vsel vm0, v6, v61  }
0xea: {  	p0 =	sne.s32 s10, s6;
	[tilespmem:s17+$0x4000] =	vst v5;
	v5 =	vsel vm0, v7, v63  }
.Ltmp1:
0xeb: {  	[tilespmem:s18+$0x4000] =	vst v5;
	(pc) =	sbr.rel @p0 .LBB2_1-.Ltmp1, $4  }
0xec: {  	[hbm4b:s5+s3] =	stream.linear.scatter [tilespmem:s9], [sflag:$0x1], $0x4000, $0x38;
	[tilespmem:$0x8080] =	vst v63  }
0xed: {  	_ =	swait.ge [sflag:s8], $0x4000  }
0xee: {  	[sflag:s8] =	ssyncset.done $0x0  }
0xef: {  	[sflag:s8] =	ssyncadd.s32 $0xFFFFC000  }
0xf0: {  	_ =	sfence.sel $0x180000  }
0xf1: {  	[bflag:$0x0] =	sbarrier.arrive $0xFFFF  }
0xf2: {  	p0 =	sne.s32 s1, $0x0;
	_ =	strace $0x90000047  }
0xf3: {  	s0 =	sadd.s32 @!p0 $0x100000, s0;
	[bflag:$0x2] =	sbarrier.arrive $0xFFFF  }
0xf4: {  	[sflag:s0] =	ssyncadd.tile.s32 @!p0 $0x1;
	_ =	shalt  }
.Lfunc_end2:
_tile_overlayer_lowered:
.L_overlay_start_2:
0xf5: {  	(tag) =	ssettag $0x2  }
0xf6: {  	s0 =	rddreg [dreg:$0x0];
	s2 =	stileid.u32  }
0xf7: {  	s1 =	rddreg [dreg:$0x1];
	p0 =	sne.s32 s2, $0x0  }
0xf8: {  	s3 =	rddreg [dreg:$0x2];
	[bflag:$0x3] =	sbarrier.arrive $0xFFFF;
	s2 =	simm.s32 @!p0 $0x1C01  }
0xf9: {  	[timem:s3], [sflag:s2] =	dma.local @!p0 [hbm:s0], s1  }
0xfa: {  	s0 =	simm.s32 @!p0 $0x1  }
0xfb: {  	_ =	swait.ge @!p0 [sflag:s0], s1  }
0xfc: {  	s1 =	ssub.s32 @!p0 $0x0, s1;
	[sflag:s0] =	ssyncset.done @!p0 $0x0  }
0xfd: {  	[sflag:s0] =	ssyncadd.s32 @!p0 s1  }
0xfe: {  	[bflag:$0x3] =	sbarrier.arrive $0xFFFF  }
0xff: {  	_ =	shalt  }

// kernel: kernel.16.cloned.1.call-start
scs
__scs_entry_jumppad:
0x0: {  	(pc) =	sbr.rel $0x88, $3  }
0x1: {  	(tag) =	ssettag $0x0;
	lr =	simm.s32 $0x1  }
0x2: {  	[smem:$0x3F9E] =	sst lr;
	_ =	strace $0xD0000000  }
0x3: {  	_ = 	snop  }
0x4: {  	_ = 	snop  }
0x5: {  	_ = 	snop  }
0x6: {  	_ = 	snop  }
0x7: {  	_ = 	snop  }
__scs_overlays_trampoline_lowered:
0x8: {  	[smem:$0x3FAD] =	sst s0  }
0x9: {  	[smem:$0x3FAE] =	sst s1  }
0xa: {  	[smem:$0x3FAF] =	sst s2  }
0xb: {  	[smem:$0x3FB0] =	sst s3  }
0xc: {  	[smem:$0x3FB1] =	sst s4  }
0xd: {  	[smem:$0x3FB2] =	sst s5  }
0xe: {  	[smem:$0x3FB3] =	sst s6  }
0xf: {  	[smem:$0x3FB4] =	sst s7  }
0x10: {  	[smem:$0x3FB5] =	sst s8  }
0x11: {  	[smem:$0x3FB6] =	sst s9;
	s0 =	simm.s32 @!p0 $0x0  }
0x12: {  	s1 =	sld [smem:$0x3F9C];
	s0 =	simm.s32 @p0 $0x1  }
0x13: {  	[smem:$0x3FB7] =	sst s0;
	s0 =	simm.s32 @!p1 $0x0  }
0x14: {  	s2 =	sld [smem:$0x3F9B];
	s0 =	simm.s32 @p1 $0x1  }
0x15: {  	[smem:$0x3FB8] =	sst s0;
	s0 =	simm.s32 @!p2 $0x0  }
0x16: {  	s3 =	sld [smem:$0x3FDB];
	s0 =	simm.s32 @p2 $0x1  }
0x17: {  	s4 =	simm.s32 $0x1BF5;
	[smem:$0x3FBA] =	sst s0  }
0x18: {  	s0 =	sld [smem:$0x3F9D];
	_ =	swait.ge [sflag:s4], $0x0  }
0x19: {  	s7 =	sld [smem:$0x3F9E]  }
0x1a: {  	s8 =	sadd.s32 $0xFFFFE003, lr  }
0x1b: {  	s9 =	sadd.s32 $0xFFFFFEF7, lr;
	s5 =	simm.s32 $0xFFFFFFFF;
	p2 =	slt.u32 s8, $0xFFFFF086  }
0x1c: {  	p1 =	slt.u32 s9, $0xF7A;
	s5 =	simm.s32 @!p2 $0x0  }
0x1d: {  	s5 =	simm.s32 @p1 $0x1;
	p0 =	seq.s32 s7, s2  }
0x1e: {  	s7 =	smul.u32 @!p0 $0xF7A, s2;
	p2 =	seq.s32 @!p0 s5, $0x0  }
0x1f: {  	s9 =	smul.u32 $0xF7A, s1;
	s8 =	simm.s32 @!p0 $0x1BF5;
	p2 =	por !p2, p0  }
0x20: {  	[sflag:s8] =	ssyncset.s32 @!p0 $0xFFFFF086;
	s6 =	sadd.s32 @!p0 s3, s7;
	s7 =	simm.s32 @!p0 $0x108  }
0x21: {  	s3 =	sadd.s32 s3, s9;
	s6 =	sadd.s32 @!p0 $0x88, s6;
	s7 =	simm.s32 @p2 $0x1082  }
0x22: {  	[simem:s7], [sflag:s8] =	dma.local @!p0 [hbm:s6], $0xF7A  }
0x23: {  	s9 =	sor.u32 $0xD0000000, s2;
	s6 =	simm.s32 $0x108;
	_ =	swait.ge @!p0 [sflag:s8], $0x0  }
0x24: {  	s3 =	sadd.s32 $0x88, s3;
	s6 =	simm.s32 @!p1 $0x1082;
	[sflag:s4] =	ssyncset.s32 $0xFFFFF086  }
0x25: {  	[simem:s6], [sflag:s4] =	dma.local [hbm:s3], $0xF7A  }
0x26: {  	[smem:$0x3F9E] =	sst s1;
	(tag) =	ssettag s2;
	_ =	strace s9  }
0x27: {  	s1 =	sld [smem:$0x3FAE]  }
0x28: {  	s2 =	sld [smem:$0x3FAF]  }
0x29: {  	s4 =	sld [smem:$0x3FB1]  }
0x2a: {  	p0 =	seq.s32 s5, $0x0;
	s5 =	sld [smem:$0x3FB2]  }
0x2b: {  	s6 =	sld [smem:$0x3FB3]  }
0x2c: {  	s7 =	sld [smem:$0x3FB4]  }
0x2d: {  	s3 =	simm.s32 $0x108;
	s8 =	sld [smem:$0x3FB5]  }
0x2e: {  	s3 =	simm.s32 @!p0 $0x1082;
	s9 =	sld [smem:$0x3FB6]  }
0x2f: {  	lr =	sadd.s32 s0, s3;
	s0 =	sld [smem:$0x3FAD]  }
0x30: {  	s3 =	sld [smem:$0x3FB0]  }
0x31: {  	[smem:$0x3FB9] =	sst s10  }
0x32: {  	s10 =	sld [smem:$0x3FB7];
	_ =	sdelay $0x3  }
0x33: {  	p0 =	seq.s32 s10, $0x1;
	s10 =	sld [smem:$0x3FB9];
	_ =	sdelay $0x3  }
0x34: {  	[smem:$0x3FB9] =	sst s10  }
0x35: {  	s10 =	sld [smem:$0x3FB8];
	_ =	sdelay $0x3  }
0x36: {  	p1 =	seq.s32 s10, $0x1;
	s10 =	sld [smem:$0x3FB9];
	_ =	sdelay $0x3  }
0x37: {  	[smem:$0x3FB9] =	sst s10  }
0x38: {  	s10 =	sld [smem:$0x3FBA]  }
0x39: {  	_ = 	snop;
	(pc) =	sbr.ind lr, $3  }
0x3a: {  	_ = 	snop  }
0x3b: {  	_ = 	snop  }
0x3c: {  	p2 =	seq.s32 s10, $0x1;
	s10 =	sld [smem:$0x3FB9]  }
0x3d: {  	_ =	shalt  }
0x3e: {  	_ =	shalt  }
0x3f: {  	_ =	shalt  }
0x40: {  	_ =	shalt  }
0x41: {  	_ =	shalt  }
0x42: {  	_ =	shalt  }
0x43: {  	_ =	shalt  }
0x44: {  	_ =	shalt  }
0x45: {  	_ =	shalt  }
0x46: {  	_ =	shalt  }
0x47: {  	_ =	shalt  }
0x48: {  	_ =	shalt  }
0x49: {  	_ =	shalt  }
0x4a: {  	_ =	shalt  }
0x4b: {  	_ =	shalt  }
0x4c: {  	_ =	shalt  }
0x4d: {  	_ =	shalt  }
0x4e: {  	_ =	shalt  }
0x4f: {  	_ =	shalt  }
0x50: {  	_ =	shalt  }
0x51: {  	_ =	shalt  }
0x52: {  	_ =	shalt  }
0x53: {  	_ =	shalt  }
0x54: {  	_ =	shalt  }
0x55: {  	_ =	shalt  }
0x56: {  	_ =	shalt  }
0x57: {  	_ =	shalt  }
0x58: {  	_ =	shalt  }
0x59: {  	_ =	shalt  }
0x5a: {  	_ =	shalt  }
0x5b: {  	_ =	shalt  }
0x5c: {  	_ =	shalt  }
0x5d: {  	_ =	shalt  }
0x5e: {  	_ =	shalt  }
0x5f: {  	_ =	shalt  }
0x60: {  	_ =	shalt  }
0x61: {  	_ =	shalt  }
0x62: {  	_ =	shalt  }
0x63: {  	_ =	shalt  }
0x64: {  	_ =	shalt  }
0x65: {  	_ =	shalt  }
0x66: {  	_ =	shalt  }
0x67: {  	_ =	shalt  }
0x68: {  	_ =	shalt  }
0x69: {  	_ =	shalt  }
0x6a: {  	_ =	shalt  }
0x6b: {  	_ =	shalt  }
0x6c: {  	_ =	shalt  }
0x6d: {  	_ =	shalt  }
0x6e: {  	_ =	shalt  }
0x6f: {  	_ =	shalt  }
0x70: {  	_ =	shalt  }
0x71: {  	_ =	shalt  }
0x72: {  	_ =	shalt  }
0x73: {  	_ =	shalt  }
0x74: {  	_ =	shalt  }
0x75: {  	_ =	shalt  }
0x76: {  	_ =	shalt  }
0x77: {  	_ =	shalt  }
0x78: {  	_ =	shalt  }
0x79: {  	_ =	shalt  }
0x7a: {  	_ =	shalt  }
0x7b: {  	_ =	shalt  }
0x7c: {  	_ =	shalt  }
0x7d: {  	_ =	shalt  }
0x7e: {  	_ =	shalt  }
0x7f: {  	_ =	shalt  }
0x80: {  	_ =	shalt  }
0x81: {  	_ =	shalt  }
0x82: {  	_ =	shalt  }
0x83: {  	_ =	shalt  }
0x84: {  	_ =	shalt  }
0x85: {  	_ =	shalt  }
0x86: {  	_ =	shalt  }
0x87: {  	_ =	shalt  }
.Lfunc_end0:
.L_simem_size_0:
called_computation.2_lowered:
.L_overlay_start_0:
0x88: {  	s2 =	sld [smem:$0x3FD9]  }
0x89: {  	s3 =	sld [smem:$0x3FFE];
	_ =	sdelay $0x1  }
0x8a: {  	s1 =	srdreg.scid  }
0x8b: {  	s0 =	sand.u32 $0x1, s1  }
0x8c: {  	s17 =	sshll.u32 s0, $0xA;
	s2 =	sadd.s32 s3, s2  }
0x8d: {  	s2 =	sadd.s32 s2, s17  }
0x8e: {  	[smem:$0x3FC5] =	sst s2  }
0x8f: {  	_ = 	snop  }
0x90: {  	s18 =	sld [smem:$0x3FC7];
	(tm) =	ssettm $0x1  }
0x91: {  	s19 =	sld [smem:$0x3FFB];
	_ =	sdelay $0x3  }
0x92: {  	_ =	strace s19  }
0x93: {  	s2 =	sld [smem:$0x3FFC];
	_ =	sdelay $0x3  }
0x94: {  	_ =	strace s2  }
0x95: {  	s2 =	sld [smem:$0x3FFD];
	_ =	sdelay $0x3  }
0x96: {  	_ =	strace s2  }
0x97: {  	_ =	strace $0x8FFFFFFF  }
0x98: {  	s20 =	sld [smem:$0x3FDB];
	_ =	sdelay $0x1  }
0x99: {  	s4 =	simm.s32 $_scs_section_size  }
0x9a: {  	s5 =	simm.s32 $_size__tile_overlayer_lowered;
	s6 =	simm.s32 $_tile_overlayer_lowered  }
0x9b: {  	s7 =	simm.s32 $0x1BFF;
	s21 =	sshll.u32 s6, $0x1;
	s4 =	sadd.s32 s4, s20  }
0x9c: {  	s22 =	simm.s32 $0x0;
	s5 =	sshll.u32 s5, $0x1;
	s6 =	sadd.s32 s21, s4  }
0x9d: {  	[timem:s22], [sflag:s7] =	dma.local [hbm:s6], s5  }
0x9e: {  	_ =	swait.ge [sflag:s7], s5  }
0x9f: {  	s5 =	ssub.s32 $0x0, s5;
	[sflag:s7] =	ssyncset.done $0x0  }
0xa0: {  	[sflag:s7] =	ssyncadd.s32 s5;
	_ =	sdelay $0x1  }
0xa1: {  	s23 =	simm.s32 $0x1B8B  }
0xa2: {  	_ =	swait.ge [sflag:s23], $0x1  }
0xa3: {  	[sflag:s23] =	ssyncset.done $0x0  }
0xa4: {  	[sflag:s23] =	ssyncadd.s32 $0xFFFFFFFF  }
0xa5: {  	s5 =	sld [smem:$0x0]  }
0xa6: {  	s6 =	sand.u32 $0xFFFFFFFE, s1  }
0xa7: {  	p0 =	sne.s32 s1, s6  }
0xa8: {  	s6 =	sshll.u32 @p0 s6, $0xE  }
0xa9: {  	s6 =	sadd.s32 @p0 $0x11B8D, s6;
	s7 =	sshll.u32 @p0 s5, $0x11  }
0xaa: {  	s6 =	sor.u32 @p0 s7, s6  }
0xab: {  	[sflag:s6] =	ssyncadd.remote.s32 @p0 $0x1;
	_ =	sdelay $0x1  }
0xac: {  	s6 =	simm.s32 @p0 $0x1B8D  }
0xad: {  	_ =	swait.eq @p0 [sflag:s6], $0x1  }
0xae: {  	[sflag:s6] =	ssyncadd.s32 @p0 $0xFFFFFFFF  }
0xaf: {  	s7 =	sshll.u32 @!p0 s1, $0xE  }
0xb0: {  	s7 =	sor.u32 @!p0 $0x4000, s7;
	s6 =	simm.s32 @!p0 $0x1B8D  }
0xb1: {  	s5 =	sshll.u32 @!p0 s5, $0x11;
	s7 =	sadd.s32 @!p0 $0x11B8D, s7;
	_ =	swait.eq @!p0 [sflag:s6], $0x1  }
0xb2: {  	s5 =	sor.u32 @!p0 s5, s7;
	[sflag:s6] =	ssyncadd.s32 @!p0 $0xFFFFFFFF  }
0xb3: {  	s25 =	simm.s32 $0x1B8E;
	s24 =	sld [smem:$0x3FFE];
	[sflag:s5] =	ssyncadd.remote.s32 @!p0 $0x1  }
0xb4: {  	s26 =	simm.s32 $execute0_lowered;
	[smem:$0x3FD2] =	sst s25  }
0xb5: {  	s6 =	sshll.u32 s26, $0x1;
	_ =	strace $0x80000049;
	[dreg:$0x1] =	wrdreg $0xFFFFFFFF  }
0xb6: {  	s28 =	simm.s32 $_size_execute0_lowered;
	s4 =	sadd.s32 s4, s6;
	[dreg:$0x0] =	wrdreg $0x0  }
0xb7: {  	s6 =	sshll.u32 s28, $0x1;
	[dreg:$0x2] =	wrdreg s4  }
0xb8: {  	[dreg:$0x3] =	wrdreg s6  }
0xb9: {  	[dreg:$0x4] =	wrdreg $0xC0  }
0xba: {  	_ =	task [dreg:s22], $0x5FFFF  }
0xbb: {  	[dreg:$0x1] =	wrdreg $0xFFFFFFFF  }
0xbc: {  	[dreg:$0x0] =	wrdreg $0x60  }
0xbd: {  	[dreg:$0x2] =	wrdreg s24  }
0xbe: {  	[dreg:$0x3] =	wrdreg s18  }
0xbf: {  	[dreg:$0x4] =	wrdreg $0xB  }
0xc0: {  	_ =	task.clear_ibuf [dreg:s22], $0x5FFFF;
	_ =	strace $0x90000049  }
0xc1: {  	s29 =	simm.s32 $0xB;
	_ =	strace $0x8000004B  }
0xc2: {  	_ =	swait.ge [sflag:s29], $0x1  }
0xc3: {  	[sflag:s29] =	ssyncadd.s32 $0xFFFFFFFF  }
0xc4: {  	_ =	strace $0x9000004B  }
0xc5: {  	_ =	sfence  }
0xc6: {  	s30 =	sld [smem:$0x0];
	_ =	sdelay $0x2  }
0xc7: {  	s31 =	sshll.u32 s1, $0xD;
	s1 =	sshrl.u32 s1, $0x2  }
0xc8: {  	s4 =	sand.u32 $0x4000, s31;
	s1 =	sadd.s32 s1, s30  }
0xc9: {  	s0 =	sor.u32 s4, s0;
	s1 =	sshll.u32 s1, $0x11  }
0xca: {  	s0 =	sor.u32 s1, s0  }
0xcb: {  	s0 =	sadd.s32 $0x8F2B, s0  }
0xcc: {  	[sflag:s0] =	ssyncadd.remote.s32 $0x1  }
0xcd: {  	_ =	sfence.sel $0xFFFF  }
0xce: {  	[dreg:$0x0] =	wrdreg $0xFFFFFFFF;
	(pc) =	sbr.abs _section_cstart, $3  }
0xcf: {  	[dreg:$0x1] =	wrdreg $0xFFFFFFFF  }
0xd0: {  	_ =	task.clear_ibuf [dreg:s22], $0x2FFFF;
	_ =	strace $0x9FFFFFFF  }
0xd1: {  	(tm) =	ssettm $0x7FFFFFFF  }
tec
execute0_lowered:
.L_overlay_start_1:
0x0: {  	(tag) =	ssettag $0x1  }
0x1: {  	s4 =	rddreg [dreg:$0x0];
	s0 =	srdreg.scid  }
0x2: {  	s2 =	rddreg [dreg:$0x1];
	s1 =	stileid.u32;
	s3 =	simm.s32 $0x0  }
0x3: {  	s8 =	simm.s32 $0x1;
	s9 =	simm.s32 $0x4000;
	s10 =	simm.s32 $0x0  }
0x4: {  	s5 =	sand.u32 $0x1, s0;
	s0 =	rddreg [dreg:$0x2];
	s6 =	sshll.u32 s1, $0xC  }
0x5: {  	[smem:$0x7FF] =	sst s3;
	s7 =	sshll.u32 s5, $0xB;
	s5 =	ssub.s32 $0x2, s5  }
0x6: {  	v0 =	vlaneseq.u32;
	_ =	strace $0x8000004A;
	s6 =	sor.u32 s7, s6;
	s30 =	sshrl.u32 s5, $0x1  }
0x7: {  	vm0 =	vmmov $0xff;
	v1 =	vor.u32 $0x10, v0;
	s7 =	simm.s32 $0x8000;
	s6 =	sadd.s32 s6, s4;
	s31 =	ssub.s32 s5, s30  }
0x8: {  	v2 =	vor.u32 $0x20, v0;
	v3 =	vor.u32 $0x30, v0;
	v4 =	vand.u32 $0x7, v0;
	s4 =	sadd.s32 $0x21A00, s6;
	s5 =	sadd.s32 $0x31A00, s6;
	s6 =	smax.u32 s31, $0x1  }
.LBB2_1:
0x9: {  	[tilespmem:s7], [sflag:$0x1] =	stream.linear.gather [hbm4b:s2+s3], $0x80, $0x38;
	[tilespmem:$0x8080] =	vst v63  }
0xa: {  	_ =	swait.ge [sflag:s8], $0x80  }
0xb: {  	[sflag:s8] =	ssyncset.done $0x0  }
0xc: {  	[sflag:s8] =	ssyncadd.s32 $0xFFFFFF80  }
0xd: {  	v5 =	vld [tilespmem:$0x8000]  }
0xe: {  	v6 =	vld [tilespmem:$0x8010]  }
0xf: {  	v7 =	vld [tilespmem:$0x8020]  }
0x10: {  	v8 =	vld [tilespmem:$0x8030];
	[tilespmem:s3], [sflag:$0x1] =	stream.linear.gather [hbm4b:s4+s3], $0x4000, $0x38  }
0x11: {  	_ =	swait.ge [sflag:s8], $0x4000  }
0x12: {  	[sflag:s8] =	ssyncset.done $0x0  }
0x13: {  	s11 =	simm.s32 $0x0;
	[sflag:s8] =	ssyncadd.s32 $0xFFFFC000  }
0x14: {  	v9 =	vld [tilespmem:s11+$0x10]  }
0x15: {  	v10 =	vld [tilespmem:s11+$0x30]  }
0x16: {  	v11 =	vld [tilespmem:s11+$0x0]  }
0x17: {  	v12 =	vld [tilespmem:s11+$0x20];
	_ =	sdelay $0x1  }
0x18: {  	v9 =	vadd.f32 v9, v6  }
0x19: {  	v10 =	vadd.f32 v10, v8  }
0x1a: {  	v11 =	vadd.f32 v11, v5;
	(xrf1) =	vsort.dscd.msk.f32 $0xffff, v9, v1  }
0x1b: {  	v9 =	vadd.f32 v12, v7;
	(xrf1) =	vsort.dscd.msk.f32 $0xffff, v10, v3  }
0x1c: {  	(xrf1) =	vsort.dscd.msk.f32 $0xffff, v11, v0  }
0x1d: {  	(xrf1) =	vsort.dscd.msk.f32 $0xffff, v9, v2;
	_ =	sdelay $0x1  }
0x1e: {  	s12 =	simm.s32 $0x80  }
0x1f: {  	v9 =	vld [tilespmem:s12+$0x10]  }
0x20: {  	v10 =	vld [tilespmem:s12+$0x30];
	_ =	sdelay $0x1  }
0x21: {  	v11 =	vld [tilespmem:s12+$0x0]  }
0x22: {  	v12 =	vld [tilespmem:s12+$0x20]  }
0x23: {  	v9 =	vadd.f32 v9, v6  }
0x24: {  	v10 =	vadd.f32 v10, v8;
	_ =	sdelay $0x1  }
0x25: {  	v11 =	vadd.f32 v11, v5;
	v13, v14, _ =	vpop (xrf1);
	(xrf1) =	vsort.dscd.msk.f32 $0xffff, v9, v1  }
0x26: {  	v12 =	vadd.f32 v12, v7;
	v9, v15, _ =	vpop (xrf1);
	(xrf1) =	vsort.dscd.msk.f32 $0xffff, v10, v3  }
0x27: {  	v9 =	vperm.xlane v9, v4;
	v10, v16, _ =	vpop (xrf1);
	(xrf1) =	vsort.dscd.msk.f32 $0xffff, v11, v0;
	v11 =	vperm.xlane v15, v4  }
0x28: {  	v13 =	vperm.xlane v13, v4;
	v15, v17, _ =	vpop (xrf1);
	(xrf1) =	vsort.dscd.msk.f32 $0xffff, v12, v2;
	v12 =	vperm.xlane v14, v4  }
0x29: {  	v9 =	vsel vm0, v15, v9;
	v11 =	vsel vm0, v17, v11  }
0x2a: {  	s13 =	simm.s32 $0x100;
	(xrf1) =	vsort.dscd.msk.f32 $0xffff, v9, v11;
	v9 =	vsel vm0, v10, v13;
	v10 =	vsel vm0, v16, v12  }
0x2b: {  	v11 =	vld [tilespmem:s13+$0x10];
	(xrf1) =	vsort.dscd.msk.f32 $0xffff, v9, v10;
	_ =	sdelay $0x1  }
0x2c: {  	v9 =	vld [tilespmem:s13+$0x30]  }
0x2d: {  	v10 =	vld [tilespmem:s13+$0x0]  }
0x2e: {  	v12 =	vld [tilespmem:s13+$0x20]  }
0x2f: {  	v11 =	vadd.f32 v11, v6;
	_ =	sdelay $0x1  }
0x30: {  	v9 =	vadd.f32 v9, v8  }
0x31: {  	v10 =	vadd.f32 v10, v5;
	v13, v14, _ =	vpop (xrf1);
	(xrf1) =	vsort.dscd.msk.f32 $0xffff, v11, v1  }
0x32: {  	v12 =	vadd.f32 v12, v7;
	v11, v15, _ =	vpop (xrf1);
	(xrf1) =	vsort.dscd.msk.f32 $0xffff, v9, v3;
	v13 =	vperm.xlane v13, v4  }
0x33: {  	v9 =	vperm.xlane v11, v4;
	v11, v16, _ =	vpop (xrf1);
	(xrf1) =	vsort.dscd.msk.f32 $0xffff, v10, v0;
	v10 =	vperm.xlane v15, v4  }
0x34: {  	v15, v17, _ =	vpop (xrf1);
	(xrf1) =	vsort.dscd.msk.f32 $0xffff, v12, v2;
	v12 =	vperm.xlane v14, v4  }
0x35: {  	v9 =	vsel vm0, v15, v9;
	v10 =	vsel vm0, v17, v10  }
0x36: {  	s14 =	simm.s32 $0x180;
	v11 =	vsel vm0, v11, v13;
	v13, v14, _ =	vpop (xrf1);
	(xrf1) =	vsort.dscd.msk.f32 $0xffff, v9, v10;
	v12 =	vsel vm0, v16, v12  }
0x37: {  	v9 =	vperm.xlane v13, v4;
	v10 =	vperm.xlane v14, v4;
	v13, v14, _ =	vpop (xrf1);
	(xrf1) =	vsort.dscd.msk.f32 $0xffff, v11, v12;
	v11 =	vld [tilespmem:s14+$0x10]  }
0x38: {  	v12 =	vld [tilespmem:s14+$0x30];
	_ =	sdelay $0x1  }
0x39: {  	v9 =	vsel vm0, v13, v9;
	v10 =	vsel vm0, v14, v10  }
0x3a: {  	(xrf1) =	vsort.dscd.msk.f32 $0xffff, v9, v10;
	v9 =	vld [tilespmem:s14+$0x0]  }
0x3b: {  	v10 =	vld [tilespmem:s14+$0x20];
	v11 =	vadd.f32 v11, v6  }
0x3c: {  	v12 =	vadd.f32 v12, v8;
	_ =	sdelay $0x1  }
0x3d: {  	v13, v14, _ =	vpop (xrf1)  }
0x3e: {  	v9 =	vadd.f32 v9, v5;
	(xrf1) =	vsort.dscd.msk.f32 $0xffff, v11, v1;
	v11, v15, _ =	vpop (xrf1)  }
0x3f: {  	v10 =	vadd.f32 v10, v7;
	(xrf1) =	vsort.dscd.msk.f32 $0xffff, v12, v3;
	v12, v16, _ =	vpop (xrf1)  }
0x40: {  	v11 =	vperm.xlane v11, v4;
	(xrf1) =	vsort.dscd.msk.f32 $0xffff, v9, v0;
	v9 =	vperm.xlane v15, v4;
	v15, v17, _ =	vpop (xrf1)  }
0x41: {  	(xrf1) =	vsort.dscd.msk.f32 $0xffff, v10, v2  }
0x42: {  	v10 =	vperm.xlane v14, v4;
	v11 =	vsel vm0, v15, v11;
	v9 =	vsel vm0, v17, v9;
	v14, v15, _ =	vpop (xrf1)  }
0x43: {  	v13 =	vperm.xlane v13, v4;
	(xrf1) =	vsort.dscd.msk.f32 $0xffff, v11, v9;
	v9 =	vperm.xlane v14, v4;
	_ =	sdelay $0x2  }
0x44: {  	v11 =	vperm.xlane v15, v4  }
0x45: {  	s15 =	simm.s32 $0x200;
	v12 =	vsel vm0, v12, v13;
	v10 =	vsel vm0, v16, v10;
	v13, v15, _ =	vpop (xrf1)  }
0x46: {  	v14 =	vld [tilespmem:s15+$0x10];
	(xrf1) =	vsort.dscd.msk.f32 $0xffff, v12, v10;
	v10 =	vsel vm0, v13, v9;
	v11 =	vsel vm0, v15, v11;
	v13, v9, _ =	vpop (xrf1)  }
0x47: {  	(xrf1) =	vsort.dscd.msk.f32 $0xffff, v10, v11;
	v11 =	vand.u32 $0xF, v9  }
0x48: {  	v12 =	vld [tilespmem:s15+$0x30];
	v16 =	vperm.xlane v7, v11;
	v17 =	vperm.xlane v8, v11  }
0x49: {  	v15 =	vld [tilespmem:s15+$0x20];
	vm1 =	vlt.s32 v9, $0x30;
	v18 =	vperm.xlane v6, v11  }
0x4a: {  	v10 =	vld [tilespmem:s15+$0x0];
	vm2 =	vlt.s32 v9, $0x20;
	v16 =	vsel vm1, v16, v17  }
0x4b: {  	v14 =	vadd.f32 v14, v6;
	v16 =	vsel vm2, v18, v16;
	_ =	sdelay $0x1  }
0x4c: {  	v11 =	vperm.xlane v5, v11  }
0x4d: {  	v12 =	vadd.f32 v12, v8;
	v15 =	vadd.f32 v15, v7;
	vm1 =	vlt.s32 v9, $0x10;
	v17, v18, _ =	vpop (xrf1)  }
0x4e: {  	v10 =	vadd.f32 v10, v5;
	v11 =	vsel vm1, v11, v16;
	(xrf1) =	vsort.dscd.msk.f32 $0xffff, v14, v1;
	v14, v16, _ =	vpop (xrf1)  }
0x4f: {  	v11 =	vsub.f32 v13, v11;
	(xrf1) =	vsort.dscd.msk.f32 $0xffff, v12, v3;
	v12 =	vperm.xlane v14, v4  }
0x50: {  	v13, v14, _ =	vpop (xrf1);
	(xrf1) =	vsort.dscd.msk.f32 $0xffff, v10, v0;
	v10 =	vperm.xlane v16, v4;
	v16 =	vperm.xlane v17, v4;
	_ =	sdelay $0x1  }
0x51: {  	v17, v19, _ =	vpop (xrf1);
	(xrf1) =	vsort.dscd.msk.f32 $0xffff, v15, v2;
	v15 =	vnsel vm0, $0xFF800000, v11;
	_ =	sdelay $0x1  }
0x52: {  	(xrf0) =	vmax.scan.msk.f32 $0xffff, v15  }
0x53: {  	v12 =	vsel vm0, v17, v12;
	v10 =	vsel vm0, v19, v10;
	v13 =	vsel vm0, v13, v16;
	v15, v16, _ =	vpop (xrf1)  }
0x54: {  	v18 =	vperm.xlane v18, v4;
	(xrf1) =	vsort.dscd.msk.f32 $0xffff, v12, v10;
	v10 =	vperm.xlane v15, v4  }
0x55: {  	v15 =	vperm.xlane v16, v4;
	_ =	sdelay $0x1  }
0x56: {  	v16, v17, _ =	vpop (xrf1)  }
0x57: {  	s16 =	simm.s32 $0x280;
	v14 =	vsel vm0, v14, v18;
	v18, _, _ =	vpop (xrf0)  }
0x58: {  	(xrf1) =	vsort.dscd.msk.f32 $0xffff, v13, v14;
	v13 =	vsel vm0, v16, v10;
	v14 =	vsel vm0, v17, v15;
	v16 =	vld [tilespmem:s16+$0x30];
	v15, v10, _ =	vpop (xrf1)  }
0x59: {  	v12 =	vld [tilespmem:s16+$0x10];
	v18 =	vbroadcast v18, $0xF;
	(xrf1) =	vsort.dscd.msk.f32 $0xffff, v13, v14;
	v13 =	vand.u32 $0xF, v10  }
0x5a: {  	v14 =	vld [tilespmem:s16+$0x0];
	v17 =	vperm.xlane v7, v13;
	v20 =	vperm.xlane v8, v13  }
0x5b: {  	vm2 =	vlt.s32 v10, $0x30;
	v21 =	vperm.xlane v6, v13  }
0x5c: {  	v19 =	vld [tilespmem:s16+$0x20];
	v11 =	vsub.f32 v11, v18;
	vm1 =	vlt.s32 v10, $0x20;
	v17 =	vsel vm2, v17, v20  }
0x5d: {  	v13 =	vperm.xlane v5, v13;
	v16 =	vadd.f32 v16, v8;
	v17 =	vsel vm1, v21, v17  }
0x5e: {  	v12 =	vadd.f32 v12, v6  }
0x5f: {  	v11 =	vmul.f32 $1.442695020e+00, v11;
	vm2 =	vlt.s32 v10, $0x10;
	v14 =	vadd.f32 v14, v5  }
0x60: {  	v18, v20, _ =	vpop (xrf1);
	(xrf1) =	vsort.dscd.msk.f32 $0xffff, v12, v1;
	v12 =	vsel vm2, v13, v17  }
0x61: {  	v19 =	vadd.f32 v19, v7;
	(erf) = vpow2.f32 v11;
	v15 =	vsub.f32 v15, v12;
	v13, v17, _ =	vpop (xrf1);
	(xrf1) =	vsort.dscd.msk.f32 $0xffff, v16, v3  }
0x62: {  	v12 =	vperm.xlane v13, v4;
	v13, v16, _ =	vpop (xrf1);
	(xrf1) =	vsort.dscd.msk.f32 $0xffff, v14, v0;
	v11 =	vperm.xlane v17, v4  }
0x63: {  	v20 =	vperm.xlane v20, v4;
	v14, v17, _ =	vpop (xrf1);
	(xrf1) =	vsort.dscd.msk.f32 $0xffff, v19, v2;
	v19 =	vnsel vm0, $0xFF800000, v15  }
0x64: {  	v18 =	vperm.xlane v18, v4;
	v12 =	vsel vm0, v14, v12;
	v14, v21, _ =	vpop (xrf1);
	(xrf0) =	vmax.scan.msk.f32 $0xffff, v19;
	v11 =	vsel vm0, v17, v11  }
0x65: {  	v14 =	vperm.xlane v14, v4;
	(xrf1) =	vsort.dscd.msk.f32 $0xffff, v12, v11;
	v11 =	vsel vm0, v16, v20  }
0x66: {  	v17 =	vperm.xlane v21, v4  }
0x67: {  	v13 =	vsel vm0, v13, v18;
	v12, v16, _ =	vpop (xrf1)  }
0x68: {  	s17 =	simm.s32 $0x300;
	(xrf1) =	vsort.dscd.msk.f32 $0xffff, v13, v11;
	v12 =	vsel vm0, v12, v14;
	v13 =	vsel vm0, v16, v17  }
0x69: {  	v14, v11, _ =	vpop (xrf1);
	(xrf1) =	vsort.dscd.msk.f32 $0xffff, v12, v13;
	v13 =	vld [tilespmem:s17+$0x10]  }
0x6a: {  	v17 =	vld [tilespmem:s17+$0x30];
	v16 =	vand.u32 $0xF, v11  }
0x6b: {  	vm1 =	vlt.s32 v11, $0x20;
	v18 =	vperm.xlane v7, v16;
	v12, _, _ =	vpop (xrf0);
	v20 =	vperm.xlane v8, v16  }
0x6c: {  	v19 =	vld [tilespmem:s17+$0x0];
	vm2 =	vlt.s32 v11, $0x30;
	v22 =	vperm.xlane v6, v16;
	v21 =	vbroadcast v12, $0xF;
	v12 =	vpop (erf)  }
0x6d: {  	v24 =	vld [tilespmem:s17+$0x20];
	v16 =	vperm.xlane v5, v16;
	v23 =	vnsel vm0, $0x0, v12;
	v18 =	vsel vm2, v18, v20  }
0x6e: {  	v15 =	vsub.f32 v15, v21;
	(xrf2) =	vadd.scan.msk.f32 $0xffff, v23;
	v13 =	vadd.f32 v13, v6;
	v18 =	vsel vm1, v22, v18  }
0x6f: {  	vm2 =	vlt.s32 v11, $0x10;
	v17 =	vadd.f32 v17, v8  }
0x70: {  	v16 =	vsel vm2, v16, v18;
	v15 =	vmul.f32 $1.442695020e+00, v15  }
0x71: {  	v19 =	vadd.f32 v19, v5;
	(xrf1) =	vsort.dscd.msk.f32 $0xffff, v13, v1;
	v16 =	vsub.f32 v14, v16;
	v18, v20, _ =	vpop (xrf1)  }
0x72: {  	(xrf1) =	vsort.dscd.msk.f32 $0xffff, v17, v3;
	v13, v14, _ =	vpop (xrf1);
	(erf) = vpow2.f32 v15;
	v15 =	vadd.f32 v24, v7  }
0x73: {  	(xrf1) =	vsort.dscd.msk.f32 $0xffff, v19, v0;
	v19 =	vnsel vm0, $0xFF800000, v16;
	v13 =	vperm.xlane v13, v4;
	v17, v21, _ =	vpop (xrf1)  }
0x74: {  	s18 =	simm.s32 $0x380;
	v14 =	vperm.xlane v14, v4;
	(xrf0) =	vmax.scan.msk.f32 $0xffff, v19;
	v19 =	vperm.xlane v20, v4;
	v22, v23, _ =	vpop (xrf1)  }
0x75: {  	v24 =	vld [tilespmem:s18+$0x10];
	(xrf1) =	vsort.dscd.msk.f32 $0xffff, v15, v2;
	v13 =	vsel vm0, v22, v13  }
0x76: {  	v18 =	vperm.xlane v18, v4;
	v22 =	vld [tilespmem:s18+$0x30];
	v14 =	vsel vm0, v23, v14;
	v15, v20, _ =	vpop (xrf1)  }
0x77: {  	v23 =	vperm.xlane v15, v4;
	v20 =	vperm.xlane v20, v4;
	v25, v26, _ =	vpop (xrf1);
	(xrf1) =	vsort.dscd.msk.f32 $0xffff, v13, v14  }
0x78: {  	v17 =	vsel vm0, v17, v18;
	v14 =	vsel vm0, v21, v19;
	v19, _, _ =	vpop (xrf2)  }
0x79: {  	(xrf1) =	vsort.dscd.msk.f32 $0xffff, v17, v14;
	v15, v13, _ =	vpop (xrf1);
	v18 =	vsel vm0, v25, v23;
	v25 =	vsel vm0, v26, v20  }
0x7a: {  	v17 =	vadd.f32 v24, v6;
	v26 =	vbroadcast v19, $0xF;
	v19 =	vld [tilespmem:s18+$0x0];
	v21 =	vand.u32 $0xF, v13;
	(xrf1) =	vsort.dscd.msk.f32 $0xffff, v18, v25  }
0x7b: {  	v20 =	vadd.f32 v22, v8;
	v14, _, _ =	vpop (xrf0);
	v22 =	vld [tilespmem:s18+$0x20];
	v23 =	vperm.xlane v7, v21;
	v24 =	vperm.xlane v8, v21  }
0x7c: {  	s19 =	simm.s32 $0x1000;
	vm1 =	vlt.s32 v13, $0x20;
	v18 =	vbroadcast v14, $0xF;
	v14 =	vpop (erf);
	(erf) = vrcp.f32 v26  }
.LBB2_2:
0x7d: {  	v29 =	vperm.xlane v6, v21  }
0x7e: {  	p0 =	sne.s32 s19, $0xFE00;
	vm2 =	vlt.s32 v13, $0x30;
	v26 =	vnsel vm0, $0x0, v14;
	v21 =	vperm.xlane v5, v21  }
0x7f: {  	v27, v28, _ =	vpop (xrf1);
	v23 =	vsel vm2, v23, v24;
	v16 =	vsub.f32 v16, v18;
	(xrf2) =	vadd.scan.msk.f32 $0xffff, v26;
	v26 =	vadd.f32 v19, v5  }
0x80: {  	vm2 =	vlt.s32 v13, $0x10;
	(xrf1) =	vsort.dscd.msk.f32 $0xffff, v17, v1;
	v17, v19, _ =	vpop (xrf1);
	v23 =	vsel vm1, v29, v23;
	v22 =	vadd.f32 v22, v7  }
0x81: {  	(xrf1) =	vsort.dscd.msk.f32 $0xffff, v20, v3;
	v20 =	vsel vm2, v21, v23;
	v21 =	vmul.f32 $1.442695020e+00, v16;
	v23 =	vperm.xlane v27, v4  }
0x82: {  	v17 =	vperm.xlane v17, v4;
	v24, v25, _ =	vpop (xrf1);
	v16 =	vsub.f32 v15, v20;
	v15 =	vperm.xlane v19, v4  }
0x83: {  	v20 =	vperm.xlane v28, v4;
	(xrf1) =	vsort.dscd.msk.f32 $0xffff, v26, v0;
	v18, v19, _ =	vpop (xrf1);
	(erf) = vpow2.f32 v21  }
0x84: {  	s20 =	sshra.s32 s19, $0x2;
	(xrf1) =	vsort.dscd.msk.f32 $0xffff, v22, v2;
	v26 =	vnsel vm0, $0xFF800000, v16  }
0x85: {  	v23 =	vsel vm0, v24, v23;
	v17 =	vsel vm0, v18, v17;
	v15 =	vsel vm0, v19, v15;
	v22 =	vld [tilespmem:s20+$0x10];
	v18, v19, _ =	vpop (xrf1);
	(xrf0) =	vmax.scan.msk.f32 $0xffff, v26  }
0x86: {  	v24 =	vld [tilespmem:s20+$0x30];
	(xrf1) =	vsort.dscd.msk.f32 $0xffff, v17, v15;
	v26 =	vperm.xlane v18, v4;
	v17 =	vperm.xlane v19, v4;
	v18 =	vpop (erf)  }
0x87: {  	v19 =	vsel vm0, v25, v20;
	v25, v21, _ =	vpop (xrf1);
	v27 =	vmul.f32 v18, v12;
	v18 =	vperm.xlane v9, v4  }
.Ltmp0:
0x88: {  	v9 =	vmov v10;
	(xrf1) =	vsort.dscd.msk.f32 $0xffff, v23, v19;
	v19 =	vsel vm0, v25, v26;
	v17 =	vsel vm0, v21, v17;
	v15, v20, _ =	vpop (xrf1);
	(pc) =	sbr.rel @p0 .LBB2_2-.Ltmp0, $4  }
0x89: {  	v10 =	vmov v11;
	v11 =	vmov v13;
	(xrf1) =	vsort.dscd.msk.f32 $0xffff, v19, v17;
	v23, _, _ =	vpop (xrf2);
	v18 =	vsel vm0, v27, v18  }
0x8a: {  	v12 =	vmovc v14;
	v21 =	vand.u32 $0xF, v20;
	v13 =	vmovc v20;
	v19 =	vld [tilespmem:s20+$0x0];
	v17 =	vadd.f32 v22, v6;
	v25 =	vbroadcast v23, $0xF;
	[tilespmem:s11+$0x4000] =	vst v18;
	s11 =	smov.u32 s12;
	s12 =	smov.u32 s13;
	s13 =	smov.u32 s14  }
0x8b: {  	v23 =	vperm.xlane v7, v21;
	s14 =	smov.u32 s15;
	s15 =	smov.u32 s16;
	s16 =	smov.u32 s17;
	v22 =	vld [tilespmem:s20+$0x20];
	v20 =	vadd.f32 v24, v8;
	v24 =	vperm.xlane v8, v21;
	v14, _, _ =	vpop (xrf0)  }
0x8c: {  	s19 =	sadd.s32 $0x200, s19;
	vm1 =	vlt.s32 v13, $0x20;
	s17 =	smov.u32 s18;
	s18 =	smov.u32 s20;
	v18 =	vbroadcast v14, $0xF;
	v14 =	vpop (erf);
	(erf) = vrcp.f32 v25  }
0x8d: {  	_ = 	snop  }
0x8e: {  	v25 =	vperm.xlane v6, v21  }
0x8f: {  	vm2 =	vlt.s32 v13, $0x30;
	v30 =	vperm.xlane v5, v21;
	(xrf1) =	vsort.dscd.msk.f32 $0xffff, v17, v1;
	v19 =	vadd.f32 v19, v5  }
0x90: {  	v31 =	vsel vm2, v23, v24;
	(xrf1) =	vsort.dscd.msk.f32 $0xffff, v20, v3;
	v22 =	vadd.f32 v22, v7  }
0x91: {  	vm2 =	vlt.s32 v13, $0x10;
	v17 =	vsel vm1, v25, v31;
	(xrf1) =	vsort.dscd.msk.f32 $0xffff, v19, v0  }
0x92: {  	v33, v32, _ =	vpop (xrf1);
	v17 =	vsel vm2, v30, v17;
	(xrf1) =	vsort.dscd.msk.f32 $0xffff, v22, v2  }
0x93: {  	v34, v35, _ =	vpop (xrf1);
	v17 =	vsub.f32 v15, v17  }
0x94: {  	v21 =	vperm.xlane v34, v4;
	v37, v36, _ =	vpop (xrf1);
	v19 =	vperm.xlane v33, v4  }
0x95: {  	v38 =	vnsel vm0, $0x0, v14;
	v22 =	vperm.xlane v35, v4;
	v39, v26, _ =	vpop (xrf1);
	v27 =	vnsel vm0, $0xFF800000, v17  }
0x96: {  	v20 =	vperm.xlane v32, v4;
	v21 =	vsel vm0, v39, v21;
	v15 =	vsel vm0, v37, v19;
	v40, v28, _ =	vpop (xrf1);
	(xrf0) =	vmax.scan.msk.f32 $0xffff, v27  }
0x97: {  	(xrf2) =	vadd.scan.msk.f32 $0xffff, v38;
	v22 =	vsel vm0, v26, v22;
	v41 =	vperm.xlane v40, v4;
	v42 =	vperm.xlane v28, v4  }
0x98: {  	v43 =	vsel vm0, v36, v20;
	(xrf1) =	vsort.dscd.msk.f32 $0xffff, v21, v22;
	v45, v44, _ =	vpop (xrf1)  }
0x99: {  	(xrf1) =	vsort.dscd.msk.f32 $0xffff, v15, v43;
	v46 =	vsel vm0, v45, v41;
	v47 =	vsel vm0, v44, v42  }
0x9a: {  	v16 =	vsub.f32 v16, v18;
	(xrf1) =	vsort.dscd.msk.f32 $0xffff, v46, v47  }
0x9b: {  	v19, v15, _ =	vpop (xrf1)  }
0x9c: {  	v16 =	vmul.f32 $1.442695020e+00, v16;
	v48, _, _ =	vpop (xrf0)  }
0x9d: {  	v49, v50, _ =	vpop (xrf1)  }
0x9e: {  	(erf) = vpow2.f32 v16;
	v51, v52, _ =	vpop (xrf1)  }
0x9f: {  	v22 =	vperm.xlane v51, v4;
	v23 =	vperm.xlane v52, v4;
	v53, v54, _ =	vpop (xrf1)  }
0xa0: {  	v18 =	vbroadcast v48, $0xF;
	v20 =	vperm.xlane v49, v4;
	v56, v55, _ =	vpop (xrf1)  }
0xa1: {  	v21 =	vperm.xlane v50, v4;
	v22 =	vsel vm0, v56, v22;
	v23 =	vsel vm0, v55, v23  }
0xa2: {  	v57, _, _ =	vpop (xrf2);
	v17 =	vsub.f32 v17, v18;
	(xrf1) =	vsort.dscd.msk.f32 $0xffff, v22, v23  }
0xa3: {  	v16 =	vbroadcast v57, $0xF;
	v58 =	vsel vm0, v53, v20;
	v59 =	vsel vm0, v54, v21  }
0xa4: {  	v60 =	vand.u32 $0xF, v15;
	v17 =	vmul.f32 $1.442695020e+00, v17;
	(xrf1) =	vsort.dscd.msk.f32 $0xffff, v58, v59  }
0xa5: {  	v26 =	vpop (erf);
	v61 =	vperm.xlane v7, v60;
	(erf) = vrcp.f32 v16  }
0xa6: {  	v62 =	vperm.xlane v8, v60;
	(erf) = vpow2.f32 v17;
	v32, v63, _ =	vpop (xrf1)  }
0xa7: {  	vm1 =	vlt.s32 v15, $0x30;
	v33 =	vperm.xlane v6, v60;
	v34, v35, _ =	vpop (xrf1)  }
0xa8: {  	vm2 =	vlt.s32 v15, $0x20;
	v18 =	vsel vm1, v61, v62;
	v21 =	vperm.xlane v5, v60;
	v36, v16, _ =	vpop (xrf1)  }
0xa9: {  	v28 =	vpop (erf);
	vm1 =	vlt.s32 v15, $0x10;
	v18 =	vsel vm2, v33, v18;
	v37 =	vand.u32 $0xF, v16  }
0xaa: {  	v40 =	vnsel vm0, $0x0, v28;
	v18 =	vsel vm1, v21, v18;
	v38 =	vperm.xlane v7, v37  }
0xab: {  	v18 =	vsub.f32 v19, v18;
	v39 =	vperm.xlane v8, v37;
	v22 =	vperm.xlane v5, v37  }
0xac: {  	v17 =	vperm.xlane v32, v4;
	vm1 =	vlt.s32 v16, $0x30;
	v41 =	vperm.xlane v6, v37  }
0xad: {  	v20 =	vperm.xlane v63, v4;
	v21 =	vsel vm1, v38, v39;
	vm1 =	vlt.s32 v16, $0x20  }
0xae: {  	(xrf2) =	vadd.scan.msk.f32 $0xffff, v40;
	v27 =	vpop (erf);
	v42 =	vnsel vm0, $0xFF800000, v18;
	v21 =	vsel vm1, v41, v21;
	vm1 =	vlt.s32 v16, $0x10  }
0xaf: {  	(xrf0) =	vmax.scan.msk.f32 $0xffff, v42;
	v17 =	vsel vm0, v34, v17;
	v43 =	vsel vm0, v35, v20;
	v21 =	vsel vm1, v22, v21;
	v22 =	vpop (erf)  }
0xb0: {  	(xrf1) =	vsort.dscd.msk.f32 $0xffff, v17, v43;
	v44 =	vsub.f32 v36, v21;
	v46, v45, _ =	vpop (xrf1)  }
0xb1: {  	v47 =	vnsel vm0, $0x0, v22;
	v48 =	vperm.xlane v46, v4;
	v49 =	vperm.xlane v45, v4  }
0xb2: {  	(xrf2) =	vadd.scan.msk.f32 $0xffff, v47;
	v50 =	vnsel vm0, $0xFF800000, v44;
	v52, v51, _ =	vpop (xrf1)  }
0xb3: {  	(xrf0) =	vmax.scan.msk.f32 $0xffff, v50;
	v53 =	vsel vm0, v52, v48;
	v54 =	vsel vm0, v51, v49  }
0xb4: {  	(xrf1) =	vsort.dscd.msk.f32 $0xffff, v53, v54;
	_ =	sdelay $0x1  }
0xb5: {  	v55, _, _ =	vpop (xrf0)  }
0xb6: {  	v17 =	vbroadcast v55, $0xF;
	_ =	sdelay $0x1  }
0xb7: {  	v57, _, _ =	vpop (xrf2);
	v17 =	vsub.f32 v18, v17  }
0xb8: {  	v59 =	vbroadcast v57, $0xF;
	v56, _, _ =	vpop (xrf0)  }
0xb9: {  	v17 =	vmul.f32 $1.442695020e+00, v17;
	v58 =	vbroadcast v56, $0xF  }
0xba: {  	(erf) = vrcp.f32 v59  }
0xbb: {  	(erf) = vpow2.f32 v17;
	v60, _, _ =	vpop (xrf2);
	v18 =	vsub.f32 v44, v58  }
0xbc: {  	v63, v20, _ =	vpop (xrf1);
	v61 =	vbroadcast v60, $0xF  }
0xbd: {  	v29 =	vand.u32 $0xF, v20;
	v62 =	vmul.f32 $1.442695020e+00, v18  }
0xbe: {  	v30 =	vperm.xlane v7, v29;
	(erf) = vrcp.f32 v61  }
0xbf: {  	v31 =	vperm.xlane v8, v29;
	(erf) = vpow2.f32 v62  }
0xc0: {  	vm1 =	vlt.s32 v20, $0x20;
	vm2 =	vlt.s32 v20, $0x30;
	v32 =	vperm.xlane v6, v29;
	v34, v33, _ =	vpop (xrf1)  }
0xc1: {  	v19 =	vperm.xlane v5, v29;
	v17 =	vsel vm2, v30, v31;
	v35 =	vand.u32 $0xF, v33  }
0xc2: {  	vm2 =	vlt.s32 v20, $0x10;
	v7 =	vperm.xlane v7, v35;
	v36 =	vperm.xlane v8, v35  }
0xc3: {  	v37 =	vpop (erf);
	v17 =	vsel vm1, v32, v17;
	vm1 =	vlt.s32 v33, $0x30;
	v6 =	vperm.xlane v6, v35  }
0xc4: {  	v17 =	vsel vm2, v19, v17;
	v38 =	vpop (erf);
	vm2 =	vlt.s32 v33, $0x20;
	v7 =	vsel vm1, v7, v36  }
0xc5: {  	v5 =	vperm.xlane v5, v35;
	v6 =	vsel vm2, v6, v7;
	v7 =	vnsel vm0, $0x0, v38  }
0xc6: {  	v17 =	vsub.f32 v63, v17;
	vm1 =	vlt.s32 v33, $0x10  }
0xc7: {  	v39 =	vpop (erf);
	v5 =	vsel vm1, v5, v6  }
0xc8: {  	(xrf2) =	vadd.scan.msk.f32 $0xffff, v7;
	v6 =	vnsel vm0, $0xFF800000, v17;
	v5 =	vsub.f32 v34, v5;
	v7 =	vpop (erf)  }
0xc9: {  	(xrf0) =	vmax.scan.msk.f32 $0xffff, v6;
	v6 =	vnsel vm0, $0x0, v7  }
0xca: {  	(xrf2) =	vadd.scan.msk.f32 $0xffff, v6;
	v6 =	vnsel vm0, $0xFF800000, v5  }
0xcb: {  	(xrf0) =	vmax.scan.msk.f32 $0xffff, v6;
	_ =	sdelay $0x3  }
0xcc: {  	v6, _, _ =	vpop (xrf0)  }
0xcd: {  	v6 =	vbroadcast v6, $0xF  }
0xce: {  	v40, _, _ =	vpop (xrf0)  }
0xcf: {  	v41, _, _ =	vpop (xrf2);
	v6 =	vsub.f32 v17, v6;
	v42 =	vbroadcast v40, $0xF  }
0xd0: {  	v43 =	vbroadcast v41, $0xF  }
0xd1: {  	v6 =	vmul.f32 $1.442695020e+00, v6;
	v44, _, _ =	vpop (xrf2);
	v5 =	vsub.f32 v5, v42  }
0xd2: {  	(erf) = vrcp.f32 v43;
	v45 =	vbroadcast v44, $0xF  }
0xd3: {  	(erf) = vpow2.f32 v6;
	v5 =	vmul.f32 $1.442695020e+00, v5  }
0xd4: {  	(erf) = vrcp.f32 v45  }
0xd5: {  	(erf) = vpow2.f32 v5;
	_ =	sdelay $0x5  }
0xd6: {  	v5 =	vpop (erf)  }
0xd7: {  	v6 =	vpop (erf)  }
0xd8: {  	v17 =	vpop (erf)  }
0xd9: {  	v46 =	vnsel vm0, $0x0, v6;
	v47 =	vpop (erf)  }
0xda: {  	(xrf2) =	vadd.scan.msk.f32 $0xffff, v46;
	v48 =	vnsel vm0, $0x0, v47  }
0xdb: {  	(xrf2) =	vadd.scan.msk.f32 $0xffff, v48;
	_ =	sdelay $0x8  }
0xdc: {  	v49, _, _ =	vpop (xrf2)  }
0xdd: {  	v21 =	vbroadcast v49, $0xF;
	v50, _, _ =	vpop (xrf2)  }
0xde: {  	v24 =	vbroadcast v50, $0xF  }
0xdf: {  	(erf) = vrcp.f32 v21  }
0xe0: {  	(erf) = vrcp.f32 v24;
	_ =	sdelay $0x2  }
0xe1: {  	v9 =	vperm.xlane v9, v4;
	v12 =	vmul.f32 v26, v12  }
0xe2: {  	v10 =	vperm.xlane v10, v4;
	v51 =	vmul.f32 v27, v14  }
0xe3: {  	v11 =	vperm.xlane v11, v4;
	v9 =	vsel vm0, v12, v9;
	v52 =	vmul.f32 v37, v28  }
0xe4: {  	[tilespmem:s11+$0x4000] =	vst v9;
	v55 =	vperm.xlane v13, v4;
	v53 =	vsel vm0, v51, v10;
	v54 =	vmul.f32 v39, v22  }
0xe5: {  	v57 =	vperm.xlane v15, v4;
	[tilespmem:s12+$0x4000] =	vst v53;
	v56 =	vsel vm0, v52, v11;
	v5 =	vmul.f32 v5, v38  }
0xe6: {  	v59 =	vperm.xlane v16, v4;
	[tilespmem:s13+$0x4000] =	vst v56;
	v58 =	vsel vm0, v54, v55;
	v7 =	vmul.f32 v17, v7;
	v60 =	vpop (erf)  }
0xe7: {  	v61 =	vperm.xlane v20, v4;
	[tilespmem:s14+$0x4000] =	vst v58;
	v5 =	vsel vm0, v5, v57;
	v6 =	vmul.f32 v60, v6;
	v62 =	vpop (erf)  }
0xe8: {  	v63 =	vperm.xlane v33, v4;
	[tilespmem:s15+$0x4000] =	vst v5;
	v5 =	vsel vm0, v7, v59;
	v7 =	vmul.f32 v62, v47  }
0xe9: {  	s10 =	sadd.s32 $0x1, s10;
	[tilespmem:s16+$0x4000] =	vst v5;
	v5 =	vsel vm0, v6, v61  }
0xea: {  	p0 =	sne.s32 s10, s6;
	[tilespmem:s17+$0x4000] =	vst v5;
	v5 =	vsel vm0, v7, v63  }
.Ltmp1:
0xeb: {  	[tilespmem:s18+$0x4000] =	vst v5;
	(pc) =	sbr.rel @p0 .LBB2_1-.Ltmp1, $4  }
0xec: {  	[hbm4b:s5+s3] =	stream.linear.scatter [tilespmem:s9], [sflag:$0x1], $0x4000, $0x38;
	[tilespmem:$0x8080] =	vst v63  }
0xed: {  	_ =	swait.ge [sflag:s8], $0x4000  }
0xee: {  	[sflag:s8] =	ssyncset.done $0x0  }
0xef: {  	[sflag:s8] =	ssyncadd.s32 $0xFFFFC000  }
0xf0: {  	_ =	sfence.sel $0x180000  }
0xf1: {  	[bflag:$0x0] =	sbarrier.arrive $0xFFFF  }
0xf2: {  	p0 =	sne.s32 s1, $0x0;
	_ =	strace $0x9000004A  }
0xf3: {  	s0 =	sadd.s32 @!p0 $0x100000, s0;
	[bflag:$0x2] =	sbarrier.arrive $0xFFFF  }
0xf4: {  	[sflag:s0] =	ssyncadd.tile.s32 @!p0 $0x1;
	_ =	shalt  }
.Lfunc_end2:
_tile_overlayer_lowered:
.L_overlay_start_2:
0xf5: {  	(tag) =	ssettag $0x2  }
0xf6: {  	s0 =	rddreg [dreg:$0x0];
	s2 =	stileid.u32  }
0xf7: {  	s1 =	rddreg [dreg:$0x1];
	p0 =	sne.s32 s2, $0x0  }
0xf8: {  	s3 =	rddreg [dreg:$0x2];
	[bflag:$0x3] =	sbarrier.arrive $0xFFFF;
	s2 =	simm.s32 @!p0 $0x1C01  }
0xf9: {  	[timem:s3], [sflag:s2] =	dma.local @!p0 [hbm:s0], s1  }
0xfa: {  	s0 =	simm.s32 @!p0 $0x1  }
0xfb: {  	_ =	swait.ge @!p0 [sflag:s0], s1  }
0xfc: {  	s1 =	ssub.s32 @!p0 $0x0, s1;
	[sflag:s0] =	ssyncset.done @!p0 $0x0  }
0xfd: {  	[sflag:s0] =	ssyncadd.s32 @!p0 s1  }
0xfe: {  	[bflag:$0x3] =	sbarrier.arrive $0xFFFF  }
0xff: {  	_ =	shalt  }

// kernel: kernel.19.cloned.1.call-start
scs
__scs_entry_jumppad:
0x0: {  	(pc) =	sbr.rel $0x88, $3  }
0x1: {  	(tag) =	ssettag $0x0;
	lr =	simm.s32 $0x1  }
0x2: {  	[smem:$0x3F9E] =	sst lr;
	_ =	strace $0xD0000000  }
0x3: {  	_ = 	snop  }
0x4: {  	_ = 	snop  }
0x5: {  	_ = 	snop  }
0x6: {  	_ = 	snop  }
0x7: {  	_ = 	snop  }
__scs_overlays_trampoline_lowered:
0x8: {  	[smem:$0x3FAD] =	sst s0  }
0x9: {  	[smem:$0x3FAE] =	sst s1  }
0xa: {  	[smem:$0x3FAF] =	sst s2  }
0xb: {  	[smem:$0x3FB0] =	sst s3  }
0xc: {  	[smem:$0x3FB1] =	sst s4  }
0xd: {  	[smem:$0x3FB2] =	sst s5  }
0xe: {  	[smem:$0x3FB3] =	sst s6  }
0xf: {  	[smem:$0x3FB4] =	sst s7  }
0x10: {  	[smem:$0x3FB5] =	sst s8  }
0x11: {  	[smem:$0x3FB6] =	sst s9;
	s0 =	simm.s32 @!p0 $0x0  }
0x12: {  	s1 =	sld [smem:$0x3F9C];
	s0 =	simm.s32 @p0 $0x1  }
0x13: {  	[smem:$0x3FB7] =	sst s0;
	s0 =	simm.s32 @!p1 $0x0  }
0x14: {  	s2 =	sld [smem:$0x3F9B];
	s0 =	simm.s32 @p1 $0x1  }
0x15: {  	[smem:$0x3FB8] =	sst s0;
	s0 =	simm.s32 @!p2 $0x0  }
0x16: {  	s3 =	sld [smem:$0x3FDB];
	s0 =	simm.s32 @p2 $0x1  }
0x17: {  	s4 =	simm.s32 $0x1BF5;
	[smem:$0x3FBA] =	sst s0  }
0x18: {  	s0 =	sld [smem:$0x3F9D];
	_ =	swait.ge [sflag:s4], $0x0  }
0x19: {  	s7 =	sld [smem:$0x3F9E]  }
0x1a: {  	s8 =	sadd.s32 $0xFFFFE003, lr  }
0x1b: {  	s9 =	sadd.s32 $0xFFFFFEF7, lr;
	s5 =	simm.s32 $0xFFFFFFFF;
	p2 =	slt.u32 s8, $0xFFFFF086  }
0x1c: {  	p1 =	slt.u32 s9, $0xF7A;
	s5 =	simm.s32 @!p2 $0x0  }
0x1d: {  	s5 =	simm.s32 @p1 $0x1;
	p0 =	seq.s32 s7, s2  }
0x1e: {  	s7 =	smul.u32 @!p0 $0xF7A, s2;
	p2 =	seq.s32 @!p0 s5, $0x0  }
0x1f: {  	s9 =	smul.u32 $0xF7A, s1;
	s8 =	simm.s32 @!p0 $0x1BF5;
	p2 =	por !p2, p0  }
0x20: {  	[sflag:s8] =	ssyncset.s32 @!p0 $0xFFFFF086;
	s6 =	sadd.s32 @!p0 s3, s7;
	s7 =	simm.s32 @!p0 $0x108  }
0x21: {  	s3 =	sadd.s32 s3, s9;
	s6 =	sadd.s32 @!p0 $0x88, s6;
	s7 =	simm.s32 @p2 $0x1082  }
0x22: {  	[simem:s7], [sflag:s8] =	dma.local @!p0 [hbm:s6], $0xF7A  }
0x23: {  	s9 =	sor.u32 $0xD0000000, s2;
	s6 =	simm.s32 $0x108;
	_ =	swait.ge @!p0 [sflag:s8], $0x0  }
0x24: {  	s3 =	sadd.s32 $0x88, s3;
	s6 =	simm.s32 @!p1 $0x1082;
	[sflag:s4] =	ssyncset.s32 $0xFFFFF086  }
0x25: {  	[simem:s6], [sflag:s4] =	dma.local [hbm:s3], $0xF7A  }
0x26: {  	[smem:$0x3F9E] =	sst s1;
	(tag) =	ssettag s2;
	_ =	strace s9  }
0x27: {  	s1 =	sld [smem:$0x3FAE]  }
0x28: {  	s2 =	sld [smem:$0x3FAF]  }
0x29: {  	s4 =	sld [smem:$0x3FB1]  }
0x2a: {  	p0 =	seq.s32 s5, $0x0;
	s5 =	sld [smem:$0x3FB2]  }
0x2b: {  	s6 =	sld [smem:$0x3FB3]  }
0x2c: {  	s7 =	sld [smem:$0x3FB4]  }
0x2d: {  	s3 =	simm.s32 $0x108;
	s8 =	sld [smem:$0x3FB5]  }
0x2e: {  	s3 =	simm.s32 @!p0 $0x1082;
	s9 =	sld [smem:$0x3FB6]  }
0x2f: {  	lr =	sadd.s32 s0, s3;
	s0 =	sld [smem:$0x3FAD]  }
0x30: {  	s3 =	sld [smem:$0x3FB0]  }
0x31: {  	[smem:$0x3FB9] =	sst s10  }
0x32: {  	s10 =	sld [smem:$0x3FB7];
	_ =	sdelay $0x3  }
0x33: {  	p0 =	seq.s32 s10, $0x1;
	s10 =	sld [smem:$0x3FB9];
	_ =	sdelay $0x3  }
0x34: {  	[smem:$0x3FB9] =	sst s10  }
0x35: {  	s10 =	sld [smem:$0x3FB8];
	_ =	sdelay $0x3  }
0x36: {  	p1 =	seq.s32 s10, $0x1;
	s10 =	sld [smem:$0x3FB9];
	_ =	sdelay $0x3  }
0x37: {  	[smem:$0x3FB9] =	sst s10  }
0x38: {  	s10 =	sld [smem:$0x3FBA]  }
0x39: {  	_ = 	snop;
	(pc) =	sbr.ind lr, $3  }
0x3a: {  	_ = 	snop  }
0x3b: {  	_ = 	snop  }
0x3c: {  	p2 =	seq.s32 s10, $0x1;
	s10 =	sld [smem:$0x3FB9]  }
0x3d: {  	_ =	shalt  }
0x3e: {  	_ =	shalt  }
0x3f: {  	_ =	shalt  }
0x40: {  	_ =	shalt  }
0x41: {  	_ =	shalt  }
0x42: {  	_ =	shalt  }
0x43: {  	_ =	shalt  }
0x44: {  	_ =	shalt  }
0x45: {  	_ =	shalt  }
0x46: {  	_ =	shalt  }
0x47: {  	_ =	shalt  }
0x48: {  	_ =	shalt  }
0x49: {  	_ =	shalt  }
0x4a: {  	_ =	shalt  }
0x4b: {  	_ =	shalt  }
0x4c: {  	_ =	shalt  }
0x4d: {  	_ =	shalt  }
0x4e: {  	_ =	shalt  }
0x4f: {  	_ =	shalt  }
0x50: {  	_ =	shalt  }
0x51: {  	_ =	shalt  }
0x52: {  	_ =	shalt  }
0x53: {  	_ =	shalt  }
0x54: {  	_ =	shalt  }
0x55: {  	_ =	shalt  }
0x56: {  	_ =	shalt  }
0x57: {  	_ =	shalt  }
0x58: {  	_ =	shalt  }
0x59: {  	_ =	shalt  }
0x5a: {  	_ =	shalt  }
0x5b: {  	_ =	shalt  }
0x5c: {  	_ =	shalt  }
0x5d: {  	_ =	shalt  }
0x5e: {  	_ =	shalt  }
0x5f: {  	_ =	shalt  }
0x60: {  	_ =	shalt  }
0x61: {  	_ =	shalt  }
0x62: {  	_ =	shalt  }
0x63: {  	_ =	shalt  }
0x64: {  	_ =	shalt  }
0x65: {  	_ =	shalt  }
0x66: {  	_ =	shalt  }
0x67: {  	_ =	shalt  }
0x68: {  	_ =	shalt  }
0x69: {  	_ =	shalt  }
0x6a: {  	_ =	shalt  }
0x6b: {  	_ =	shalt  }
0x6c: {  	_ =	shalt  }
0x6d: {  	_ =	shalt  }
0x6e: {  	_ =	shalt  }
0x6f: {  	_ =	shalt  }
0x70: {  	_ =	shalt  }
0x71: {  	_ =	shalt  }
0x72: {  	_ =	shalt  }
0x73: {  	_ =	shalt  }
0x74: {  	_ =	shalt  }
0x75: {  	_ =	shalt  }
0x76: {  	_ =	shalt  }
0x77: {  	_ =	shalt  }
0x78: {  	_ =	shalt  }
0x79: {  	_ =	shalt  }
0x7a: {  	_ =	shalt  }
0x7b: {  	_ =	shalt  }
0x7c: {  	_ =	shalt  }
0x7d: {  	_ =	shalt  }
0x7e: {  	_ =	shalt  }
0x7f: {  	_ =	shalt  }
0x80: {  	_ =	shalt  }
0x81: {  	_ =	shalt  }
0x82: {  	_ =	shalt  }
0x83: {  	_ =	shalt  }
0x84: {  	_ =	shalt  }
0x85: {  	_ =	shalt  }
0x86: {  	_ =	shalt  }
0x87: {  	_ =	shalt  }
.Lfunc_end0:
.L_simem_size_0:
called_computation.3_lowered:
.L_overlay_start_0:
0x88: {  	s2 =	sld [smem:$0x3FD9]  }
0x89: {  	s3 =	sld [smem:$0x3FFE];
	_ =	sdelay $0x1  }
0x8a: {  	s1 =	srdreg.scid  }
0x8b: {  	s0 =	sand.u32 $0x1, s1  }
0x8c: {  	s17 =	sshll.u32 s0, $0xA;
	s2 =	sadd.s32 s3, s2  }
0x8d: {  	s2 =	sadd.s32 s2, s17  }
0x8e: {  	[smem:$0x3FC5] =	sst s2  }
0x8f: {  	_ = 	snop  }
0x90: {  	s18 =	sld [smem:$0x3FC7];
	(tm) =	ssettm $0x1  }
0x91: {  	s19 =	sld [smem:$0x3FFB];
	_ =	sdelay $0x3  }
0x92: {  	_ =	strace s19  }
0x93: {  	s2 =	sld [smem:$0x3FFC];
	_ =	sdelay $0x3  }
0x94: {  	_ =	strace s2  }
0x95: {  	s2 =	sld [smem:$0x3FFD];
	_ =	sdelay $0x3  }
0x96: {  	_ =	strace s2  }
0x97: {  	_ =	strace $0x8FFFFFFF  }
0x98: {  	s20 =	sld [smem:$0x3FDB];
	_ =	sdelay $0x1  }
0x99: {  	s4 =	simm.s32 $_scs_section_size  }
0x9a: {  	s5 =	simm.s32 $_size__tile_overlayer_lowered;
	s6 =	simm.s32 $_tile_overlayer_lowered  }
0x9b: {  	s7 =	simm.s32 $0x1BFF;
	s21 =	sshll.u32 s6, $0x1;
	s4 =	sadd.s32 s4, s20  }
0x9c: {  	s22 =	simm.s32 $0x0;
	s5 =	sshll.u32 s5, $0x1;
	s6 =	sadd.s32 s21, s4  }
0x9d: {  	[timem:s22], [sflag:s7] =	dma.local [hbm:s6], s5  }
0x9e: {  	_ =	swait.ge [sflag:s7], s5  }
0x9f: {  	s5 =	ssub.s32 $0x0, s5;
	[sflag:s7] =	ssyncset.done $0x0  }
0xa0: {  	[sflag:s7] =	ssyncadd.s32 s5;
	_ =	sdelay $0x1  }
0xa1: {  	s23 =	simm.s32 $0x1B8B  }
0xa2: {  	_ =	swait.ge [sflag:s23], $0x1  }
0xa3: {  	[sflag:s23] =	ssyncset.done $0x0  }
0xa4: {  	[sflag:s23] =	ssyncadd.s32 $0xFFFFFFFF  }
0xa5: {  	s5 =	sld [smem:$0x0]  }
0xa6: {  	s6 =	sand.u32 $0xFFFFFFFE, s1  }
0xa7: {  	p0 =	sne.s32 s1, s6  }
0xa8: {  	s6 =	sshll.u32 @p0 s6, $0xE  }
0xa9: {  	s6 =	sadd.s32 @p0 $0x11B8D, s6;
	s7 =	sshll.u32 @p0 s5, $0x11  }
0xaa: {  	s6 =	sor.u32 @p0 s7, s6  }
0xab: {  	[sflag:s6] =	ssyncadd.remote.s32 @p0 $0x1;
	_ =	sdelay $0x1  }
0xac: {  	s6 =	simm.s32 @p0 $0x1B8D  }
0xad: {  	_ =	swait.eq @p0 [sflag:s6], $0x1  }
0xae: {  	[sflag:s6] =	ssyncadd.s32 @p0 $0xFFFFFFFF  }
0xaf: {  	s7 =	sshll.u32 @!p0 s1, $0xE  }
0xb0: {  	s7 =	sor.u32 @!p0 $0x4000, s7;
	s6 =	simm.s32 @!p0 $0x1B8D  }
0xb1: {  	s5 =	sshll.u32 @!p0 s5, $0x11;
	s7 =	sadd.s32 @!p0 $0x11B8D, s7;
	_ =	swait.eq @!p0 [sflag:s6], $0x1  }
0xb2: {  	s5 =	sor.u32 @!p0 s5, s7;
	[sflag:s6] =	ssyncadd.s32 @!p0 $0xFFFFFFFF  }
0xb3: {  	s25 =	simm.s32 $0x1B8E;
	s24 =	sld [smem:$0x3FFE];
	[sflag:s5] =	ssyncadd.remote.s32 @!p0 $0x1  }
0xb4: {  	s26 =	simm.s32 $execute0_lowered;
	[smem:$0x3FD2] =	sst s25  }
0xb5: {  	s6 =	sshll.u32 s26, $0x1;
	_ =	strace $0x8000004C;
	[dreg:$0x1] =	wrdreg $0xFFFFFFFF  }
0xb6: {  	s28 =	simm.s32 $_size_execute0_lowered;
	s4 =	sadd.s32 s4, s6;
	[dreg:$0x0] =	wrdreg $0x0  }
0xb7: {  	s6 =	sshll.u32 s28, $0x1;
	[dreg:$0x2] =	wrdreg s4  }
0xb8: {  	[dreg:$0x3] =	wrdreg s6  }
0xb9: {  	[dreg:$0x4] =	wrdreg $0xC0  }
0xba: {  	_ =	task [dreg:s22], $0x5FFFF  }
0xbb: {  	[dreg:$0x1] =	wrdreg $0xFFFFFFFF  }
0xbc: {  	[dreg:$0x0] =	wrdreg $0x60  }
0xbd: {  	[dreg:$0x2] =	wrdreg s24  }
0xbe: {  	[dreg:$0x3] =	wrdreg s18  }
0xbf: {  	[dreg:$0x4] =	wrdreg $0xC  }
0xc0: {  	_ =	task.clear_ibuf [dreg:s22], $0x5FFFF;
	_ =	strace $0x9000004C  }
0xc1: {  	s29 =	simm.s32 $0xC;
	_ =	strace $0x8000004E  }
0xc2: {  	_ =	swait.ge [sflag:s29], $0x1  }
0xc3: {  	[sflag:s29] =	ssyncadd.s32 $0xFFFFFFFF  }
0xc4: {  	_ =	strace $0x9000004E  }
0xc5: {  	_ =	sfence  }
0xc6: {  	s30 =	sld [smem:$0x0];
	_ =	sdelay $0x2  }
0xc7: {  	s31 =	sshll.u32 s1, $0xD;
	s1 =	sshrl.u32 s1, $0x2  }
0xc8: {  	s4 =	sand.u32 $0x4000, s31;
	s1 =	sadd.s32 s1, s30  }
0xc9: {  	s0 =	sor.u32 s4, s0;
	s1 =	sshll.u32 s1, $0x11  }
0xca: {  	s0 =	sor.u32 s1, s0  }
0xcb: {  	s0 =	sadd.s32 $0x8F2B, s0  }
0xcc: {  	[sflag:s0] =	ssyncadd.remote.s32 $0x1  }
0xcd: {  	_ =	sfence.sel $0xFFFF  }
0xce: {  	[dreg:$0x0] =	wrdreg $0xFFFFFFFF;
	(pc) =	sbr.abs _section_cstart, $3  }
0xcf: {  	[dreg:$0x1] =	wrdreg $0xFFFFFFFF  }
0xd0: {  	_ =	task.clear_ibuf [dreg:s22], $0x2FFFF;
	_ =	strace $0x9FFFFFFF  }
0xd1: {  	(tm) =	ssettm $0x7FFFFFFF  }
tec
execute0_lowered:
.L_overlay_start_1:
0x0: {  	(tag) =	ssettag $0x1  }
0x1: {  	s4 =	rddreg [dreg:$0x0];
	s0 =	srdreg.scid  }
0x2: {  	s2 =	rddreg [dreg:$0x1];
	s1 =	stileid.u32;
	s3 =	simm.s32 $0x0  }
0x3: {  	s8 =	simm.s32 $0x1;
	s9 =	simm.s32 $0x4000;
	s10 =	simm.s32 $0x0  }
0x4: {  	s5 =	sand.u32 $0x1, s0;
	s0 =	rddreg [dreg:$0x2];
	s6 =	sshll.u32 s1, $0xC  }
0x5: {  	[smem:$0x7FF] =	sst s3;
	s7 =	sshll.u32 s5, $0xB;
	s5 =	ssub.s32 $0x2, s5  }
0x6: {  	v0 =	vlaneseq.u32;
	_ =	strace $0x8000004D;
	s6 =	sor.u32 s7, s6;
	s30 =	sshrl.u32 s5, $0x1  }
0x7: {  	vm0 =	vmmov $0xff;
	v1 =	vor.u32 $0x10, v0;
	s7 =	simm.s32 $0x8000;
	s6 =	sadd.s32 s6, s4;
	s31 =	ssub.s32 s5, s30  }
0x8: {  	v2 =	vor.u32 $0x20, v0;
	v3 =	vor.u32 $0x30, v0;
	v4 =	vand.u32 $0x7, v0;
	s4 =	sadd.s32 $0x41A00, s6;
	s5 =	sadd.s32 $0x51A00, s6;
	s6 =	smax.u32 s31, $0x1  }
.LBB2_1:
0x9: {  	[tilespmem:s7], [sflag:$0x1] =	stream.linear.gather [hbm4b:s2+s3], $0x80, $0x38;
	[tilespmem:$0x8080] =	vst v63  }
0xa: {  	_ =	swait.ge [sflag:s8], $0x80  }
0xb: {  	[sflag:s8] =	ssyncset.done $0x0  }
0xc: {  	[sflag:s8] =	ssyncadd.s32 $0xFFFFFF80  }
0xd: {  	v5 =	vld [tilespmem:$0x8000]  }
0xe: {  	v6 =	vld [tilespmem:$0x8010]  }
0xf: {  	v7 =	vld [tilespmem:$0x8020]  }
0x10: {  	v8 =	vld [tilespmem:$0x8030];
	[tilespmem:s3], [sflag:$0x1] =	stream.linear.gather [hbm4b:s4+s3], $0x4000, $0x38  }
0x11: {  	_ =	swait.ge [sflag:s8], $0x4000  }
0x12: {  	[sflag:s8] =	ssyncset.done $0x0  }
0x13: {  	s11 =	simm.s32 $0x0;
	[sflag:s8] =	ssyncadd.s32 $0xFFFFC000  }
0x14: {  	v9 =	vld [tilespmem:s11+$0x10]  }
0x15: {  	v10 =	vld [tilespmem:s11+$0x30]  }
0x16: {  	v11 =	vld [tilespmem:s11+$0x0]  }
0x17: {  	v12 =	vld [tilespmem:s11+$0x20];
	_ =	sdelay $0x1  }
0x18: {  	v9 =	vadd.f32 v9, v6  }
0x19: {  	v10 =	vadd.f32 v10, v8  }
0x1a: {  	v11 =	vadd.f32 v11, v5;
	(xrf1) =	vsort.dscd.msk.f32 $0xffff, v9, v1  }
0x1b: {  	v9 =	vadd.f32 v12, v7;
	(xrf1) =	vsort.dscd.msk.f32 $0xffff, v10, v3  }
0x1c: {  	(xrf1) =	vsort.dscd.msk.f32 $0xffff, v11, v0  }
0x1d: {  	(xrf1) =	vsort.dscd.msk.f32 $0xffff, v9, v2;
	_ =	sdelay $0x1  }
0x1e: {  	s12 =	simm.s32 $0x80  }
0x1f: {  	v9 =	vld [tilespmem:s12+$0x10]  }
0x20: {  	v10 =	vld [tilespmem:s12+$0x30];
	_ =	sdelay $0x1  }
0x21: {  	v11 =	vld [tilespmem:s12+$0x0]  }
0x22: {  	v12 =	vld [tilespmem:s12+$0x20]  }
0x23: {  	v9 =	vadd.f32 v9, v6  }
0x24: {  	v10 =	vadd.f32 v10, v8;
	_ =	sdelay $0x1  }
0x25: {  	v11 =	vadd.f32 v11, v5;
	v13, v14, _ =	vpop (xrf1);
	(xrf1) =	vsort.dscd.msk.f32 $0xffff, v9, v1  }
0x26: {  	v12 =	vadd.f32 v12, v7;
	v9, v15, _ =	vpop (xrf1);
	(xrf1) =	vsort.dscd.msk.f32 $0xffff, v10, v3  }
0x27: {  	v9 =	vperm.xlane v9, v4;
	v10, v16, _ =	vpop (xrf1);
	(xrf1) =	vsort.dscd.msk.f32 $0xffff, v11, v0;
	v11 =	vperm.xlane v15, v4  }
0x28: {  	v13 =	vperm.xlane v13, v4;
	v15, v17, _ =	vpop (xrf1);
	(xrf1) =	vsort.dscd.msk.f32 $0xffff, v12, v2;
	v12 =	vperm.xlane v14, v4  }
0x29: {  	v9 =	vsel vm0, v15, v9;
	v11 =	vsel vm0, v17, v11  }
0x2a: {  	s13 =	simm.s32 $0x100;
	(xrf1) =	vsort.dscd.msk.f32 $0xffff, v9, v11;
	v9 =	vsel vm0, v10, v13;
	v10 =	vsel vm0, v16, v12  }
0x2b: {  	v11 =	vld [tilespmem:s13+$0x10];
	(xrf1) =	vsort.dscd.msk.f32 $0xffff, v9, v10;
	_ =	sdelay $0x1  }
0x2c: {  	v9 =	vld [tilespmem:s13+$0x30]  }
0x2d: {  	v10 =	vld [tilespmem:s13+$0x0]  }
0x2e: {  	v12 =	vld [tilespmem:s13+$0x20]  }
0x2f: {  	v11 =	vadd.f32 v11, v6;
	_ =	sdelay $0x1  }
0x30: {  	v9 =	vadd.f32 v9, v8  }
0x31: {  	v10 =	vadd.f32 v10, v5;
	v13, v14, _ =	vpop (xrf1);
	(xrf1) =	vsort.dscd.msk.f32 $0xffff, v11, v1  }
0x32: {  	v12 =	vadd.f32 v12, v7;
	v11, v15, _ =	vpop (xrf1);
	(xrf1) =	vsort.dscd.msk.f32 $0xffff, v9, v3;
	v13 =	vperm.xlane v13, v4  }
0x33: {  	v9 =	vperm.xlane v11, v4;
	v11, v16, _ =	vpop (xrf1);
	(xrf1) =	vsort.dscd.msk.f32 $0xffff, v10, v0;
	v10 =	vperm.xlane v15, v4  }
0x34: {  	v15, v17, _ =	vpop (xrf1);
	(xrf1) =	vsort.dscd.msk.f32 $0xffff, v12, v2;
	v12 =	vperm.xlane v14, v4  }
0x35: {  	v9 =	vsel vm0, v15, v9;
	v10 =	vsel vm0, v17, v10  }
0x36: {  	s14 =	simm.s32 $0x180;
	v11 =	vsel vm0, v11, v13;
	v13, v14, _ =	vpop (xrf1);
	(xrf1) =	vsort.dscd.msk.f32 $0xffff, v9, v10;
	v12 =	vsel vm0, v16, v12  }
0x37: {  	v9 =	vperm.xlane v13, v4;
	v10 =	vperm.xlane v14, v4;
	v13, v14, _ =	vpop (xrf1);
	(xrf1) =	vsort.dscd.msk.f32 $0xffff, v11, v12;
	v11 =	vld [tilespmem:s14+$0x10]  }
0x38: {  	v12 =	vld [tilespmem:s14+$0x30];
	_ =	sdelay $0x1  }
0x39: {  	v9 =	vsel vm0, v13, v9;
	v10 =	vsel vm0, v14, v10  }
0x3a: {  	(xrf1) =	vsort.dscd.msk.f32 $0xffff, v9, v10;
	v9 =	vld [tilespmem:s14+$0x0]  }
0x3b: {  	v10 =	vld [tilespmem:s14+$0x20];
	v11 =	vadd.f32 v11, v6  }
0x3c: {  	v12 =	vadd.f32 v12, v8;
	_ =	sdelay $0x1  }
0x3d: {  	v13, v14, _ =	vpop (xrf1)  }
0x3e: {  	v9 =	vadd.f32 v9, v5;
	(xrf1) =	vsort.dscd.msk.f32 $0xffff, v11, v1;
	v11, v15, _ =	vpop (xrf1)  }
0x3f: {  	v10 =	vadd.f32 v10, v7;
	(xrf1) =	vsort.dscd.msk.f32 $0xffff, v12, v3;
	v12, v16, _ =	vpop (xrf1)  }
0x40: {  	v11 =	vperm.xlane v11, v4;
	(xrf1) =	vsort.dscd.msk.f32 $0xffff, v9, v0;
	v9 =	vperm.xlane v15, v4;
	v15, v17, _ =	vpop (xrf1)  }
0x41: {  	(xrf1) =	vsort.dscd.msk.f32 $0xffff, v10, v2  }
0x42: {  	v10 =	vperm.xlane v14, v4;
	v11 =	vsel vm0, v15, v11;
	v9 =	vsel vm0, v17, v9;
	v14, v15, _ =	vpop (xrf1)  }
0x43: {  	v13 =	vperm.xlane v13, v4;
	(xrf1) =	vsort.dscd.msk.f32 $0xffff, v11, v9;
	v9 =	vperm.xlane v14, v4;
	_ =	sdelay $0x2  }
0x44: {  	v11 =	vperm.xlane v15, v4  }
0x45: {  	s15 =	simm.s32 $0x200;
	v12 =	vsel vm0, v12, v13;
	v10 =	vsel vm0, v16, v10;
	v13, v15, _ =	vpop (xrf1)  }
0x46: {  	v14 =	vld [tilespmem:s15+$0x10];
	(xrf1) =	vsort.dscd.msk.f32 $0xffff, v12, v10;
	v10 =	vsel vm0, v13, v9;
	v11 =	vsel vm0, v15, v11;
	v13, v9, _ =	vpop (xrf1)  }
0x47: {  	(xrf1) =	vsort.dscd.msk.f32 $0xffff, v10, v11;
	v11 =	vand.u32 $0xF, v9  }
0x48: {  	v12 =	vld [tilespmem:s15+$0x30];
	v16 =	vperm.xlane v7, v11;
	v17 =	vperm.xlane v8, v11  }
0x49: {  	v15 =	vld [tilespmem:s15+$0x20];
	vm1 =	vlt.s32 v9, $0x30;
	v18 =	vperm.xlane v6, v11  }
0x4a: {  	v10 =	vld [tilespmem:s15+$0x0];
	vm2 =	vlt.s32 v9, $0x20;
	v16 =	vsel vm1, v16, v17  }
0x4b: {  	v14 =	vadd.f32 v14, v6;
	v16 =	vsel vm2, v18, v16;
	_ =	sdelay $0x1  }
0x4c: {  	v11 =	vperm.xlane v5, v11  }
0x4d: {  	v12 =	vadd.f32 v12, v8;
	v15 =	vadd.f32 v15, v7;
	vm1 =	vlt.s32 v9, $0x10;
	v17, v18, _ =	vpop (xrf1)  }
0x4e: {  	v10 =	vadd.f32 v10, v5;
	v11 =	vsel vm1, v11, v16;
	(xrf1) =	vsort.dscd.msk.f32 $0xffff, v14, v1;
	v14, v16, _ =	vpop (xrf1)  }
0x4f: {  	v11 =	vsub.f32 v13, v11;
	(xrf1) =	vsort.dscd.msk.f32 $0xffff, v12, v3;
	v12 =	vperm.xlane v14, v4  }
0x50: {  	v13, v14, _ =	vpop (xrf1);
	(xrf1) =	vsort.dscd.msk.f32 $0xffff, v10, v0;
	v10 =	vperm.xlane v16, v4;
	v16 =	vperm.xlane v17, v4;
	_ =	sdelay $0x1  }
0x51: {  	v17, v19, _ =	vpop (xrf1);
	(xrf1) =	vsort.dscd.msk.f32 $0xffff, v15, v2;
	v15 =	vnsel vm0, $0xFF800000, v11;
	_ =	sdelay $0x1  }
0x52: {  	(xrf0) =	vmax.scan.msk.f32 $0xffff, v15  }
0x53: {  	v12 =	vsel vm0, v17, v12;
	v10 =	vsel vm0, v19, v10;
	v13 =	vsel vm0, v13, v16;
	v15, v16, _ =	vpop (xrf1)  }
0x54: {  	v18 =	vperm.xlane v18, v4;
	(xrf1) =	vsort.dscd.msk.f32 $0xffff, v12, v10;
	v10 =	vperm.xlane v15, v4  }
0x55: {  	v15 =	vperm.xlane v16, v4;
	_ =	sdelay $0x1  }
0x56: {  	v16, v17, _ =	vpop (xrf1)  }
0x57: {  	s16 =	simm.s32 $0x280;
	v14 =	vsel vm0, v14, v18;
	v18, _, _ =	vpop (xrf0)  }
0x58: {  	(xrf1) =	vsort.dscd.msk.f32 $0xffff, v13, v14;
	v13 =	vsel vm0, v16, v10;
	v14 =	vsel vm0, v17, v15;
	v16 =	vld [tilespmem:s16+$0x30];
	v15, v10, _ =	vpop (xrf1)  }
0x59: {  	v12 =	vld [tilespmem:s16+$0x10];
	v18 =	vbroadcast v18, $0xF;
	(xrf1) =	vsort.dscd.msk.f32 $0xffff, v13, v14;
	v13 =	vand.u32 $0xF, v10  }
0x5a: {  	v14 =	vld [tilespmem:s16+$0x0];
	v17 =	vperm.xlane v7, v13;
	v20 =	vperm.xlane v8, v13  }
0x5b: {  	vm2 =	vlt.s32 v10, $0x30;
	v21 =	vperm.xlane v6, v13  }
0x5c: {  	v19 =	vld [tilespmem:s16+$0x20];
	v11 =	vsub.f32 v11, v18;
	vm1 =	vlt.s32 v10, $0x20;
	v17 =	vsel vm2, v17, v20  }
0x5d: {  	v13 =	vperm.xlane v5, v13;
	v16 =	vadd.f32 v16, v8;
	v17 =	vsel vm1, v21, v17  }
0x5e: {  	v12 =	vadd.f32 v12, v6  }
0x5f: {  	v11 =	vmul.f32 $1.442695020e+00, v11;
	vm2 =	vlt.s32 v10, $0x10;
	v14 =	vadd.f32 v14, v5  }
0x60: {  	v18, v20, _ =	vpop (xrf1);
	(xrf1) =	vsort.dscd.msk.f32 $0xffff, v12, v1;
	v12 =	vsel vm2, v13, v17  }
0x61: {  	v19 =	vadd.f32 v19, v7;
	(erf) = vpow2.f32 v11;
	v15 =	vsub.f32 v15, v12;
	v13, v17, _ =	vpop (xrf1);
	(xrf1) =	vsort.dscd.msk.f32 $0xffff, v16, v3  }
0x62: {  	v12 =	vperm.xlane v13, v4;
	v13, v16, _ =	vpop (xrf1);
	(xrf1) =	vsort.dscd.msk.f32 $0xffff, v14, v0;
	v11 =	vperm.xlane v17, v4  }
0x63: {  	v20 =	vperm.xlane v20, v4;
	v14, v17, _ =	vpop (xrf1);
	(xrf1) =	vsort.dscd.msk.f32 $0xffff, v19, v2;
	v19 =	vnsel vm0, $0xFF800000, v15  }
0x64: {  	v18 =	vperm.xlane v18, v4;
	v12 =	vsel vm0, v14, v12;
	v14, v21, _ =	vpop (xrf1);
	(xrf0) =	vmax.scan.msk.f32 $0xffff, v19;
	v11 =	vsel vm0, v17, v11  }
0x65: {  	v14 =	vperm.xlane v14, v4;
	(xrf1) =	vsort.dscd.msk.f32 $0xffff, v12, v11;
	v11 =	vsel vm0, v16, v20  }
0x66: {  	v17 =	vperm.xlane v21, v4  }
0x67: {  	v13 =	vsel vm0, v13, v18;
	v12, v16, _ =	vpop (xrf1)  }
0x68: {  	s17 =	simm.s32 $0x300;
	(xrf1) =	vsort.dscd.msk.f32 $0xffff, v13, v11;
	v12 =	vsel vm0, v12, v14;
	v13 =	vsel vm0, v16, v17  }
0x69: {  	v14, v11, _ =	vpop (xrf1);
	(xrf1) =	vsort.dscd.msk.f32 $0xffff, v12, v13;
	v13 =	vld [tilespmem:s17+$0x10]  }
0x6a: {  	v17 =	vld [tilespmem:s17+$0x30];
	v16 =	vand.u32 $0xF, v11  }
0x6b: {  	vm1 =	vlt.s32 v11, $0x20;
	v18 =	vperm.xlane v7, v16;
	v12, _, _ =	vpop (xrf0);
	v20 =	vperm.xlane v8, v16  }
0x6c: {  	v19 =	vld [tilespmem:s17+$0x0];
	vm2 =	vlt.s32 v11, $0x30;
	v22 =	vperm.xlane v6, v16;
	v21 =	vbroadcast v12, $0xF;
	v12 =	vpop (erf)  }
0x6d: {  	v24 =	vld [tilespmem:s17+$0x20];
	v16 =	vperm.xlane v5, v16;
	v23 =	vnsel vm0, $0x0, v12;
	v18 =	vsel vm2, v18, v20  }
0x6e: {  	v15 =	vsub.f32 v15, v21;
	(xrf2) =	vadd.scan.msk.f32 $0xffff, v23;
	v13 =	vadd.f32 v13, v6;
	v18 =	vsel vm1, v22, v18  }
0x6f: {  	vm2 =	vlt.s32 v11, $0x10;
	v17 =	vadd.f32 v17, v8  }
0x70: {  	v16 =	vsel vm2, v16, v18;
	v15 =	vmul.f32 $1.442695020e+00, v15  }
0x71: {  	v19 =	vadd.f32 v19, v5;
	(xrf1) =	vsort.dscd.msk.f32 $0xffff, v13, v1;
	v16 =	vsub.f32 v14, v16;
	v18, v20, _ =	vpop (xrf1)  }
0x72: {  	(xrf1) =	vsort.dscd.msk.f32 $0xffff, v17, v3;
	v13, v14, _ =	vpop (xrf1);
	(erf) = vpow2.f32 v15;
	v15 =	vadd.f32 v24, v7  }
0x73: {  	(xrf1) =	vsort.dscd.msk.f32 $0xffff, v19, v0;
	v19 =	vnsel vm0, $0xFF800000, v16;
	v13 =	vperm.xlane v13, v4;
	v17, v21, _ =	vpop (xrf1)  }
0x74: {  	s18 =	simm.s32 $0x380;
	v14 =	vperm.xlane v14, v4;
	(xrf0) =	vmax.scan.msk.f32 $0xffff, v19;
	v19 =	vperm.xlane v20, v4;
	v22, v23, _ =	vpop (xrf1)  }
0x75: {  	v24 =	vld [tilespmem:s18+$0x10];
	(xrf1) =	vsort.dscd.msk.f32 $0xffff, v15, v2;
	v13 =	vsel vm0, v22, v13  }
0x76: {  	v18 =	vperm.xlane v18, v4;
	v22 =	vld [tilespmem:s18+$0x30];
	v14 =	vsel vm0, v23, v14;
	v15, v20, _ =	vpop (xrf1)  }
0x77: {  	v23 =	vperm.xlane v15, v4;
	v20 =	vperm.xlane v20, v4;
	v25, v26, _ =	vpop (xrf1);
	(xrf1) =	vsort.dscd.msk.f32 $0xffff, v13, v14  }
0x78: {  	v17 =	vsel vm0, v17, v18;
	v14 =	vsel vm0, v21, v19;
	v19, _, _ =	vpop (xrf2)  }
0x79: {  	(xrf1) =	vsort.dscd.msk.f32 $0xffff, v17, v14;
	v15, v13, _ =	vpop (xrf1);
	v18 =	vsel vm0, v25, v23;
	v25 =	vsel vm0, v26, v20  }
0x7a: {  	v17 =	vadd.f32 v24, v6;
	v26 =	vbroadcast v19, $0xF;
	v19 =	vld [tilespmem:s18+$0x0];
	v21 =	vand.u32 $0xF, v13;
	(xrf1) =	vsort.dscd.msk.f32 $0xffff, v18, v25  }
0x7b: {  	v20 =	vadd.f32 v22, v8;
	v14, _, _ =	vpop (xrf0);
	v22 =	vld [tilespmem:s18+$0x20];
	v23 =	vperm.xlane v7, v21;
	v24 =	vperm.xlane v8, v21  }
0x7c: {  	s19 =	simm.s32 $0x1000;
	vm1 =	vlt.s32 v13, $0x20;
	v18 =	vbroadcast v14, $0xF;
	v14 =	vpop (erf);
	(erf) = vrcp.f32 v26  }
.LBB2_2:
0x7d: {  	v29 =	vperm.xlane v6, v21  }
0x7e: {  	p0 =	sne.s32 s19, $0xFE00;
	vm2 =	vlt.s32 v13, $0x30;
	v26 =	vnsel vm0, $0x0, v14;
	v21 =	vperm.xlane v5, v21  }
0x7f: {  	v27, v28, _ =	vpop (xrf1);
	v23 =	vsel vm2, v23, v24;
	v16 =	vsub.f32 v16, v18;
	(xrf2) =	vadd.scan.msk.f32 $0xffff, v26;
	v26 =	vadd.f32 v19, v5  }
0x80: {  	vm2 =	vlt.s32 v13, $0x10;
	(xrf1) =	vsort.dscd.msk.f32 $0xffff, v17, v1;
	v17, v19, _ =	vpop (xrf1);
	v23 =	vsel vm1, v29, v23;
	v22 =	vadd.f32 v22, v7  }
0x81: {  	(xrf1) =	vsort.dscd.msk.f32 $0xffff, v20, v3;
	v20 =	vsel vm2, v21, v23;
	v21 =	vmul.f32 $1.442695020e+00, v16;
	v23 =	vperm.xlane v27, v4  }
0x82: {  	v17 =	vperm.xlane v17, v4;
	v24, v25, _ =	vpop (xrf1);
	v16 =	vsub.f32 v15, v20;
	v15 =	vperm.xlane v19, v4  }
0x83: {  	v20 =	vperm.xlane v28, v4;
	(xrf1) =	vsort.dscd.msk.f32 $0xffff, v26, v0;
	v18, v19, _ =	vpop (xrf1);
	(erf) = vpow2.f32 v21  }
0x84: {  	s20 =	sshra.s32 s19, $0x2;
	(xrf1) =	vsort.dscd.msk.f32 $0xffff, v22, v2;
	v26 =	vnsel vm0, $0xFF800000, v16  }
0x85: {  	v23 =	vsel vm0, v24, v23;
	v17 =	vsel vm0, v18, v17;
	v15 =	vsel vm0, v19, v15;
	v22 =	vld [tilespmem:s20+$0x10];
	v18, v19, _ =	vpop (xrf1);
	(xrf0) =	vmax.scan.msk.f32 $0xffff, v26  }
0x86: {  	v24 =	vld [tilespmem:s20+$0x30];
	(xrf1) =	vsort.dscd.msk.f32 $0xffff, v17, v15;
	v26 =	vperm.xlane v18, v4;
	v17 =	vperm.xlane v19, v4;
	v18 =	vpop (erf)  }
0x87: {  	v19 =	vsel vm0, v25, v20;
	v25, v21, _ =	vpop (xrf1);
	v27 =	vmul.f32 v18, v12;
	v18 =	vperm.xlane v9, v4  }
.Ltmp0:
0x88: {  	v9 =	vmov v10;
	(xrf1) =	vsort.dscd.msk.f32 $0xffff, v23, v19;
	v19 =	vsel vm0, v25, v26;
	v17 =	vsel vm0, v21, v17;
	v15, v20, _ =	vpop (xrf1);
	(pc) =	sbr.rel @p0 .LBB2_2-.Ltmp0, $4  }
0x89: {  	v10 =	vmov v11;
	v11 =	vmov v13;
	(xrf1) =	vsort.dscd.msk.f32 $0xffff, v19, v17;
	v23, _, _ =	vpop (xrf2);
	v18 =	vsel vm0, v27, v18  }
0x8a: {  	v12 =	vmovc v14;
	v21 =	vand.u32 $0xF, v20;
	v13 =	vmovc v20;
	v19 =	vld [tilespmem:s20+$0x0];
	v17 =	vadd.f32 v22, v6;
	v25 =	vbroadcast v23, $0xF;
	[tilespmem:s11+$0x4000] =	vst v18;
	s11 =	smov.u32 s12;
	s12 =	smov.u32 s13;
	s13 =	smov.u32 s14  }
0x8b: {  	v23 =	vperm.xlane v7, v21;
	s14 =	smov.u32 s15;
	s15 =	smov.u32 s16;
	s16 =	smov.u32 s17;
	v22 =	vld [tilespmem:s20+$0x20];
	v20 =	vadd.f32 v24, v8;
	v24 =	vperm.xlane v8, v21;
	v14, _, _ =	vpop (xrf0)  }
0x8c: {  	s19 =	sadd.s32 $0x200, s19;
	vm1 =	vlt.s32 v13, $0x20;
	s17 =	smov.u32 s18;
	s18 =	smov.u32 s20;
	v18 =	vbroadcast v14, $0xF;
	v14 =	vpop (erf);
	(erf) = vrcp.f32 v25  }
0x8d: {  	_ = 	snop  }
0x8e: {  	v25 =	vperm.xlane v6, v21  }
0x8f: {  	vm2 =	vlt.s32 v13, $0x30;
	v30 =	vperm.xlane v5, v21;
	(xrf1) =	vsort.dscd.msk.f32 $0xffff, v17, v1;
	v19 =	vadd.f32 v19, v5  }
0x90: {  	v31 =	vsel vm2, v23, v24;
	(xrf1) =	vsort.dscd.msk.f32 $0xffff, v20, v3;
	v22 =	vadd.f32 v22, v7  }
0x91: {  	vm2 =	vlt.s32 v13, $0x10;
	v17 =	vsel vm1, v25, v31;
	(xrf1) =	vsort.dscd.msk.f32 $0xffff, v19, v0  }
0x92: {  	v33, v32, _ =	vpop (xrf1);
	v17 =	vsel vm2, v30, v17;
	(xrf1) =	vsort.dscd.msk.f32 $0xffff, v22, v2  }
0x93: {  	v34, v35, _ =	vpop (xrf1);
	v17 =	vsub.f32 v15, v17  }
0x94: {  	v21 =	vperm.xlane v34, v4;
	v37, v36, _ =	vpop (xrf1);
	v19 =	vperm.xlane v33, v4  }
0x95: {  	v38 =	vnsel vm0, $0x0, v14;
	v22 =	vperm.xlane v35, v4;
	v39, v26, _ =	vpop (xrf1);
	v27 =	vnsel vm0, $0xFF800000, v17  }
0x96: {  	v20 =	vperm.xlane v32, v4;
	v21 =	vsel vm0, v39, v21;
	v15 =	vsel vm0, v37, v19;
	v40, v28, _ =	vpop (xrf1);
	(xrf0) =	vmax.scan.msk.f32 $0xffff, v27  }
0x97: {  	(xrf2) =	vadd.scan.msk.f32 $0xffff, v38;
	v22 =	vsel vm0, v26, v22;
	v41 =	vperm.xlane v40, v4;
	v42 =	vperm.xlane v28, v4  }
0x98: {  	v43 =	vsel vm0, v36, v20;
	(xrf1) =	vsort.dscd.msk.f32 $0xffff, v21, v22;
	v45, v44, _ =	vpop (xrf1)  }
0x99: {  	(xrf1) =	vsort.dscd.msk.f32 $0xffff, v15, v43;
	v46 =	vsel vm0, v45, v41;
	v47 =	vsel vm0, v44, v42  }
0x9a: {  	v16 =	vsub.f32 v16, v18;
	(xrf1) =	vsort.dscd.msk.f32 $0xffff, v46, v47  }
0x9b: {  	v19, v15, _ =	vpop (xrf1)  }
0x9c: {  	v16 =	vmul.f32 $1.442695020e+00, v16;
	v48, _, _ =	vpop (xrf0)  }
0x9d: {  	v49, v50, _ =	vpop (xrf1)  }
0x9e: {  	(erf) = vpow2.f32 v16;
	v51, v52, _ =	vpop (xrf1)  }
0x9f: {  	v22 =	vperm.xlane v51, v4;
	v23 =	vperm.xlane v52, v4;
	v53, v54, _ =	vpop (xrf1)  }
0xa0: {  	v18 =	vbroadcast v48, $0xF;
	v20 =	vperm.xlane v49, v4;
	v56, v55, _ =	vpop (xrf1)  }
0xa1: {  	v21 =	vperm.xlane v50, v4;
	v22 =	vsel vm0, v56, v22;
	v23 =	vsel vm0, v55, v23  }
0xa2: {  	v57, _, _ =	vpop (xrf2);
	v17 =	vsub.f32 v17, v18;
	(xrf1) =	vsort.dscd.msk.f32 $0xffff, v22, v23  }
0xa3: {  	v16 =	vbroadcast v57, $0xF;
	v58 =	vsel vm0, v53, v20;
	v59 =	vsel vm0, v54, v21  }
0xa4: {  	v60 =	vand.u32 $0xF, v15;
	v17 =	vmul.f32 $1.442695020e+00, v17;
	(xrf1) =	vsort.dscd.msk.f32 $0xffff, v58, v59  }
0xa5: {  	v26 =	vpop (erf);
	v61 =	vperm.xlane v7, v60;
	(erf) = vrcp.f32 v16  }
0xa6: {  	v62 =	vperm.xlane v8, v60;
	(erf) = vpow2.f32 v17;
	v32, v63, _ =	vpop (xrf1)  }
0xa7: {  	vm1 =	vlt.s32 v15, $0x30;
	v33 =	vperm.xlane v6, v60;
	v34, v35, _ =	vpop (xrf1)  }
0xa8: {  	vm2 =	vlt.s32 v15, $0x20;
	v18 =	vsel vm1, v61, v62;
	v21 =	vperm.xlane v5, v60;
	v36, v16, _ =	vpop (xrf1)  }
0xa9: {  	v28 =	vpop (erf);
	vm1 =	vlt.s32 v15, $0x10;
	v18 =	vsel vm2, v33, v18;
	v37 =	vand.u32 $0xF, v16  }
0xaa: {  	v40 =	vnsel vm0, $0x0, v28;
	v18 =	vsel vm1, v21, v18;
	v38 =	vperm.xlane v7, v37  }
0xab: {  	v18 =	vsub.f32 v19, v18;
	v39 =	vperm.xlane v8, v37;
	v22 =	vperm.xlane v5, v37  }
0xac: {  	v17 =	vperm.xlane v32, v4;
	vm1 =	vlt.s32 v16, $0x30;
	v41 =	vperm.xlane v6, v37  }
0xad: {  	v20 =	vperm.xlane v63, v4;
	v21 =	vsel vm1, v38, v39;
	vm1 =	vlt.s32 v16, $0x20  }
0xae: {  	(xrf2) =	vadd.scan.msk.f32 $0xffff, v40;
	v27 =	vpop (erf);
	v42 =	vnsel vm0, $0xFF800000, v18;
	v21 =	vsel vm1, v41, v21;
	vm1 =	vlt.s32 v16, $0x10  }
0xaf: {  	(xrf0) =	vmax.scan.msk.f32 $0xffff, v42;
	v17 =	vsel vm0, v34, v17;
	v43 =	vsel vm0, v35, v20;
	v21 =	vsel vm1, v22, v21;
	v22 =	vpop (erf)  }
0xb0: {  	(xrf1) =	vsort.dscd.msk.f32 $0xffff, v17, v43;
	v44 =	vsub.f32 v36, v21;
	v46, v45, _ =	vpop (xrf1)  }
0xb1: {  	v47 =	vnsel vm0, $0x0, v22;
	v48 =	vperm.xlane v46, v4;
	v49 =	vperm.xlane v45, v4  }
0xb2: {  	(xrf2) =	vadd.scan.msk.f32 $0xffff, v47;
	v50 =	vnsel vm0, $0xFF800000, v44;
	v52, v51, _ =	vpop (xrf1)  }
0xb3: {  	(xrf0) =	vmax.scan.msk.f32 $0xffff, v50;
	v53 =	vsel vm0, v52, v48;
	v54 =	vsel vm0, v51, v49  }
0xb4: {  	(xrf1) =	vsort.dscd.msk.f32 $0xffff, v53, v54;
	_ =	sdelay $0x1  }
0xb5: {  	v55, _, _ =	vpop (xrf0)  }
0xb6: {  	v17 =	vbroadcast v55, $0xF;
	_ =	sdelay $0x1  }
0xb7: {  	v57, _, _ =	vpop (xrf2);
	v17 =	vsub.f32 v18, v17  }
0xb8: {  	v59 =	vbroadcast v57, $0xF;
	v56, _, _ =	vpop (xrf0)  }
0xb9: {  	v17 =	vmul.f32 $1.442695020e+00, v17;
	v58 =	vbroadcast v56, $0xF  }
0xba: {  	(erf) = vrcp.f32 v59  }
0xbb: {  	(erf) = vpow2.f32 v17;
	v60, _, _ =	vpop (xrf2);
	v18 =	vsub.f32 v44, v58  }
0xbc: {  	v63, v20, _ =	vpop (xrf1);
	v61 =	vbroadcast v60, $0xF  }
0xbd: {  	v29 =	vand.u32 $0xF, v20;
	v62 =	vmul.f32 $1.442695020e+00, v18  }
0xbe: {  	v30 =	vperm.xlane v7, v29;
	(erf) = vrcp.f32 v61  }
0xbf: {  	v31 =	vperm.xlane v8, v29;
	(erf) = vpow2.f32 v62  }
0xc0: {  	vm1 =	vlt.s32 v20, $0x20;
	vm2 =	vlt.s32 v20, $0x30;
	v32 =	vperm.xlane v6, v29;
	v34, v33, _ =	vpop (xrf1)  }
0xc1: {  	v19 =	vperm.xlane v5, v29;
	v17 =	vsel vm2, v30, v31;
	v35 =	vand.u32 $0xF, v33  }
0xc2: {  	vm2 =	vlt.s32 v20, $0x10;
	v7 =	vperm.xlane v7, v35;
	v36 =	vperm.xlane v8, v35  }
0xc3: {  	v37 =	vpop (erf);
	v17 =	vsel vm1, v32, v17;
	vm1 =	vlt.s32 v33, $0x30;
	v6 =	vperm.xlane v6, v35  }
0xc4: {  	v17 =	vsel vm2, v19, v17;
	v38 =	vpop (erf);
	vm2 =	vlt.s32 v33, $0x20;
	v7 =	vsel vm1, v7, v36  }
0xc5: {  	v5 =	vperm.xlane v5, v35;
	v6 =	vsel vm2, v6, v7;
	v7 =	vnsel vm0, $0x0, v38  }
0xc6: {  	v17 =	vsub.f32 v63, v17;
	vm1 =	vlt.s32 v33, $0x10  }
0xc7: {  	v39 =	vpop (erf);
	v5 =	vsel vm1, v5, v6  }
0xc8: {  	(xrf2) =	vadd.scan.msk.f32 $0xffff, v7;
	v6 =	vnsel vm0, $0xFF800000, v17;
	v5 =	vsub.f32 v34, v5;
	v7 =	vpop (erf)  }
0xc9: {  	(xrf0) =	vmax.scan.msk.f32 $0xffff, v6;
	v6 =	vnsel vm0, $0x0, v7  }
0xca: {  	(xrf2) =	vadd.scan.msk.f32 $0xffff, v6;
	v6 =	vnsel vm0, $0xFF800000, v5  }
0xcb: {  	(xrf0) =	vmax.scan.msk.f32 $0xffff, v6;
	_ =	sdelay $0x3  }
0xcc: {  	v6, _, _ =	vpop (xrf0)  }
0xcd: {  	v6 =	vbroadcast v6, $0xF  }
0xce: {  	v40, _, _ =	vpop (xrf0)  }
0xcf: {  	v41, _, _ =	vpop (xrf2);
	v6 =	vsub.f32 v17, v6;
	v42 =	vbroadcast v40, $0xF  }
0xd0: {  	v43 =	vbroadcast v41, $0xF  }
0xd1: {  	v6 =	vmul.f32 $1.442695020e+00, v6;
	v44, _, _ =	vpop (xrf2);
	v5 =	vsub.f32 v5, v42  }
0xd2: {  	(erf) = vrcp.f32 v43;
	v45 =	vbroadcast v44, $0xF  }
0xd3: {  	(erf) = vpow2.f32 v6;
	v5 =	vmul.f32 $1.442695020e+00, v5  }
0xd4: {  	(erf) = vrcp.f32 v45  }
0xd5: {  	(erf) = vpow2.f32 v5;
	_ =	sdelay $0x5  }
0xd6: {  	v5 =	vpop (erf)  }
0xd7: {  	v6 =	vpop (erf)  }
0xd8: {  	v17 =	vpop (erf)  }
0xd9: {  	v46 =	vnsel vm0, $0x0, v6;
	v47 =	vpop (erf)  }
0xda: {  	(xrf2) =	vadd.scan.msk.f32 $0xffff, v46;
	v48 =	vnsel vm0, $0x0, v47  }
0xdb: {  	(xrf2) =	vadd.scan.msk.f32 $0xffff, v48;
	_ =	sdelay $0x8  }
0xdc: {  	v49, _, _ =	vpop (xrf2)  }
0xdd: {  	v21 =	vbroadcast v49, $0xF;
	v50, _, _ =	vpop (xrf2)  }
0xde: {  	v24 =	vbroadcast v50, $0xF  }
0xdf: {  	(erf) = vrcp.f32 v21  }
0xe0: {  	(erf) = vrcp.f32 v24;
	_ =	sdelay $0x2  }
0xe1: {  	v9 =	vperm.xlane v9, v4;
	v12 =	vmul.f32 v26, v12  }
0xe2: {  	v10 =	vperm.xlane v10, v4;
	v51 =	vmul.f32 v27, v14  }
0xe3: {  	v11 =	vperm.xlane v11, v4;
	v9 =	vsel vm0, v12, v9;
	v52 =	vmul.f32 v37, v28  }
0xe4: {  	[tilespmem:s11+$0x4000] =	vst v9;
	v55 =	vperm.xlane v13, v4;
	v53 =	vsel vm0, v51, v10;
	v54 =	vmul.f32 v39, v22  }
0xe5: {  	v57 =	vperm.xlane v15, v4;
	[tilespmem:s12+$0x4000] =	vst v53;
	v56 =	vsel vm0, v52, v11;
	v5 =	vmul.f32 v5, v38  }
0xe6: {  	v59 =	vperm.xlane v16, v4;
	[tilespmem:s13+$0x4000] =	vst v56;
	v58 =	vsel vm0, v54, v55;
	v7 =	vmul.f32 v17, v7;
	v60 =	vpop (erf)  }
0xe7: {  	v61 =	vperm.xlane v20, v4;
	[tilespmem:s14+$0x4000] =	vst v58;
	v5 =	vsel vm0, v5, v57;
	v6 =	vmul.f32 v60, v6;
	v62 =	vpop (erf)  }
0xe8: {  	v63 =	vperm.xlane v33, v4;
	[tilespmem:s15+$0x4000] =	vst v5;
	v5 =	vsel vm0, v7, v59;
	v7 =	vmul.f32 v62, v47  }
0xe9: {  	s10 =	sadd.s32 $0x1, s10;
	[tilespmem:s16+$0x4000] =	vst v5;
	v5 =	vsel vm0, v6, v61  }
0xea: {  	p0 =	sne.s32 s10, s6;
	[tilespmem:s17+$0x4000] =	vst v5;
	v5 =	vsel vm0, v7, v63  }
.Ltmp1:
0xeb: {  	[tilespmem:s18+$0x4000] =	vst v5;
	(pc) =	sbr.rel @p0 .LBB2_1-.Ltmp1, $4  }
0xec: {  	[hbm4b:s5+s3] =	stream.linear.scatter [tilespmem:s9], [sflag:$0x1], $0x4000, $0x38;
	[tilespmem:$0x8080] =	vst v63  }
0xed: {  	_ =	swait.ge [sflag:s8], $0x4000  }
0xee: {  	[sflag:s8] =	ssyncset.done $0x0  }
0xef: {  	[sflag:s8] =	ssyncadd.s32 $0xFFFFC000  }
0xf0: {  	_ =	sfence.sel $0x180000  }
0xf1: {  	[bflag:$0x0] =	sbarrier.arrive $0xFFFF  }
0xf2: {  	p0 =	sne.s32 s1, $0x0;
	_ =	strace $0x9000004D  }
0xf3: {  	s0 =	sadd.s32 @!p0 $0x100000, s0;
	[bflag:$0x2] =	sbarrier.arrive $0xFFFF  }
0xf4: {  	[sflag:s0] =	ssyncadd.tile.s32 @!p0 $0x1;
	_ =	shalt  }
.Lfunc_end2:
_tile_overlayer_lowered:
.L_overlay_start_2:
0xf5: {  	(tag) =	ssettag $0x2  }
0xf6: {  	s0 =	rddreg [dreg:$0x0];
	s2 =	stileid.u32  }
0xf7: {  	s1 =	rddreg [dreg:$0x1];
	p0 =	sne.s32 s2, $0x0  }
0xf8: {  	s3 =	rddreg [dreg:$0x2];
	[bflag:$0x3] =	sbarrier.arrive $0xFFFF;
	s2 =	simm.s32 @!p0 $0x1C01  }
0xf9: {  	[timem:s3], [sflag:s2] =	dma.local @!p0 [hbm:s0], s1  }
0xfa: {  	s0 =	simm.s32 @!p0 $0x1  }
0xfb: {  	_ =	swait.ge @!p0 [sflag:s0], s1  }
0xfc: {  	s1 =	ssub.s32 @!p0 $0x0, s1;
	[sflag:s0] =	ssyncset.done @!p0 $0x0  }
0xfd: {  	[sflag:s0] =	ssyncadd.s32 @!p0 s1  }
0xfe: {  	[bflag:$0x3] =	sbarrier.arrive $0xFFFF  }
0xff: {  	_ =	shalt  }

</sc_bundles>
